<compile_context>
chip_gen: v7x
topology: tpu7x:2x2x1
jax: 0.10.2.dev20260603
libtpu: 0.0.44.dev20260713+nightly
codegen_flags: <defaults>
</compile_context>

<pallas_src>
import jax
import jax.numpy as jnp
from jax.experimental import pallas as pl
from jax.experimental.pallas import tpu as pltpu
from jax.experimental.pallas import tpu_sc as plsc

B, L, D_MODEL = 4, 2048, 128
D_INNER, D_STATE, DT_RANK = 256, 16, 8
NODES = 1920
ZPADX = 8
GWIN = 128
NIDX = B * 4 * NODES


def _sc_gather(table, adj):
    nidx = adj.shape[1]
    mesh = plsc.VectorSubcoreMesh(core_axis_name="core",
                                  subcore_axis_name="subcore")

    @pl.kernel(out_type=jax.ShapeDtypeStruct((nidx, D_MODEL), jnp.float32),
               mesh=mesh)
    def kern(tab_hbm, i_hbm, o_hbm):
        def body(i_vmem, o_vmem):
            pltpu.sync_copy(tab_hbm.at[i_vmem.at[0]], o_vmem)

        pltpu.emit_pipeline(
            body,
            grid=(nidx // GWIN,),
            in_specs=[pl.BlockSpec((1, GWIN), lambda i: (0, i))],
            out_specs=[pl.BlockSpec((GWIN, D_MODEL), lambda i: (i, 0))],
            core_axis_name=("core", "subcore"),
            dimension_semantics=(pltpu.PARALLEL,),
        )(i_hbm, o_hbm)

    return kern(table, adj)


def _silu(v):
    return v * jax.nn.sigmoid(v)


def _softplus(v):
    return jnp.maximum(v, 0.0) + jnp.log1p(jnp.exp(-jnp.abs(v)))


def _tree_body(gl_ref, g2_ref, g1_ref, g0_ref,
               xl_ref, x2_ref, x1_ref, x0_ref,
               w2_ref, xpw_ref, dtw_ref, dtb_ref, ws_ref, cb_ref,
               alog_ref, dpar_ref, lavg_ref, opw_ref, y_ref):
    dtb = dtb_ref[...]
    cb = cb_ref[...]
    dpar = dpar_ref[...]

    def level(g, xblk, ssm_in):
        xconv = cb + jax.lax.dot_general(
            g, ws_ref[...], (((1,), (0,)), ((), ())),
            preferred_element_type=jnp.float32)
        lx = _silu(xconv)
        lz = jax.lax.dot_general(xblk, w2_ref[...], (((1,), (1,)), ((), ())),
                                 preferred_element_type=jnp.float32)
        x_db = jax.lax.dot_general(lx, xpw_ref[...], (((1,), (1,)), ((), ())),
                                   preferred_element_type=jnp.float32)
        dt = _softplus(jnp.dot(x_db[:, 0:DT_RANK], dtw_ref[...],
                               preferred_element_type=jnp.float32) + dtb)
        lxdt16 = (lx * dt).astype(jnp.bfloat16)
        dt16 = dt.astype(jnp.bfloat16)
        xdb16 = x_db.astype(jnp.bfloat16)
        yv = dpar * lx
        new_ssm = []
        for k in range(D_STATE):
            a_k = (-jnp.exp(alog_ref[k:k + 1, :])).astype(jnp.bfloat16)
            dA = jnp.exp(dt16 * a_k)
            bcol = xdb16[:, DT_RANK + k:DT_RANK + k + 1]
            ccol = xdb16[:, DT_RANK + D_STATE + k:DT_RANK + D_STATE + k + 1]
            s = lxdt16 * bcol
            if ssm_in is not None:
                s = ssm_in[k] * dA + s
            yv = yv + (s * ccol).astype(jnp.float32)
            new_ssm.append(s)
        yv = yv * _silu(lz)
        out = jax.lax.dot_general(yv, opw_ref[...], (((1,), (1,)), ((), ())),
                                  preferred_element_type=jnp.float32)
        return out, new_ssm

    def combine(ssm_list):
        parents = []
        for k in range(D_STATE):
            c = ssm_list[k]
            p = c.shape[0] // 2
            c2 = c.reshape(p, 2 * D_INNER)
            la = lavg_ref[k:k + 1, :].astype(jnp.bfloat16)
            parents.append(la * c2[:, :D_INNER]
                           + (jnp.bfloat16(1.0) - la) * c2[:, D_INNER:])
        return parents

    out, ssm = level(gl_ref[0], xl_ref[0], None)
    y_ref[0, 0:1024, :] = out
    out, ssm = level(g2_ref[0], x2_ref[0], combine(ssm))
    y_ref[0, 1024:1536, :] = out
    out, ssm = level(g1_ref[0], x1_ref[0], combine(ssm))
    y_ref[0, 1536:1792, :] = out
    out, ssm = level(g0_ref[0], x0_ref[0], combine(ssm))
    y_ref[0, 1792:1920, :] = out
    y_ref[0, 1920:2048, :] = jnp.zeros((128, D_MODEL), jnp.float32)


def _tree_call(g4, x, w2, xpw, dtw_t, dtb, wstack, cb, alog_t, dpar, lavg_t,
               opw, interpret=False):
    gw = 4 * D_MODEL
    full = lambda a: pl.BlockSpec(a.shape, lambda b: (0,) * a.ndim)
    return pl.pallas_call(
        _tree_body,
        grid=(g4.shape[0],),
        in_specs=[
            pl.BlockSpec((1, 1024, gw), lambda b: (b, 0, 0)),
            pl.BlockSpec((1, 512, gw), lambda b: (b, 2, 0)),
            pl.BlockSpec((1, 256, gw), lambda b: (b, 6, 0)),
            pl.BlockSpec((1, 128, gw), lambda b: (b, 14, 0)),
            pl.BlockSpec((1, 1024, D_MODEL), lambda b: (b, 0, 0)),
            pl.BlockSpec((1, 512, D_MODEL), lambda b: (b, 2, 0)),
            pl.BlockSpec((1, 256, D_MODEL), lambda b: (b, 6, 0)),
            pl.BlockSpec((1, 128, D_MODEL), lambda b: (b, 14, 0)),
            full(w2), full(xpw), full(dtw_t), full(dtb), full(wstack),
            full(cb), full(alog_t), full(dpar), full(lavg_t), full(opw),
        ],
        out_specs=pl.BlockSpec((1, L, D_MODEL), lambda b: (b, 0, 0)),
        out_shape=jax.ShapeDtypeStruct((g4.shape[0], L, D_MODEL),
                                       jnp.float32),
        interpret=interpret,
    )(g4, g4, g4, g4, x, x, x, x, w2, xpw, dtw_t, dtb, wstack, cb, alog_t,
      dpar, lavg_t, opw)


def kernel(x, in_proj_w, conv_w, conv_b, x_proj_w, dt_w, dt_b, A_log,
           D_param, out_proj_w, learned_avg, idx0, idx1, idx2, idx3,
           st0, st1, st2, conv_indices):
    w1 = in_proj_w[:D_INNER]
    w2 = in_proj_w[D_INNER:]
    wstack = jnp.concatenate(
        [w1.T * conv_w[:, k][None, :] for k in range(4)], axis=0)

    xpad = jnp.pad(x.reshape(B * L, D_MODEL), ((ZPADX, 0), (0, 0)))

    ci = conv_indices[:, :4 * NODES]
    offs = (jnp.arange(B, dtype=jnp.int32) * L)[:, None]
    adj = jnp.where(ci == 0, 0, ci + offs + (ZPADX - 1)).reshape(1, NIDX)

    g = _sc_gather(xpad, adj)
    g4 = g.reshape(B, NODES, 4 * D_MODEL)

    return _tree_call(
        g4, x, w2, x_proj_w, dt_w.T, dt_b[None, :], wstack, conv_b[None, :],
        A_log.T, D_param[None, :], learned_avg.T, out_proj_w)

# --- scband reference (transcript-rebuilt; emitter-appended) ---
"""Pipeline reference for scband-tree-mamba-90383291777361 (READ-ONLY COPY).

The authoritative reference and input builder live on the scoring server;
editing this copy changes nothing except your own understanding.
"""

import jax, jax.numpy as jnp
import numpy as np

B, L, D_MODEL = 4, 2048, 128
D_INNER, D_STATE, DT_RANK = 256, 16, 8
PER = [128, 256, 512, 1024]
STARTS = [1792, 1536, 1024, 0]


def _make_indices():
    idxs = []
    for l in range(4):
        n = PER[l]
        s = STARTS[l]
        bb = np.repeat(np.arange(B), n)
        pp = np.tile(np.arange(n) + s, B)
        idxs.append(jnp.asarray(np.stack([bb, pp], 1), dtype=jnp.int32))
    sts = []
    for l in range(3):
        n = PER[l]
        nc = PER[l + 1]
        bb = np.repeat(np.arange(B), n)
        ii = np.tile(np.arange(n), B)
        left = bb * nc + 2 * ii + 1
        right = bb * nc + 2 * ii + 2
        sts.append(jnp.asarray(np.stack([left, right], 1), dtype=jnp.int32))
    return idxs, sts


def setup_inputs(seed: int = 0):
    key = jax.random.key(seed)
    ks = jax.random.split(key, 12)
    x = jax.random.normal(ks[0], (B, L, D_MODEL), dtype=jnp.float32)
    conv_indices = jax.random.randint(ks[1], (B, 4 * L), 0, L + 1, dtype=jnp.int32)
    idxs, sts = _make_indices()
    in_proj_w = jax.random.normal(ks[2], (2 * D_INNER, D_MODEL), dtype=jnp.float32) * (D_MODEL ** -0.5)
    conv_w = jax.random.normal(ks[3], (D_INNER, 4), dtype=jnp.float32) * 0.5
    conv_b = jnp.zeros((D_INNER,), dtype=jnp.float32)
    x_proj_w = jax.random.normal(ks[4], (DT_RANK + 2 * D_STATE, D_INNER), dtype=jnp.float32) * (D_INNER ** -0.5)
    std = DT_RANK ** -0.5
    dt_w = jax.random.uniform(ks[5], (D_INNER, DT_RANK), minval=-std, maxval=std, dtype=jnp.float32)
    dt = jnp.exp(jax.random.uniform(ks[6], (D_INNER,), dtype=jnp.float32) * (np.log(0.1) - np.log(0.001)) + np.log(0.001))
    dt = jnp.clip(dt, 1e-4, None)
    dt_b = dt + jnp.log(-jnp.expm1(-dt))
    A_log = jnp.log(jnp.broadcast_to(jnp.arange(1, D_STATE + 1, dtype=jnp.float32)[None, :], (D_INNER, D_STATE)))
    D_param = jnp.ones((D_INNER,), dtype=jnp.float32)
    out_proj_w = jax.random.normal(ks[7], (D_MODEL, D_INNER), dtype=jnp.float32) * (D_INNER ** -0.5)
    learned_avg = jnp.full((D_INNER, D_STATE), 0.5, dtype=jnp.float32)
    return {"x": x, "in_proj_w": in_proj_w, "conv_w": conv_w, "conv_b": conv_b,
            "x_proj_w": x_proj_w, "dt_w": dt_w, "dt_b": dt_b, "A_log": A_log,
            "D_param": D_param, "out_proj_w": out_proj_w, "learned_avg": learned_avg,
            "idx0": idxs[0], "idx1": idxs[1], "idx2": idxs[2], "idx3": idxs[3],
            "st0": sts[0], "st1": sts[1], "st2": sts[2], "conv_indices": conv_indices}


def _silu(v):
    return v * jax.nn.sigmoid(v)


def reference(x, in_proj_w, conv_w, conv_b, x_proj_w, dt_w, dt_b, A_log, D_param, out_proj_w, learned_avg, idx0, idx1, idx2, idx3, st0, st1, st2, conv_indices):
    b, l, d = x.shape
    d_inner = A_log.shape[0]
    d_state = A_log.shape[1]
    dt_rank = dt_w.shape[1]
    xz = jnp.einsum('bld,ed->bel', x, in_proj_w)
    xc = xz[:, :d_inner, :]
    z = xz[:, d_inner:, :]
    xp = jnp.pad(xc, ((0, 0), (0, 0), (1, 0)))
    ci = jnp.broadcast_to(conv_indices[:, None, :], (b, d_inner, conv_indices.shape[1]))
    g = jnp.take_along_axis(xp, ci, axis=2)
    g = g.reshape(b, d_inner, l, 4)
    xconv = jnp.einsum('bdlk,dk->bdl', g, conv_w) + conv_b[None, :, None]
    xa = _silu(xconv)

    A = -jnp.exp(A_log.astype(jnp.float32))

    def step(lx, lz, ssm):
        x_db = lx @ x_proj_w.T
        dt = x_db[:, :dt_rank]
        Bm = x_db[:, dt_rank:dt_rank + d_state]
        Cm = x_db[:, dt_rank + d_state:]
        dt = dt @ dt_w.T
        dt = jax.nn.softplus(dt + dt_b)
        dA = jnp.exp(dt[:, :, None] * A[None])
        dB = dt[:, :, None] * Bm[:, None, :]
        ssm = ssm * dA + lx[:, :, None] * dB
        yv = jnp.einsum('ndk,nk->nd', ssm, Cm) + D_param * lx
        yv = yv * _silu(lz)
        return yv @ out_proj_w.T, ssm

    y = jnp.zeros((b, l, d), dtype=x.dtype)
    indices_list = [idx0, idx1, idx2, idx3]
    state_list = [st0, st1, st2]
    idx = indices_list[-1]
    ssm = jnp.zeros((idx.shape[0], d_inner, d_state), dtype=jnp.float32)
    lx = xa[idx[:, 0], :, idx[:, 1]]
    lz = z[idx[:, 0], :, idx[:, 1]]
    out, ssm = step(lx, lz, ssm)
    y = y.at[idx[:, 0], idx[:, 1], :].set(out)
    for level in (2, 1, 0):
        st = state_list[level]
        idx = indices_list[level]
        ssm_pad = jnp.pad(ssm, ((1, 0), (0, 0), (0, 0)))
        left = ssm_pad[st[:, 0]]
        right = ssm_pad[st[:, 1]]
        ssm = learned_avg * left + (1.0 - learned_avg) * right
        lx = xa[idx[:, 0], :, idx[:, 1]]
        lz = z[idx[:, 0], :, idx[:, 1]]
        out, ssm = step(lx, lz, ssm)
        y = y.at[idx[:, 0], idx[:, 1], :].set(out)
    return y

if __name__ == "__main__":
    import jax
    _d = setup_inputs()
    print(jax.jit(kernel)(*tuple(_d.values())))

</pallas_src>

<mosaic_0001>
#map = affine_map<(d0, d1) -> (0, 0)>
module attributes {stable_mosaic.version = 14 : i64} {
  func.func @kern(%arg0: i32, %arg1: i32, %arg2: memref<8200x128xf32, #tpu.memory_space<hbm>>, %arg3: memref<1x30720xi32, #tpu.memory_space<hbm>>, %arg4: memref<30720x128xf32, #tpu.memory_space<hbm>>) attributes {dimension_semantics = [#tpu.dimension_semantics<core_parallel>, #tpu.dimension_semantics<subcore_parallel>], iteration_bounds = array<i64: 2, 16>, scalar_prefetch = 0 : i64, scratch_operands = 0 : i64, tpu.core_type = #tpu.core_type<sc_vector_subcore>, window_params = [{transform_indices = #map}, {transform_indices = #map}, {transform_indices = #map}]} {
    %mul3A = arith.constant 1 : i32
    %mul3A_0 = arith.muli %arg1, %mul3A : i32
    %add3A = arith.constant 0 : i32
    %add3A_1 = arith.addi %add3A, %mul3A_0 : i32
    %mul3A_2 = arith.constant 16 : i32
    %mul3A_3 = arith.muli %arg0, %mul3A_2 : i32
    %add3A_4 = arith.addi %add3A_1, %mul3A_3 : i32
    %lt3A = arith.constant 16 : i32
    %lt3A_5 = arith.cmpi slt, %add3A_4, %lt3A : i32
    %jit3A = arith.constant 8 : i32
    %jit3A_6 = arith.constant 7 : i32
    %select_n3A = arith.select %lt3A_5, %jit3A, %jit3A_6 : i32
    %lt3A_7 = arith.constant 16 : i32
    %lt3A_8 = arith.cmpi slt, %add3A_4, %lt3A_7 : i32
    %mul3A_9 = arith.muli %add3A_4, %select_n3A : i32
    %mul3A_10 = arith.constant 7 : i32
    %mul3A_11 = arith.muli %add3A_4, %mul3A_10 : i32
    %add3A_12 = arith.constant 16 : i32
    %add3A_13 = arith.addi %mul3A_11, %add3A_12 : i32
    %select_n3A_14 = arith.select %lt3A_8, %mul3A_9, %add3A_13 : i32
    %mul3A_15 = arith.constant 1 : i32
    %mul3A_16 = arith.muli %mul3A_15, %select_n3A : i32
    "tpu.region"() ({
      %run_scoped3A = memref.alloca() : memref<2x1x128xi32, #tpu.memory_space<vmem>>
      %run_scoped3A_17 = tpu.sem_alloc : memref<2x!tpu.dma_semaphore, #tpu.memory_space<semaphore_mem>>
      %run_scoped3A_18 = memref.alloca() : memref<2x128x128xf32, #tpu.memory_space<vmem>>
      %run_scoped3A_19 = tpu.sem_alloc : memref<2x!tpu.dma_semaphore, #tpu.memory_space<semaphore_mem>>
      %gt3A = arith.constant 0 : i32
      %gt3A_20 = arith.cmpi sgt, %mul3A_16, %gt3A : i32
      %convert_element_type3A = arith.extui %gt3A_20 : i1 to i32
      %cond3A = arith.constant 0 : i32
      %cond3A_21 = arith.cmpi ne, %convert_element_type3A, %cond3A : i32
      scf.if %cond3A_21 {
        %mul3A_22 = arith.constant 1 : i32
        %mul3A_23 = arith.muli %mul3A_22, %select_n3A : i32
        %sub3A = arith.constant 1 : i32
        %sub3A_24 = arith.subi %mul3A_23, %sub3A : i32
        %eq3A = arith.constant 0 : i32
        %eq3A_25 = arith.cmpi eq, %sub3A_24, %eq3A : i32
        %add3A_26 = arith.constant 0 : i32
        %add3A_27 = arith.addi %add3A_26, %select_n3A_14 : i32
        %select_n3A_28 = arith.constant true
        %select_n3A_29 = arith.constant 0 : i32
        %select_n3A_30 = arith.constant -1 : i32
        %select_n3A_31 = arith.select %select_n3A_28, %select_n3A_30, %select_n3A_29 : i32
        %eq3A_32 = arith.constant -1 : i32
        %eq3A_33 = arith.cmpi eq, %select_n3A_31, %eq3A_32 : i32
        %sub3A_34 = arith.constant 1 : i32
        %sub3A_35 = arith.subi %select_n3A, %sub3A_34 : i32
        %select_n3A_36 = arith.select %eq3A_33, %sub3A_35, %select_n3A_31 : i32
        %add3A_37 = arith.addi %select_n3A_36, %select_n3A_14 : i32
        %select_n3A_38 = arith.constant true
        %select_n3A_39 = arith.constant 0 : i32
        %select_n3A_40 = arith.constant 1 : i32
        %select_n3A_41 = arith.select %select_n3A_38, %select_n3A_40, %select_n3A_39 : i32
        %eq3A_42 = arith.cmpi eq, %select_n3A_41, %select_n3A : i32
        %select_n3A_43 = arith.constant 0 : i32
        %select_n3A_44 = arith.select %eq3A_42, %select_n3A_43, %select_n3A_41 : i32
        %add3A_45 = arith.addi %select_n3A_44, %select_n3A_14 : i32
        %add3A_46 = arith.constant 1 : i32
        %add3A_47 = arith.addi %select_n3A_44, %add3A_46 : i32
        %select_n3A_48 = arith.constant true
        %select_n3A_49 = arith.select %select_n3A_48, %add3A_47, %select_n3A_44 : i32
        %eq3A_50 = arith.cmpi eq, %select_n3A_49, %select_n3A : i32
        %select_n3A_51 = arith.constant 0 : i32
        %select_n3A_52 = arith.select %eq3A_50, %select_n3A_51, %select_n3A_49 : i32
        %add3A_53 = arith.addi %select_n3A_52, %select_n3A_14 : i32
        "tpu.trace_start"() <{level = 10 : i32, message = "ep_initialize_0"}> : () -> ()
        %rem3A = arith.constant 0 : i32
        %rem3A_54 = arith.constant 2 : i32
        %rem3A_55 = arith.remui %rem3A, %rem3A_54 : i32
        %mul3A_56 = arith.constant 128 : i32
        %mul3A_57 = arith.muli %mul3A_56, %add3A_27 : i32
        %dma_start3A = arith.constant 0 : i32
        %dma_start3A_58 = arith.constant 0 : i32
        %dma_start3A_59 = tpu.memref_slice %run_scoped3A[%rem3A_55, %dma_start3A, %dma_start3A_58] : memref<2x1x128xi32, #tpu.memory_space<vmem>> -> memref<1x1x128xi32, #tpu.memory_space<vmem>>
        %dma_start3A_60 = tpu.memref_squeeze %dma_start3A_59 : memref<1x1x128xi32, #tpu.memory_space<vmem>> -> memref<1x128xi32, #tpu.memory_space<vmem>>
        %dma_start3A_61 = arith.constant 0 : i32
        %dma_start3A_62 = tpu.memref_slice %arg3[%dma_start3A_61, %mul3A_57] : memref<1x30720xi32, #tpu.memory_space<hbm>> -> memref<1x128xi32, #tpu.memory_space<hbm>>
        %dma_start3A_63 = tpu.memref_slice %run_scoped3A_17[%rem3A_55] : memref<2x!tpu.dma_semaphore, #tpu.memory_space<semaphore_mem>> -> memref<1x!tpu.dma_semaphore, #tpu.memory_space<semaphore_mem>>
        %dma_start3A_64 = tpu.memref_squeeze %dma_start3A_63 : memref<1x!tpu.dma_semaphore, #tpu.memory_space<semaphore_mem>> -> memref<!tpu.dma_semaphore, #tpu.memory_space<semaphore_mem>>
        %dma_start3A_65 = arith.constant 0 : i32
        %dma_start3A_66 = arith.constant 0 : i32
        %dma_start3A_67 = tpu.memref_slice %run_scoped3A[%rem3A_55, %dma_start3A_65, %dma_start3A_66] : memref<2x1x128xi32, #tpu.memory_space<vmem>> -> memref<1x1x128xi32, #tpu.memory_space<vmem>>
        %dma_start3A_68 = tpu.memref_squeeze %dma_start3A_67 : memref<1x1x128xi32, #tpu.memory_space<vmem>> -> memref<1x128xi32, #tpu.memory_space<vmem>>
        %dma_start3A_69 = arith.constant 0 : i32
        %dma_start3A_70 = tpu.memref_slice %arg3[%dma_start3A_69, %mul3A_57] : memref<1x30720xi32, #tpu.memory_space<hbm>> -> memref<1x128xi32, #tpu.memory_space<hbm>>
        tpu.enqueue_dma source(%dma_start3A_70 : memref<1x128xi32, #tpu.memory_space<hbm>>) target(%dma_start3A_68 : memref<1x128xi32, #tpu.memory_space<vmem>>) target_semaphore(%dma_start3A_64 : memref<!tpu.dma_semaphore, #tpu.memory_space<semaphore_mem>>)
        %add3A_71 = arith.constant 0 : i32
        %add3A_72 = arith.constant 1 : i32
        %add3A_73 = arith.addi %add3A_71, %add3A_72 : i32
        %select_n3A_74 = arith.constant true
        %select_n3A_75 = arith.constant 0 : i32
        %select_n3A_76 = arith.select %select_n3A_74, %add3A_73, %select_n3A_75 : i32
        %while3A = arith.constant 0 : i32
        %while3A_77 = arith.constant 0 : i32
        %while3A_78 = arith.constant 0 : i32
        %while3A_79 = arith.constant 0 : i32
        %while3A_80 = arith.constant 0 : i32
        "tpu.trace_stop"() : () -> ()
        %while3A_81 = arith.subi %mul3A_16, %while3A : i32
        %while3A_82 = arith.addi %while3A, %while3A_81 : i32
        %while3A_83 = arith.constant 1 : i32
        %while3A_84 = arith.divsi %while3A_81, %while3A_83 : i32
        %while3A_85 = arith.muli %while3A_84, %while3A_83 : i32
        %while3A_86 = arith.addi %while3A, %while3A_85 : i32
        %while3A_87 = arith.constant 1 : i32
        %while3A_88:5 = scf.for %while3A_142 = %while3A to %while3A_86 step %while3A_87 iter_args(%while3A_143 = %select_n3A_76, %while3A_144 = %while3A_77, %while3A_145 = %while3A_78, %while3A_146 = %while3A_79, %while3A_147 = %while3A_80) -> (i32, i32, i32, i32, i32)  : i32 {
          %mul3A_148 = arith.constant 1 : i32
          %mul3A_149 = arith.muli %mul3A_148, %select_n3A : i32
          %eq3A_150 = arith.constant 0 : i32
          %eq3A_151 = arith.cmpi eq, %while3A_142, %eq3A_150 : i32
          %sub3A_152 = arith.constant 1 : i32
          %sub3A_153 = arith.subi %mul3A_149, %sub3A_152 : i32
          %eq3A_154 = arith.cmpi eq, %while3A_142, %sub3A_153 : i32
          %add3A_155 = arith.addi %while3A_147, %select_n3A_14 : i32
          %sub3A_156 = arith.constant 1 : i32
          %sub3A_157 = arith.subi %while3A_147, %sub3A_156 : i32
          %select_n3A_158 = arith.constant true
          %select_n3A_159 = arith.select %select_n3A_158, %sub3A_157, %while3A_147 : i32
          %eq3A_160 = arith.constant -1 : i32
          %eq3A_161 = arith.cmpi eq, %select_n3A_159, %eq3A_160 : i32
          %sub3A_162 = arith.constant 1 : i32
          %sub3A_163 = arith.subi %select_n3A, %sub3A_162 : i32
          %select_n3A_164 = arith.select %eq3A_161, %sub3A_163, %select_n3A_159 : i32
          %add3A_165 = arith.addi %select_n3A_164, %select_n3A_14 : i32
          %add3A_166 = arith.constant 1 : i32
          %add3A_167 = arith.addi %while3A_147, %add3A_166 : i32
          %select_n3A_168 = arith.constant true
          %select_n3A_169 = arith.select %select_n3A_168, %add3A_167, %while3A_147 : i32
          %eq3A_170 = arith.cmpi eq, %select_n3A_169, %select_n3A : i32
          %select_n3A_171 = arith.constant 0 : i32
          %select_n3A_172 = arith.select %eq3A_170, %select_n3A_171, %select_n3A_169 : i32
          %add3A_173 = arith.addi %select_n3A_172, %select_n3A_14 : i32
          %add3A_174 = arith.constant 1 : i32
          %add3A_175 = arith.addi %select_n3A_172, %add3A_174 : i32
          %select_n3A_176 = arith.constant true
          %select_n3A_177 = arith.select %select_n3A_176, %add3A_175, %select_n3A_172 : i32
          %eq3A_178 = arith.cmpi eq, %select_n3A_177, %select_n3A : i32
          %select_n3A_179 = arith.constant 0 : i32
          %select_n3A_180 = arith.select %eq3A_178, %select_n3A_179, %select_n3A_177 : i32
          %add3A_181 = arith.addi %select_n3A_180, %select_n3A_14 : i32
          %ne3A = arith.cmpi ne, %add3A_155, %add3A_173 : i32
          %or3A = arith.constant false
          %or3A_182 = arith.ori %or3A, %ne3A : i1
          %sub3A_183 = arith.constant 2 : i32
          %sub3A_184 = arith.subi %mul3A_149, %sub3A_183 : i32
          %add3A_185 = arith.constant 1 : i32
          %add3A_186 = arith.addi %sub3A_184, %add3A_185 : i32
          %ge3A = arith.cmpi sge, %while3A_142, %add3A_186 : i32
          %not3A = arith.constant true
          %not3A_187 = arith.xori %ge3A, %not3A : i1
          %and3A = arith.andi %or3A_182, %not3A_187 : i1
          %convert_element_type3A_188 = arith.extui %and3A : i1 to i32
          %cond3A_189 = arith.constant 0 : i32
          %cond3A_190 = arith.cmpi ne, %convert_element_type3A_188, %cond3A_189 : i32
          scf.if %cond3A_190 {
            "tpu.trace_start"() <{level = 10 : i32, message = "ep_copy_in"}> : () -> ()
            %rem3A_294 = arith.constant 2 : i32
            %rem3A_295 = arith.remui %while3A_143, %rem3A_294 : i32
            %mul3A_296 = arith.constant 128 : i32
            %mul3A_297 = arith.muli %mul3A_296, %add3A_173 : i32
            %dma_start3A_298 = arith.constant 0 : i32
            %dma_start3A_299 = arith.constant 0 : i32
            %dma_start3A_300 = tpu.memref_slice %run_scoped3A[%rem3A_295, %dma_start3A_298, %dma_start3A_299] : memref<2x1x128xi32, #tpu.memory_space<vmem>> -> memref<1x1x128xi32, #tpu.memory_space<vmem>>
            %dma_start3A_301 = tpu.memref_squeeze %dma_start3A_300 : memref<1x1x128xi32, #tpu.memory_space<vmem>> -> memref<1x128xi32, #tpu.memory_space<vmem>>
            %dma_start3A_302 = arith.constant 0 : i32
            %dma_start3A_303 = tpu.memref_slice %arg3[%dma_start3A_302, %mul3A_297] : memref<1x30720xi32, #tpu.memory_space<hbm>> -> memref<1x128xi32, #tpu.memory_space<hbm>>
            %dma_start3A_304 = tpu.memref_slice %run_scoped3A_17[%rem3A_295] : memref<2x!tpu.dma_semaphore, #tpu.memory_space<semaphore_mem>> -> memref<1x!tpu.dma_semaphore, #tpu.memory_space<semaphore_mem>>
            %dma_start3A_305 = tpu.memref_squeeze %dma_start3A_304 : memref<1x!tpu.dma_semaphore, #tpu.memory_space<semaphore_mem>> -> memref<!tpu.dma_semaphore, #tpu.memory_space<semaphore_mem>>
            %dma_start3A_306 = arith.constant 0 : i32
            %dma_start3A_307 = arith.constant 0 : i32
            %dma_start3A_308 = tpu.memref_slice %run_scoped3A[%rem3A_295, %dma_start3A_306, %dma_start3A_307] : memref<2x1x128xi32, #tpu.memory_space<vmem>> -> memref<1x1x128xi32, #tpu.memory_space<vmem>>
            %dma_start3A_309 = tpu.memref_squeeze %dma_start3A_308 : memref<1x1x128xi32, #tpu.memory_space<vmem>> -> memref<1x128xi32, #tpu.memory_space<vmem>>
            %dma_start3A_310 = arith.constant 0 : i32
            %dma_start3A_311 = tpu.memref_slice %arg3[%dma_start3A_310, %mul3A_297] : memref<1x30720xi32, #tpu.memory_space<hbm>> -> memref<1x128xi32, #tpu.memory_space<hbm>>
            tpu.enqueue_dma source(%dma_start3A_311 : memref<1x128xi32, #tpu.memory_space<hbm>>) target(%dma_start3A_309 : memref<1x128xi32, #tpu.memory_space<vmem>>) target_semaphore(%dma_start3A_305 : memref<!tpu.dma_semaphore, #tpu.memory_space<semaphore_mem>>)
            "tpu.trace_stop"() : () -> ()
          } else {
          }
          %and3A_191 = arith.constant true
          %and3A_192 = arith.andi %and3A, %and3A_191 : i1
          %add3A_193 = arith.constant 1 : i32
          %add3A_194 = arith.addi %while3A_143, %add3A_193 : i32
          %select_n3A_195 = arith.select %and3A_192, %add3A_194, %while3A_143 : i32
          %ne3A_196 = arith.cmpi ne, %add3A_155, %add3A_173 : i32
          %or3A_197 = arith.constant false
          %or3A_198 = arith.ori %or3A_197, %ne3A_196 : i1
          %or3A_199 = arith.constant false
          %or3A_200 = arith.ori %or3A_198, %or3A_199 : i1
          %sub3A_201 = arith.constant 2 : i32
          %sub3A_202 = arith.subi %mul3A_149, %sub3A_201 : i32
          %add3A_203 = arith.constant 1 : i32
          %add3A_204 = arith.addi %sub3A_202, %add3A_203 : i32
          %ge3A_205 = arith.cmpi sge, %while3A_142, %add3A_204 : i32
          %not3A_206 = arith.constant true
          %not3A_207 = arith.xori %ge3A_205, %not3A_206 : i1
          %and3A_208 = arith.andi %or3A_200, %not3A_207 : i1
          %ne3A_209 = arith.cmpi ne, %add3A_155, %add3A_165 : i32
          %or3A_210 = arith.constant false
          %or3A_211 = arith.ori %or3A_210, %ne3A_209 : i1
          %or3A_212 = arith.ori %or3A_211, %eq3A_151 : i1
          %convert_element_type3A_213 = arith.extui %or3A_212 : i1 to i32
          %cond3A_214 = arith.constant 0 : i32
          %cond3A_215 = arith.cmpi ne, %convert_element_type3A_213, %cond3A_214 : i32
          scf.if %cond3A_215 {
            "tpu.trace_start"() <{level = 10 : i32, message = "ep_wait_in"}> : () -> ()
            %mul3A_294 = arith.constant 128 : i32
            %mul3A_295 = arith.muli %mul3A_294, %add3A_155 : i32
            %rem3A_296 = arith.constant 2 : i32
            %rem3A_297 = arith.remui %while3A_144, %rem3A_296 : i32
            %dma_wait3A = arith.constant 0 : i32
            %dma_wait3A_298 = arith.constant 0 : i32
            %dma_wait3A_299 = tpu.memref_slice %run_scoped3A[%rem3A_297, %dma_wait3A, %dma_wait3A_298] : memref<2x1x128xi32, #tpu.memory_space<vmem>> -> memref<1x1x128xi32, #tpu.memory_space<vmem>>
            %dma_wait3A_300 = tpu.memref_squeeze %dma_wait3A_299 : memref<1x1x128xi32, #tpu.memory_space<vmem>> -> memref<1x128xi32, #tpu.memory_space<vmem>>
            %dma_wait3A_301 = arith.constant 0 : i32
            %dma_wait3A_302 = tpu.memref_slice %arg3[%dma_wait3A_301, %mul3A_295] : memref<1x30720xi32, #tpu.memory_space<hbm>> -> memref<1x128xi32, #tpu.memory_space<hbm>>
            %dma_wait3A_303 = tpu.memref_slice %run_scoped3A_17[%rem3A_297] : memref<2x!tpu.dma_semaphore, #tpu.memory_space<semaphore_mem>> -> memref<1x!tpu.dma_semaphore, #tpu.memory_space<semaphore_mem>>
            %dma_wait3A_304 = tpu.memref_squeeze %dma_wait3A_303 : memref<1x!tpu.dma_semaphore, #tpu.memory_space<semaphore_mem>> -> memref<!tpu.dma_semaphore, #tpu.memory_space<semaphore_mem>>
            %dma_wait3A_305 = arith.constant 0 : i32
            %dma_wait3A_306 = arith.constant 0 : i32
            %dma_wait3A_307 = tpu.memref_slice %run_scoped3A[%rem3A_297, %dma_wait3A_305, %dma_wait3A_306] : memref<2x1x128xi32, #tpu.memory_space<vmem>> -> memref<1x1x128xi32, #tpu.memory_space<vmem>>
            %dma_wait3A_308 = tpu.memref_squeeze %dma_wait3A_307 : memref<1x1x128xi32, #tpu.memory_space<vmem>> -> memref<1x128xi32, #tpu.memory_space<vmem>>
            %dma_wait3A_309 = arith.constant 0 : i32
            %dma_wait3A_310 = tpu.memref_slice %arg3[%dma_wait3A_309, %mul3A_295] : memref<1x30720xi32, #tpu.memory_space<hbm>> -> memref<1x128xi32, #tpu.memory_space<hbm>>
            tpu.wait_dma2 semaphore(%dma_wait3A_304 : memref<!tpu.dma_semaphore, #tpu.memory_space<semaphore_mem>>) src(%dma_wait3A_310 : memref<1x128xi32, #tpu.memory_space<hbm>>) dst(%dma_wait3A_308 : memref<1x128xi32, #tpu.memory_space<vmem>>)
            "tpu.trace_stop"() : () -> ()
          } else {
          }
          %ne3A_216 = arith.cmpi ne, %add3A_155, %add3A_165 : i32
          %or3A_217 = arith.constant false
          %or3A_218 = arith.ori %or3A_217, %ne3A_216 : i1
          %or3A_219 = arith.constant false
          %or3A_220 = arith.ori %or3A_218, %or3A_219 : i1
          %or3A_221 = arith.ori %or3A_220, %eq3A_151 : i1
          %convert_element_type3A_222 = arith.extui %or3A_221 : i1 to i32
          %cond3A_223 = arith.constant 0 : i32
          %cond3A_224 = arith.cmpi ne, %convert_element_type3A_222, %cond3A_223 : i32
          scf.if %cond3A_224 {
          } else {
          }
          %rem3A_225 = arith.constant 2 : i32
          %rem3A_226 = arith.remui %while3A_144, %rem3A_225 : i32
          %rem3A_227 = arith.constant 2 : i32
          %rem3A_228 = arith.remui %while3A_145, %rem3A_227 : i32
          %run_scoped3A_229 = arith.constant 0 : i32
          "tpu.trace_start"() <{level = 10 : i32, message = "ep_run_kernel"}> : () -> ()
          "tpu.region"() ({
            %run_scoped3A_294 = tpu.sem_alloc : memref<!tpu.dma_semaphore, #tpu.memory_space<semaphore_mem>>
            %dma_start3A_295 = arith.constant 0 : i32
            %dma_start3A_296 = arith.constant 0 : i32
            %dma_start3A_297 = tpu.memref_slice %run_scoped3A_18[%rem3A_228, %dma_start3A_295, %dma_start3A_296] : memref<2x128x128xf32, #tpu.memory_space<vmem>> -> memref<1x128x128xf32, #tpu.memory_space<vmem>>
            %dma_start3A_298 = tpu.memref_squeeze %dma_start3A_297 : memref<1x128x128xf32, #tpu.memory_space<vmem>> -> memref<128x128xf32, #tpu.memory_space<vmem>>
            %dma_start3A_299 = arith.constant 0 : i32
            %dma_start3A_300 = arith.constant 0 : i32
            %dma_start3A_301 = tpu.memref_slice %run_scoped3A[%rem3A_226, %dma_start3A_299, %dma_start3A_300] : memref<2x1x128xi32, #tpu.memory_space<vmem>> -> memref<1x1x128xi32, #tpu.memory_space<vmem>>
            %dma_start3A_302 = tpu.memref_squeeze %dma_start3A_301 : memref<1x1x128xi32, #tpu.memory_space<vmem>> -> memref<1x128xi32, #tpu.memory_space<vmem>>
            %dma_start3A_303 = arith.constant 0 : i32
            %dma_start3A_304 = tpu.memref_slice %dma_start3A_302[%run_scoped3A_229, %dma_start3A_303] : memref<1x128xi32, #tpu.memory_space<vmem>> -> memref<1x128xi32, #tpu.memory_space<vmem>>
            %dma_start3A_305 = tpu.memref_squeeze %dma_start3A_304 : memref<1x128xi32, #tpu.memory_space<vmem>> -> memref<128xi32, #tpu.memory_space<vmem>>
            %dma_start3A_306 = arith.constant 0 : i32
            %dma_start3A_307 = arith.constant 0 : i32
            %dma_start3A_308 = tpu.memref_slice %arg2[%dma_start3A_306, %dma_start3A_307] : memref<8200x128xf32, #tpu.memory_space<hbm>> -> memref<8200x128xf32, #tpu.memory_space<hbm>>
            tpu.enqueue_indirect_dma source(%dma_start3A_308 : memref<8200x128xf32, #tpu.memory_space<hbm>>) target(%dma_start3A_298 : memref<128x128xf32, #tpu.memory_space<vmem>>) offsets(%dma_start3A_305 : memref<128xi32, #tpu.memory_space<vmem>>) semaphore(%run_scoped3A_294 : memref<!tpu.dma_semaphore, #tpu.memory_space<semaphore_mem>>)
            %dma_wait3A = arith.constant 0 : i32
            %dma_wait3A_309 = arith.constant 0 : i32
            %dma_wait3A_310 = tpu.memref_slice %run_scoped3A_18[%rem3A_228, %dma_wait3A, %dma_wait3A_309] : memref<2x128x128xf32, #tpu.memory_space<vmem>> -> memref<1x128x128xf32, #tpu.memory_space<vmem>>
            %dma_wait3A_311 = tpu.memref_squeeze %dma_wait3A_310 : memref<1x128x128xf32, #tpu.memory_space<vmem>> -> memref<128x128xf32, #tpu.memory_space<vmem>>
            %dma_wait3A_312 = arith.constant 0 : i32
            %dma_wait3A_313 = arith.constant 0 : i32
            %dma_wait3A_314 = tpu.memref_slice %run_scoped3A[%rem3A_226, %dma_wait3A_312, %dma_wait3A_313] : memref<2x1x128xi32, #tpu.memory_space<vmem>> -> memref<1x1x128xi32, #tpu.memory_space<vmem>>
            %dma_wait3A_315 = tpu.memref_squeeze %dma_wait3A_314 : memref<1x1x128xi32, #tpu.memory_space<vmem>> -> memref<1x128xi32, #tpu.memory_space<vmem>>
            %dma_wait3A_316 = arith.constant 0 : i32
            %dma_wait3A_317 = tpu.memref_slice %dma_wait3A_315[%run_scoped3A_229, %dma_wait3A_316] : memref<1x128xi32, #tpu.memory_space<vmem>> -> memref<1x128xi32, #tpu.memory_space<vmem>>
            %dma_wait3A_318 = tpu.memref_squeeze %dma_wait3A_317 : memref<1x128xi32, #tpu.memory_space<vmem>> -> memref<128xi32, #tpu.memory_space<vmem>>
            %dma_wait3A_319 = arith.constant 0 : i32
            %dma_wait3A_320 = arith.constant 0 : i32
            %dma_wait3A_321 = tpu.memref_slice %arg2[%dma_wait3A_319, %dma_wait3A_320] : memref<8200x128xf32, #tpu.memory_space<hbm>> -> memref<8200x128xf32, #tpu.memory_space<hbm>>
            tpu.wait_indirect_dma semaphore(%run_scoped3A_294 : memref<!tpu.dma_semaphore, #tpu.memory_space<semaphore_mem>>) src(%dma_wait3A_321 : memref<8200x128xf32, #tpu.memory_space<hbm>>) dst(%dma_wait3A_311 : memref<128x128xf32, #tpu.memory_space<vmem>>)
            tpu.yield
          }) : () -> ()
          "tpu.trace_stop"() : () -> ()
          %ne3A_230 = arith.cmpi ne, %add3A_155, %add3A_173 : i32
          %or3A_231 = arith.constant false
          %or3A_232 = arith.ori %or3A_231, %ne3A_230 : i1
          %or3A_233 = arith.ori %or3A_232, %eq3A_154 : i1
          %convert_element_type3A_234 = arith.extui %or3A_233 : i1 to i32
          %cond3A_235 = arith.constant 0 : i32
          %cond3A_236 = arith.cmpi ne, %convert_element_type3A_234, %cond3A_235 : i32
          scf.if %cond3A_236 {
          } else {
          }
          %and3A_237 = arith.constant false
          %and3A_238 = arith.andi %or3A_233, %and3A_237 : i1
          %ne3A_239 = arith.cmpi ne, %add3A_155, %add3A_173 : i32
          %or3A_240 = arith.constant false
          %or3A_241 = arith.ori %or3A_240, %ne3A_239 : i1
          %or3A_242 = arith.constant false
          %or3A_243 = arith.ori %or3A_241, %or3A_242 : i1
          %or3A_244 = arith.ori %or3A_243, %eq3A_154 : i1
          %convert_element_type3A_245 = arith.extui %or3A_244 : i1 to i32
          %cond3A_246 = arith.constant 0 : i32
          %cond3A_247 = arith.cmpi ne, %convert_element_type3A_245, %cond3A_246 : i32
          scf.if %cond3A_247 {
            "tpu.trace_start"() <{level = 10 : i32, message = "ep_copy_out"}> : () -> ()
            %rem3A_294 = arith.constant 2 : i32
            %rem3A_295 = arith.remui %while3A_145, %rem3A_294 : i32
            %mul3A_296 = arith.constant 128 : i32
            %mul3A_297 = arith.muli %mul3A_296, %add3A_155 : i32
            %dma_start3A_298 = arith.constant 0 : i32
            %dma_start3A_299 = arith.constant 0 : i32
            %dma_start3A_300 = tpu.memref_slice %run_scoped3A_18[%rem3A_295, %dma_start3A_298, %dma_start3A_299] : memref<2x128x128xf32, #tpu.memory_space<vmem>> -> memref<1x128x128xf32, #tpu.memory_space<vmem>>
            %dma_start3A_301 = tpu.memref_squeeze %dma_start3A_300 : memref<1x128x128xf32, #tpu.memory_space<vmem>> -> memref<128x128xf32, #tpu.memory_space<vmem>>
            %dma_start3A_302 = arith.constant 0 : i32
            %dma_start3A_303 = tpu.memref_slice %arg4[%mul3A_297, %dma_start3A_302] : memref<30720x128xf32, #tpu.memory_space<hbm>> -> memref<128x128xf32, #tpu.memory_space<hbm>>
            %dma_start3A_304 = tpu.memref_slice %run_scoped3A_19[%rem3A_295] : memref<2x!tpu.dma_semaphore, #tpu.memory_space<semaphore_mem>> -> memref<1x!tpu.dma_semaphore, #tpu.memory_space<semaphore_mem>>
            %dma_start3A_305 = tpu.memref_squeeze %dma_start3A_304 : memref<1x!tpu.dma_semaphore, #tpu.memory_space<semaphore_mem>> -> memref<!tpu.dma_semaphore, #tpu.memory_space<semaphore_mem>>
            %dma_start3A_306 = arith.constant 0 : i32
            %dma_start3A_307 = tpu.memref_slice %arg4[%mul3A_297, %dma_start3A_306] : memref<30720x128xf32, #tpu.memory_space<hbm>> -> memref<128x128xf32, #tpu.memory_space<hbm>>
            %dma_start3A_308 = arith.constant 0 : i32
            %dma_start3A_309 = arith.constant 0 : i32
            %dma_start3A_310 = tpu.memref_slice %run_scoped3A_18[%rem3A_295, %dma_start3A_308, %dma_start3A_309] : memref<2x128x128xf32, #tpu.memory_space<vmem>> -> memref<1x128x128xf32, #tpu.memory_space<vmem>>
            %dma_start3A_311 = tpu.memref_squeeze %dma_start3A_310 : memref<1x128x128xf32, #tpu.memory_space<vmem>> -> memref<128x128xf32, #tpu.memory_space<vmem>>
            tpu.enqueue_dma source(%dma_start3A_311 : memref<128x128xf32, #tpu.memory_space<vmem>>) target(%dma_start3A_307 : memref<128x128xf32, #tpu.memory_space<hbm>>) target_semaphore(%dma_start3A_305 : memref<!tpu.dma_semaphore, #tpu.memory_space<semaphore_mem>>)
            "tpu.trace_stop"() : () -> ()
          } else {
          }
          %and3A_248 = arith.constant true
          %and3A_249 = arith.andi %or3A_244, %and3A_248 : i1
          %add3A_250 = arith.constant 1 : i32
          %add3A_251 = arith.addi %while3A_145, %add3A_250 : i32
          %select_n3A_252 = arith.select %and3A_249, %add3A_251, %while3A_145 : i32
          %ne3A_253 = arith.cmpi ne, %add3A_155, %add3A_165 : i32
          %or3A_254 = arith.constant false
          %or3A_255 = arith.ori %or3A_254, %ne3A_253 : i1
          %not3A_256 = arith.constant true
          %not3A_257 = arith.xori %eq3A_151, %not3A_256 : i1
          %and3A_258 = arith.andi %or3A_255, %not3A_257 : i1
          %convert_element_type3A_259 = arith.extui %and3A_258 : i1 to i32
          %cond3A_260 = arith.constant 0 : i32
          %cond3A_261 = arith.cmpi ne, %convert_element_type3A_259, %cond3A_260 : i32
          scf.if %cond3A_261 {
          } else {
          }
          %and3A_262 = arith.constant false
          %and3A_263 = arith.andi %and3A_258, %and3A_262 : i1
          %ne3A_264 = arith.cmpi ne, %add3A_155, %add3A_165 : i32
          %or3A_265 = arith.constant false
          %or3A_266 = arith.ori %or3A_265, %ne3A_264 : i1
          %or3A_267 = arith.constant false
          %or3A_268 = arith.ori %or3A_266, %or3A_267 : i1
          %not3A_269 = arith.constant true
          %not3A_270 = arith.xori %eq3A_151, %not3A_269 : i1
          %and3A_271 = arith.andi %or3A_268, %not3A_270 : i1
          %convert_element_type3A_272 = arith.extui %and3A_271 : i1 to i32
          %cond3A_273 = arith.constant 0 : i32
          %cond3A_274 = arith.cmpi ne, %convert_element_type3A_272, %cond3A_273 : i32
          scf.if %cond3A_274 {
            "tpu.trace_start"() <{level = 10 : i32, message = "ep_wait_out"}> : () -> ()
            %rem3A_294 = arith.constant 2 : i32
            %rem3A_295 = arith.remui %while3A_146, %rem3A_294 : i32
            %mul3A_296 = arith.constant 128 : i32
            %mul3A_297 = arith.muli %mul3A_296, %add3A_165 : i32
            %dma_wait3A = arith.constant 0 : i32
            %dma_wait3A_298 = arith.constant 0 : i32
            %dma_wait3A_299 = tpu.memref_slice %run_scoped3A_18[%rem3A_295, %dma_wait3A, %dma_wait3A_298] : memref<2x128x128xf32, #tpu.memory_space<vmem>> -> memref<1x128x128xf32, #tpu.memory_space<vmem>>
            %dma_wait3A_300 = tpu.memref_squeeze %dma_wait3A_299 : memref<1x128x128xf32, #tpu.memory_space<vmem>> -> memref<128x128xf32, #tpu.memory_space<vmem>>
            %dma_wait3A_301 = arith.constant 0 : i32
            %dma_wait3A_302 = tpu.memref_slice %arg4[%mul3A_297, %dma_wait3A_301] : memref<30720x128xf32, #tpu.memory_space<hbm>> -> memref<128x128xf32, #tpu.memory_space<hbm>>
            %dma_wait3A_303 = tpu.memref_slice %run_scoped3A_19[%rem3A_295] : memref<2x!tpu.dma_semaphore, #tpu.memory_space<semaphore_mem>> -> memref<1x!tpu.dma_semaphore, #tpu.memory_space<semaphore_mem>>
            %dma_wait3A_304 = tpu.memref_squeeze %dma_wait3A_303 : memref<1x!tpu.dma_semaphore, #tpu.memory_space<semaphore_mem>> -> memref<!tpu.dma_semaphore, #tpu.memory_space<semaphore_mem>>
            %dma_wait3A_305 = arith.constant 0 : i32
            %dma_wait3A_306 = tpu.memref_slice %arg4[%mul3A_297, %dma_wait3A_305] : memref<30720x128xf32, #tpu.memory_space<hbm>> -> memref<128x128xf32, #tpu.memory_space<hbm>>
            %dma_wait3A_307 = arith.constant 0 : i32
            %dma_wait3A_308 = arith.constant 0 : i32
            %dma_wait3A_309 = tpu.memref_slice %run_scoped3A_18[%rem3A_295, %dma_wait3A_307, %dma_wait3A_308] : memref<2x128x128xf32, #tpu.memory_space<vmem>> -> memref<1x128x128xf32, #tpu.memory_space<vmem>>
            %dma_wait3A_310 = tpu.memref_squeeze %dma_wait3A_309 : memref<1x128x128xf32, #tpu.memory_space<vmem>> -> memref<128x128xf32, #tpu.memory_space<vmem>>
            tpu.wait_dma2 semaphore(%dma_wait3A_304 : memref<!tpu.dma_semaphore, #tpu.memory_space<semaphore_mem>>) src(%dma_wait3A_310 : memref<128x128xf32, #tpu.memory_space<vmem>>) dst(%dma_wait3A_306 : memref<128x128xf32, #tpu.memory_space<hbm>>)
            "tpu.trace_stop"() : () -> ()
          } else {
          }
          %and3A_275 = arith.constant true
          %and3A_276 = arith.andi %and3A_271, %and3A_275 : i1
          %add3A_277 = arith.constant 1 : i32
          %add3A_278 = arith.addi %while3A_146, %add3A_277 : i32
          %select_n3A_279 = arith.select %and3A_276, %add3A_278, %while3A_146 : i32
          %ne3A_280 = arith.cmpi ne, %add3A_155, %add3A_173 : i32
          %or3A_281 = arith.constant false
          %or3A_282 = arith.ori %or3A_281, %ne3A_280 : i1
          %or3A_283 = arith.ori %or3A_282, %eq3A_154 : i1
          %add3A_284 = arith.constant 1 : i32
          %add3A_285 = arith.addi %while3A_144, %add3A_284 : i32
          %select_n3A_286 = arith.select %or3A_283, %add3A_285, %while3A_144 : i32
          %add3A_287 = arith.constant 1 : i32
          %add3A_288 = arith.addi %while3A_147, %add3A_287 : i32
          %select_n3A_289 = arith.constant true
          %select_n3A_290 = arith.select %select_n3A_289, %add3A_288, %while3A_147 : i32
          %eq3A_291 = arith.cmpi eq, %select_n3A_290, %select_n3A : i32
          %select_n3A_292 = arith.constant 0 : i32
          %select_n3A_293 = arith.select %eq3A_291, %select_n3A_292, %select_n3A_290 : i32
          scf.yield %select_n3A_195, %select_n3A_286, %select_n3A_252, %select_n3A_279, %select_n3A_293 : i32, i32, i32, i32, i32
        }
        %while3A_89 = arith.constant 1 : i32
        %while3A_90:5 = scf.for %while3A_142 = %while3A_86 to %while3A_82 step %while3A_89 iter_args(%while3A_143 = %while3A_88#0, %while3A_144 = %while3A_88#1, %while3A_145 = %while3A_88#2, %while3A_146 = %while3A_88#3, %while3A_147 = %while3A_88#4) -> (i32, i32, i32, i32, i32)  : i32 {
          %mul3A_148 = arith.constant 1 : i32
          %mul3A_149 = arith.muli %mul3A_148, %select_n3A : i32
          %eq3A_150 = arith.constant 0 : i32
          %eq3A_151 = arith.cmpi eq, %while3A_142, %eq3A_150 : i32
          %sub3A_152 = arith.constant 1 : i32
          %sub3A_153 = arith.subi %mul3A_149, %sub3A_152 : i32
          %eq3A_154 = arith.cmpi eq, %while3A_142, %sub3A_153 : i32
          %add3A_155 = arith.addi %while3A_147, %select_n3A_14 : i32
          %sub3A_156 = arith.constant 1 : i32
          %sub3A_157 = arith.subi %while3A_147, %sub3A_156 : i32
          %select_n3A_158 = arith.constant true
          %select_n3A_159 = arith.select %select_n3A_158, %sub3A_157, %while3A_147 : i32
          %eq3A_160 = arith.constant -1 : i32
          %eq3A_161 = arith.cmpi eq, %select_n3A_159, %eq3A_160 : i32
          %sub3A_162 = arith.constant 1 : i32
          %sub3A_163 = arith.subi %select_n3A, %sub3A_162 : i32
          %select_n3A_164 = arith.select %eq3A_161, %sub3A_163, %select_n3A_159 : i32
          %add3A_165 = arith.addi %select_n3A_164, %select_n3A_14 : i32
          %add3A_166 = arith.constant 1 : i32
          %add3A_167 = arith.addi %while3A_147, %add3A_166 : i32
          %select_n3A_168 = arith.constant true
          %select_n3A_169 = arith.select %select_n3A_168, %add3A_167, %while3A_147 : i32
          %eq3A_170 = arith.cmpi eq, %select_n3A_169, %select_n3A : i32
          %select_n3A_171 = arith.constant 0 : i32
          %select_n3A_172 = arith.select %eq3A_170, %select_n3A_171, %select_n3A_169 : i32
          %add3A_173 = arith.addi %select_n3A_172, %select_n3A_14 : i32
          %add3A_174 = arith.constant 1 : i32
          %add3A_175 = arith.addi %select_n3A_172, %add3A_174 : i32
          %select_n3A_176 = arith.constant true
          %select_n3A_177 = arith.select %select_n3A_176, %add3A_175, %select_n3A_172 : i32
          %eq3A_178 = arith.cmpi eq, %select_n3A_177, %select_n3A : i32
          %select_n3A_179 = arith.constant 0 : i32
          %select_n3A_180 = arith.select %eq3A_178, %select_n3A_179, %select_n3A_177 : i32
          %add3A_181 = arith.addi %select_n3A_180, %select_n3A_14 : i32
          %ne3A = arith.cmpi ne, %add3A_155, %add3A_173 : i32
          %or3A = arith.constant false
          %or3A_182 = arith.ori %or3A, %ne3A : i1
          %sub3A_183 = arith.constant 2 : i32
          %sub3A_184 = arith.subi %mul3A_149, %sub3A_183 : i32
          %add3A_185 = arith.constant 1 : i32
          %add3A_186 = arith.addi %sub3A_184, %add3A_185 : i32
          %ge3A = arith.cmpi sge, %while3A_142, %add3A_186 : i32
          %not3A = arith.constant true
          %not3A_187 = arith.xori %ge3A, %not3A : i1
          %and3A = arith.andi %or3A_182, %not3A_187 : i1
          %convert_element_type3A_188 = arith.extui %and3A : i1 to i32
          %cond3A_189 = arith.constant 0 : i32
          %cond3A_190 = arith.cmpi ne, %convert_element_type3A_188, %cond3A_189 : i32
          scf.if %cond3A_190 {
            "tpu.trace_start"() <{level = 10 : i32, message = "ep_copy_in"}> : () -> ()
            %rem3A_294 = arith.constant 2 : i32
            %rem3A_295 = arith.remui %while3A_143, %rem3A_294 : i32
            %mul3A_296 = arith.constant 128 : i32
            %mul3A_297 = arith.muli %mul3A_296, %add3A_173 : i32
            %dma_start3A_298 = arith.constant 0 : i32
            %dma_start3A_299 = arith.constant 0 : i32
            %dma_start3A_300 = tpu.memref_slice %run_scoped3A[%rem3A_295, %dma_start3A_298, %dma_start3A_299] : memref<2x1x128xi32, #tpu.memory_space<vmem>> -> memref<1x1x128xi32, #tpu.memory_space<vmem>>
            %dma_start3A_301 = tpu.memref_squeeze %dma_start3A_300 : memref<1x1x128xi32, #tpu.memory_space<vmem>> -> memref<1x128xi32, #tpu.memory_space<vmem>>
            %dma_start3A_302 = arith.constant 0 : i32
            %dma_start3A_303 = tpu.memref_slice %arg3[%dma_start3A_302, %mul3A_297] : memref<1x30720xi32, #tpu.memory_space<hbm>> -> memref<1x128xi32, #tpu.memory_space<hbm>>
            %dma_start3A_304 = tpu.memref_slice %run_scoped3A_17[%rem3A_295] : memref<2x!tpu.dma_semaphore, #tpu.memory_space<semaphore_mem>> -> memref<1x!tpu.dma_semaphore, #tpu.memory_space<semaphore_mem>>
            %dma_start3A_305 = tpu.memref_squeeze %dma_start3A_304 : memref<1x!tpu.dma_semaphore, #tpu.memory_space<semaphore_mem>> -> memref<!tpu.dma_semaphore, #tpu.memory_space<semaphore_mem>>
            %dma_start3A_306 = arith.constant 0 : i32
            %dma_start3A_307 = arith.constant 0 : i32
            %dma_start3A_308 = tpu.memref_slice %run_scoped3A[%rem3A_295, %dma_start3A_306, %dma_start3A_307] : memref<2x1x128xi32, #tpu.memory_space<vmem>> -> memref<1x1x128xi32, #tpu.memory_space<vmem>>
            %dma_start3A_309 = tpu.memref_squeeze %dma_start3A_308 : memref<1x1x128xi32, #tpu.memory_space<vmem>> -> memref<1x128xi32, #tpu.memory_space<vmem>>
            %dma_start3A_310 = arith.constant 0 : i32
            %dma_start3A_311 = tpu.memref_slice %arg3[%dma_start3A_310, %mul3A_297] : memref<1x30720xi32, #tpu.memory_space<hbm>> -> memref<1x128xi32, #tpu.memory_space<hbm>>
            tpu.enqueue_dma source(%dma_start3A_311 : memref<1x128xi32, #tpu.memory_space<hbm>>) target(%dma_start3A_309 : memref<1x128xi32, #tpu.memory_space<vmem>>) target_semaphore(%dma_start3A_305 : memref<!tpu.dma_semaphore, #tpu.memory_space<semaphore_mem>>)
            "tpu.trace_stop"() : () -> ()
          } else {
          }
          %and3A_191 = arith.constant true
          %and3A_192 = arith.andi %and3A, %and3A_191 : i1
          %add3A_193 = arith.constant 1 : i32
          %add3A_194 = arith.addi %while3A_143, %add3A_193 : i32
          %select_n3A_195 = arith.select %and3A_192, %add3A_194, %while3A_143 : i32
          %ne3A_196 = arith.cmpi ne, %add3A_155, %add3A_173 : i32
          %or3A_197 = arith.constant false
          %or3A_198 = arith.ori %or3A_197, %ne3A_196 : i1
          %or3A_199 = arith.constant false
          %or3A_200 = arith.ori %or3A_198, %or3A_199 : i1
          %sub3A_201 = arith.constant 2 : i32
          %sub3A_202 = arith.subi %mul3A_149, %sub3A_201 : i32
          %add3A_203 = arith.constant 1 : i32
          %add3A_204 = arith.addi %sub3A_202, %add3A_203 : i32
          %ge3A_205 = arith.cmpi sge, %while3A_142, %add3A_204 : i32
          %not3A_206 = arith.constant true
          %not3A_207 = arith.xori %ge3A_205, %not3A_206 : i1
          %and3A_208 = arith.andi %or3A_200, %not3A_207 : i1
          %ne3A_209 = arith.cmpi ne, %add3A_155, %add3A_165 : i32
          %or3A_210 = arith.constant false
          %or3A_211 = arith.ori %or3A_210, %ne3A_209 : i1
          %or3A_212 = arith.ori %or3A_211, %eq3A_151 : i1
          %convert_element_type3A_213 = arith.extui %or3A_212 : i1 to i32
          %cond3A_214 = arith.constant 0 : i32
          %cond3A_215 = arith.cmpi ne, %convert_element_type3A_213, %cond3A_214 : i32
          scf.if %cond3A_215 {
            "tpu.trace_start"() <{level = 10 : i32, message = "ep_wait_in"}> : () -> ()
            %mul3A_294 = arith.constant 128 : i32
            %mul3A_295 = arith.muli %mul3A_294, %add3A_155 : i32
            %rem3A_296 = arith.constant 2 : i32
            %rem3A_297 = arith.remui %while3A_144, %rem3A_296 : i32
            %dma_wait3A = arith.constant 0 : i32
            %dma_wait3A_298 = arith.constant 0 : i32
            %dma_wait3A_299 = tpu.memref_slice %run_scoped3A[%rem3A_297, %dma_wait3A, %dma_wait3A_298] : memref<2x1x128xi32, #tpu.memory_space<vmem>> -> memref<1x1x128xi32, #tpu.memory_space<vmem>>
            %dma_wait3A_300 = tpu.memref_squeeze %dma_wait3A_299 : memref<1x1x128xi32, #tpu.memory_space<vmem>> -> memref<1x128xi32, #tpu.memory_space<vmem>>
            %dma_wait3A_301 = arith.constant 0 : i32
            %dma_wait3A_302 = tpu.memref_slice %arg3[%dma_wait3A_301, %mul3A_295] : memref<1x30720xi32, #tpu.memory_space<hbm>> -> memref<1x128xi32, #tpu.memory_space<hbm>>
            %dma_wait3A_303 = tpu.memref_slice %run_scoped3A_17[%rem3A_297] : memref<2x!tpu.dma_semaphore, #tpu.memory_space<semaphore_mem>> -> memref<1x!tpu.dma_semaphore, #tpu.memory_space<semaphore_mem>>
            %dma_wait3A_304 = tpu.memref_squeeze %dma_wait3A_303 : memref<1x!tpu.dma_semaphore, #tpu.memory_space<semaphore_mem>> -> memref<!tpu.dma_semaphore, #tpu.memory_space<semaphore_mem>>
            %dma_wait3A_305 = arith.constant 0 : i32
            %dma_wait3A_306 = arith.constant 0 : i32
            %dma_wait3A_307 = tpu.memref_slice %run_scoped3A[%rem3A_297, %dma_wait3A_305, %dma_wait3A_306] : memref<2x1x128xi32, #tpu.memory_space<vmem>> -> memref<1x1x128xi32, #tpu.memory_space<vmem>>
            %dma_wait3A_308 = tpu.memref_squeeze %dma_wait3A_307 : memref<1x1x128xi32, #tpu.memory_space<vmem>> -> memref<1x128xi32, #tpu.memory_space<vmem>>
            %dma_wait3A_309 = arith.constant 0 : i32
            %dma_wait3A_310 = tpu.memref_slice %arg3[%dma_wait3A_309, %mul3A_295] : memref<1x30720xi32, #tpu.memory_space<hbm>> -> memref<1x128xi32, #tpu.memory_space<hbm>>
            tpu.wait_dma2 semaphore(%dma_wait3A_304 : memref<!tpu.dma_semaphore, #tpu.memory_space<semaphore_mem>>) src(%dma_wait3A_310 : memref<1x128xi32, #tpu.memory_space<hbm>>) dst(%dma_wait3A_308 : memref<1x128xi32, #tpu.memory_space<vmem>>)
            "tpu.trace_stop"() : () -> ()
          } else {
          }
          %ne3A_216 = arith.cmpi ne, %add3A_155, %add3A_165 : i32
          %or3A_217 = arith.constant false
          %or3A_218 = arith.ori %or3A_217, %ne3A_216 : i1
          %or3A_219 = arith.constant false
          %or3A_220 = arith.ori %or3A_218, %or3A_219 : i1
          %or3A_221 = arith.ori %or3A_220, %eq3A_151 : i1
          %convert_element_type3A_222 = arith.extui %or3A_221 : i1 to i32
          %cond3A_223 = arith.constant 0 : i32
          %cond3A_224 = arith.cmpi ne, %convert_element_type3A_222, %cond3A_223 : i32
          scf.if %cond3A_224 {
          } else {
          }
          %rem3A_225 = arith.constant 2 : i32
          %rem3A_226 = arith.remui %while3A_144, %rem3A_225 : i32
          %rem3A_227 = arith.constant 2 : i32
          %rem3A_228 = arith.remui %while3A_145, %rem3A_227 : i32
          %run_scoped3A_229 = arith.constant 0 : i32
          "tpu.trace_start"() <{level = 10 : i32, message = "ep_run_kernel"}> : () -> ()
          "tpu.region"() ({
            %run_scoped3A_294 = tpu.sem_alloc : memref<!tpu.dma_semaphore, #tpu.memory_space<semaphore_mem>>
            %dma_start3A_295 = arith.constant 0 : i32
            %dma_start3A_296 = arith.constant 0 : i32
            %dma_start3A_297 = tpu.memref_slice %run_scoped3A_18[%rem3A_228, %dma_start3A_295, %dma_start3A_296] : memref<2x128x128xf32, #tpu.memory_space<vmem>> -> memref<1x128x128xf32, #tpu.memory_space<vmem>>
            %dma_start3A_298 = tpu.memref_squeeze %dma_start3A_297 : memref<1x128x128xf32, #tpu.memory_space<vmem>> -> memref<128x128xf32, #tpu.memory_space<vmem>>
            %dma_start3A_299 = arith.constant 0 : i32
            %dma_start3A_300 = arith.constant 0 : i32
            %dma_start3A_301 = tpu.memref_slice %run_scoped3A[%rem3A_226, %dma_start3A_299, %dma_start3A_300] : memref<2x1x128xi32, #tpu.memory_space<vmem>> -> memref<1x1x128xi32, #tpu.memory_space<vmem>>
            %dma_start3A_302 = tpu.memref_squeeze %dma_start3A_301 : memref<1x1x128xi32, #tpu.memory_space<vmem>> -> memref<1x128xi32, #tpu.memory_space<vmem>>
            %dma_start3A_303 = arith.constant 0 : i32
            %dma_start3A_304 = tpu.memref_slice %dma_start3A_302[%run_scoped3A_229, %dma_start3A_303] : memref<1x128xi32, #tpu.memory_space<vmem>> -> memref<1x128xi32, #tpu.memory_space<vmem>>
            %dma_start3A_305 = tpu.memref_squeeze %dma_start3A_304 : memref<1x128xi32, #tpu.memory_space<vmem>> -> memref<128xi32, #tpu.memory_space<vmem>>
            %dma_start3A_306 = arith.constant 0 : i32
            %dma_start3A_307 = arith.constant 0 : i32
            %dma_start3A_308 = tpu.memref_slice %arg2[%dma_start3A_306, %dma_start3A_307] : memref<8200x128xf32, #tpu.memory_space<hbm>> -> memref<8200x128xf32, #tpu.memory_space<hbm>>
            tpu.enqueue_indirect_dma source(%dma_start3A_308 : memref<8200x128xf32, #tpu.memory_space<hbm>>) target(%dma_start3A_298 : memref<128x128xf32, #tpu.memory_space<vmem>>) offsets(%dma_start3A_305 : memref<128xi32, #tpu.memory_space<vmem>>) semaphore(%run_scoped3A_294 : memref<!tpu.dma_semaphore, #tpu.memory_space<semaphore_mem>>)
            %dma_wait3A = arith.constant 0 : i32
            %dma_wait3A_309 = arith.constant 0 : i32
            %dma_wait3A_310 = tpu.memref_slice %run_scoped3A_18[%rem3A_228, %dma_wait3A, %dma_wait3A_309] : memref<2x128x128xf32, #tpu.memory_space<vmem>> -> memref<1x128x128xf32, #tpu.memory_space<vmem>>
            %dma_wait3A_311 = tpu.memref_squeeze %dma_wait3A_310 : memref<1x128x128xf32, #tpu.memory_space<vmem>> -> memref<128x128xf32, #tpu.memory_space<vmem>>
            %dma_wait3A_312 = arith.constant 0 : i32
            %dma_wait3A_313 = arith.constant 0 : i32
            %dma_wait3A_314 = tpu.memref_slice %run_scoped3A[%rem3A_226, %dma_wait3A_312, %dma_wait3A_313] : memref<2x1x128xi32, #tpu.memory_space<vmem>> -> memref<1x1x128xi32, #tpu.memory_space<vmem>>
            %dma_wait3A_315 = tpu.memref_squeeze %dma_wait3A_314 : memref<1x1x128xi32, #tpu.memory_space<vmem>> -> memref<1x128xi32, #tpu.memory_space<vmem>>
            %dma_wait3A_316 = arith.constant 0 : i32
            %dma_wait3A_317 = tpu.memref_slice %dma_wait3A_315[%run_scoped3A_229, %dma_wait3A_316] : memref<1x128xi32, #tpu.memory_space<vmem>> -> memref<1x128xi32, #tpu.memory_space<vmem>>
            %dma_wait3A_318 = tpu.memref_squeeze %dma_wait3A_317 : memref<1x128xi32, #tpu.memory_space<vmem>> -> memref<128xi32, #tpu.memory_space<vmem>>
            %dma_wait3A_319 = arith.constant 0 : i32
            %dma_wait3A_320 = arith.constant 0 : i32
            %dma_wait3A_321 = tpu.memref_slice %arg2[%dma_wait3A_319, %dma_wait3A_320] : memref<8200x128xf32, #tpu.memory_space<hbm>> -> memref<8200x128xf32, #tpu.memory_space<hbm>>
            tpu.wait_indirect_dma semaphore(%run_scoped3A_294 : memref<!tpu.dma_semaphore, #tpu.memory_space<semaphore_mem>>) src(%dma_wait3A_321 : memref<8200x128xf32, #tpu.memory_space<hbm>>) dst(%dma_wait3A_311 : memref<128x128xf32, #tpu.memory_space<vmem>>)
            tpu.yield
          }) : () -> ()
          "tpu.trace_stop"() : () -> ()
          %ne3A_230 = arith.cmpi ne, %add3A_155, %add3A_173 : i32
          %or3A_231 = arith.constant false
          %or3A_232 = arith.ori %or3A_231, %ne3A_230 : i1
          %or3A_233 = arith.ori %or3A_232, %eq3A_154 : i1
          %convert_element_type3A_234 = arith.extui %or3A_233 : i1 to i32
          %cond3A_235 = arith.constant 0 : i32
          %cond3A_236 = arith.cmpi ne, %convert_element_type3A_234, %cond3A_235 : i32
          scf.if %cond3A_236 {
          } else {
          }
          %and3A_237 = arith.constant false
          %and3A_238 = arith.andi %or3A_233, %and3A_237 : i1
          %ne3A_239 = arith.cmpi ne, %add3A_155, %add3A_173 : i32
          %or3A_240 = arith.constant false
          %or3A_241 = arith.ori %or3A_240, %ne3A_239 : i1
          %or3A_242 = arith.constant false
          %or3A_243 = arith.ori %or3A_241, %or3A_242 : i1
          %or3A_244 = arith.ori %or3A_243, %eq3A_154 : i1
          %convert_element_type3A_245 = arith.extui %or3A_244 : i1 to i32
          %cond3A_246 = arith.constant 0 : i32
          %cond3A_247 = arith.cmpi ne, %convert_element_type3A_245, %cond3A_246 : i32
          scf.if %cond3A_247 {
            "tpu.trace_start"() <{level = 10 : i32, message = "ep_copy_out"}> : () -> ()
            %rem3A_294 = arith.constant 2 : i32
            %rem3A_295 = arith.remui %while3A_145, %rem3A_294 : i32
            %mul3A_296 = arith.constant 128 : i32
            %mul3A_297 = arith.muli %mul3A_296, %add3A_155 : i32
            %dma_start3A_298 = arith.constant 0 : i32
            %dma_start3A_299 = arith.constant 0 : i32
            %dma_start3A_300 = tpu.memref_slice %run_scoped3A_18[%rem3A_295, %dma_start3A_298, %dma_start3A_299] : memref<2x128x128xf32, #tpu.memory_space<vmem>> -> memref<1x128x128xf32, #tpu.memory_space<vmem>>
            %dma_start3A_301 = tpu.memref_squeeze %dma_start3A_300 : memref<1x128x128xf32, #tpu.memory_space<vmem>> -> memref<128x128xf32, #tpu.memory_space<vmem>>
            %dma_start3A_302 = arith.constant 0 : i32
            %dma_start3A_303 = tpu.memref_slice %arg4[%mul3A_297, %dma_start3A_302] : memref<30720x128xf32, #tpu.memory_space<hbm>> -> memref<128x128xf32, #tpu.memory_space<hbm>>
            %dma_start3A_304 = tpu.memref_slice %run_scoped3A_19[%rem3A_295] : memref<2x!tpu.dma_semaphore, #tpu.memory_space<semaphore_mem>> -> memref<1x!tpu.dma_semaphore, #tpu.memory_space<semaphore_mem>>
            %dma_start3A_305 = tpu.memref_squeeze %dma_start3A_304 : memref<1x!tpu.dma_semaphore, #tpu.memory_space<semaphore_mem>> -> memref<!tpu.dma_semaphore, #tpu.memory_space<semaphore_mem>>
            %dma_start3A_306 = arith.constant 0 : i32
            %dma_start3A_307 = tpu.memref_slice %arg4[%mul3A_297, %dma_start3A_306] : memref<30720x128xf32, #tpu.memory_space<hbm>> -> memref<128x128xf32, #tpu.memory_space<hbm>>
            %dma_start3A_308 = arith.constant 0 : i32
            %dma_start3A_309 = arith.constant 0 : i32
            %dma_start3A_310 = tpu.memref_slice %run_scoped3A_18[%rem3A_295, %dma_start3A_308, %dma_start3A_309] : memref<2x128x128xf32, #tpu.memory_space<vmem>> -> memref<1x128x128xf32, #tpu.memory_space<vmem>>
            %dma_start3A_311 = tpu.memref_squeeze %dma_start3A_310 : memref<1x128x128xf32, #tpu.memory_space<vmem>> -> memref<128x128xf32, #tpu.memory_space<vmem>>
            tpu.enqueue_dma source(%dma_start3A_311 : memref<128x128xf32, #tpu.memory_space<vmem>>) target(%dma_start3A_307 : memref<128x128xf32, #tpu.memory_space<hbm>>) target_semaphore(%dma_start3A_305 : memref<!tpu.dma_semaphore, #tpu.memory_space<semaphore_mem>>)
            "tpu.trace_stop"() : () -> ()
          } else {
          }
          %and3A_248 = arith.constant true
          %and3A_249 = arith.andi %or3A_244, %and3A_248 : i1
          %add3A_250 = arith.constant 1 : i32
          %add3A_251 = arith.addi %while3A_145, %add3A_250 : i32
          %select_n3A_252 = arith.select %and3A_249, %add3A_251, %while3A_145 : i32
          %ne3A_253 = arith.cmpi ne, %add3A_155, %add3A_165 : i32
          %or3A_254 = arith.constant false
          %or3A_255 = arith.ori %or3A_254, %ne3A_253 : i1
          %not3A_256 = arith.constant true
          %not3A_257 = arith.xori %eq3A_151, %not3A_256 : i1
          %and3A_258 = arith.andi %or3A_255, %not3A_257 : i1
          %convert_element_type3A_259 = arith.extui %and3A_258 : i1 to i32
          %cond3A_260 = arith.constant 0 : i32
          %cond3A_261 = arith.cmpi ne, %convert_element_type3A_259, %cond3A_260 : i32
          scf.if %cond3A_261 {
          } else {
          }
          %and3A_262 = arith.constant false
          %and3A_263 = arith.andi %and3A_258, %and3A_262 : i1
          %ne3A_264 = arith.cmpi ne, %add3A_155, %add3A_165 : i32
          %or3A_265 = arith.constant false
          %or3A_266 = arith.ori %or3A_265, %ne3A_264 : i1
          %or3A_267 = arith.constant false
          %or3A_268 = arith.ori %or3A_266, %or3A_267 : i1
          %not3A_269 = arith.constant true
          %not3A_270 = arith.xori %eq3A_151, %not3A_269 : i1
          %and3A_271 = arith.andi %or3A_268, %not3A_270 : i1
          %convert_element_type3A_272 = arith.extui %and3A_271 : i1 to i32
          %cond3A_273 = arith.constant 0 : i32
          %cond3A_274 = arith.cmpi ne, %convert_element_type3A_272, %cond3A_273 : i32
          scf.if %cond3A_274 {
            "tpu.trace_start"() <{level = 10 : i32, message = "ep_wait_out"}> : () -> ()
            %rem3A_294 = arith.constant 2 : i32
            %rem3A_295 = arith.remui %while3A_146, %rem3A_294 : i32
            %mul3A_296 = arith.constant 128 : i32
            %mul3A_297 = arith.muli %mul3A_296, %add3A_165 : i32
            %dma_wait3A = arith.constant 0 : i32
            %dma_wait3A_298 = arith.constant 0 : i32
            %dma_wait3A_299 = tpu.memref_slice %run_scoped3A_18[%rem3A_295, %dma_wait3A, %dma_wait3A_298] : memref<2x128x128xf32, #tpu.memory_space<vmem>> -> memref<1x128x128xf32, #tpu.memory_space<vmem>>
            %dma_wait3A_300 = tpu.memref_squeeze %dma_wait3A_299 : memref<1x128x128xf32, #tpu.memory_space<vmem>> -> memref<128x128xf32, #tpu.memory_space<vmem>>
            %dma_wait3A_301 = arith.constant 0 : i32
            %dma_wait3A_302 = tpu.memref_slice %arg4[%mul3A_297, %dma_wait3A_301] : memref<30720x128xf32, #tpu.memory_space<hbm>> -> memref<128x128xf32, #tpu.memory_space<hbm>>
            %dma_wait3A_303 = tpu.memref_slice %run_scoped3A_19[%rem3A_295] : memref<2x!tpu.dma_semaphore, #tpu.memory_space<semaphore_mem>> -> memref<1x!tpu.dma_semaphore, #tpu.memory_space<semaphore_mem>>
            %dma_wait3A_304 = tpu.memref_squeeze %dma_wait3A_303 : memref<1x!tpu.dma_semaphore, #tpu.memory_space<semaphore_mem>> -> memref<!tpu.dma_semaphore, #tpu.memory_space<semaphore_mem>>
            %dma_wait3A_305 = arith.constant 0 : i32
            %dma_wait3A_306 = tpu.memref_slice %arg4[%mul3A_297, %dma_wait3A_305] : memref<30720x128xf32, #tpu.memory_space<hbm>> -> memref<128x128xf32, #tpu.memory_space<hbm>>
            %dma_wait3A_307 = arith.constant 0 : i32
            %dma_wait3A_308 = arith.constant 0 : i32
            %dma_wait3A_309 = tpu.memref_slice %run_scoped3A_18[%rem3A_295, %dma_wait3A_307, %dma_wait3A_308] : memref<2x128x128xf32, #tpu.memory_space<vmem>> -> memref<1x128x128xf32, #tpu.memory_space<vmem>>
            %dma_wait3A_310 = tpu.memref_squeeze %dma_wait3A_309 : memref<1x128x128xf32, #tpu.memory_space<vmem>> -> memref<128x128xf32, #tpu.memory_space<vmem>>
            tpu.wait_dma2 semaphore(%dma_wait3A_304 : memref<!tpu.dma_semaphore, #tpu.memory_space<semaphore_mem>>) src(%dma_wait3A_310 : memref<128x128xf32, #tpu.memory_space<vmem>>) dst(%dma_wait3A_306 : memref<128x128xf32, #tpu.memory_space<hbm>>)
            "tpu.trace_stop"() : () -> ()
          } else {
          }
          %and3A_275 = arith.constant true
          %and3A_276 = arith.andi %and3A_271, %and3A_275 : i1
          %add3A_277 = arith.constant 1 : i32
          %add3A_278 = arith.addi %while3A_146, %add3A_277 : i32
          %select_n3A_279 = arith.select %and3A_276, %add3A_278, %while3A_146 : i32
          %ne3A_280 = arith.cmpi ne, %add3A_155, %add3A_173 : i32
          %or3A_281 = arith.constant false
          %or3A_282 = arith.ori %or3A_281, %ne3A_280 : i1
          %or3A_283 = arith.ori %or3A_282, %eq3A_154 : i1
          %add3A_284 = arith.constant 1 : i32
          %add3A_285 = arith.addi %while3A_144, %add3A_284 : i32
          %select_n3A_286 = arith.select %or3A_283, %add3A_285, %while3A_144 : i32
          %add3A_287 = arith.constant 1 : i32
          %add3A_288 = arith.addi %while3A_147, %add3A_287 : i32
          %select_n3A_289 = arith.constant true
          %select_n3A_290 = arith.select %select_n3A_289, %add3A_288, %while3A_147 : i32
          %eq3A_291 = arith.cmpi eq, %select_n3A_290, %select_n3A : i32
          %select_n3A_292 = arith.constant 0 : i32
          %select_n3A_293 = arith.select %eq3A_291, %select_n3A_292, %select_n3A_290 : i32
          scf.yield %select_n3A_195, %select_n3A_286, %select_n3A_252, %select_n3A_279, %select_n3A_293 : i32, i32, i32, i32, i32
        }
        %sub3A_91 = arith.constant 1 : i32
        %sub3A_92 = arith.subi %while3A_90#4, %sub3A_91 : i32
        %select_n3A_93 = arith.constant true
        %select_n3A_94 = arith.select %select_n3A_93, %sub3A_92, %while3A_90#4 : i32
        %eq3A_95 = arith.constant -1 : i32
        %eq3A_96 = arith.cmpi eq, %select_n3A_94, %eq3A_95 : i32
        %sub3A_97 = arith.constant 1 : i32
        %sub3A_98 = arith.subi %select_n3A, %sub3A_97 : i32
        %select_n3A_99 = arith.select %eq3A_96, %sub3A_98, %select_n3A_94 : i32
        %sub3A_100 = arith.constant 1 : i32
        %sub3A_101 = arith.subi %mul3A_16, %sub3A_100 : i32
        %mul3A_102 = arith.constant 1 : i32
        %mul3A_103 = arith.muli %mul3A_102, %select_n3A : i32
        %eq3A_104 = arith.constant 0 : i32
        %eq3A_105 = arith.cmpi eq, %sub3A_101, %eq3A_104 : i32
        %sub3A_106 = arith.constant 1 : i32
        %sub3A_107 = arith.subi %mul3A_103, %sub3A_106 : i32
        %eq3A_108 = arith.cmpi eq, %sub3A_101, %sub3A_107 : i32
        %add3A_109 = arith.addi %select_n3A_99, %select_n3A_14 : i32
        %sub3A_110 = arith.constant 1 : i32
        %sub3A_111 = arith.subi %select_n3A_99, %sub3A_110 : i32
        %select_n3A_112 = arith.constant true
        %select_n3A_113 = arith.select %select_n3A_112, %sub3A_111, %select_n3A_99 : i32
        %eq3A_114 = arith.constant -1 : i32
        %eq3A_115 = arith.cmpi eq, %select_n3A_113, %eq3A_114 : i32
        %sub3A_116 = arith.constant 1 : i32
        %sub3A_117 = arith.subi %select_n3A, %sub3A_116 : i32
        %select_n3A_118 = arith.select %eq3A_115, %sub3A_117, %select_n3A_113 : i32
        %add3A_119 = arith.addi %select_n3A_118, %select_n3A_14 : i32
        %add3A_120 = arith.constant 1 : i32
        %add3A_121 = arith.addi %select_n3A_99, %add3A_120 : i32
        %select_n3A_122 = arith.constant true
        %select_n3A_123 = arith.select %select_n3A_122, %add3A_121, %select_n3A_99 : i32
        %eq3A_124 = arith.cmpi eq, %select_n3A_123, %select_n3A : i32
        %select_n3A_125 = arith.constant 0 : i32
        %select_n3A_126 = arith.select %eq3A_124, %select_n3A_125, %select_n3A_123 : i32
        %add3A_127 = arith.addi %select_n3A_126, %select_n3A_14 : i32
        %add3A_128 = arith.constant 1 : i32
        %add3A_129 = arith.addi %select_n3A_126, %add3A_128 : i32
        %select_n3A_130 = arith.constant true
        %select_n3A_131 = arith.select %select_n3A_130, %add3A_129, %select_n3A_126 : i32
        %eq3A_132 = arith.cmpi eq, %select_n3A_131, %select_n3A : i32
        %select_n3A_133 = arith.constant 0 : i32
        %select_n3A_134 = arith.select %eq3A_132, %select_n3A_133, %select_n3A_131 : i32
        %add3A_135 = arith.addi %select_n3A_134, %select_n3A_14 : i32
        %convert_element_type3A_136 = arith.extui %eq3A_108 : i1 to i32
        %cond3A_137 = arith.constant 0 : i32
        %cond3A_138 = arith.cmpi ne, %convert_element_type3A_136, %cond3A_137 : i32
        scf.if %cond3A_138 {
        } else {
        }
        %convert_element_type3A_139 = arith.extui %eq3A_108 : i1 to i32
        %cond3A_140 = arith.constant 0 : i32
        %cond3A_141 = arith.cmpi ne, %convert_element_type3A_139, %cond3A_140 : i32
        scf.if %cond3A_141 {
          "tpu.trace_start"() <{level = 10 : i32, message = "ep_finalize"}> : () -> ()
          %rem3A_142 = arith.constant 2 : i32
          %rem3A_143 = arith.remui %while3A_90#3, %rem3A_142 : i32
          %mul3A_144 = arith.constant 128 : i32
          %mul3A_145 = arith.muli %mul3A_144, %add3A_109 : i32
          %dma_wait3A = arith.constant 0 : i32
          %dma_wait3A_146 = arith.constant 0 : i32
          %dma_wait3A_147 = tpu.memref_slice %run_scoped3A_18[%rem3A_143, %dma_wait3A, %dma_wait3A_146] : memref<2x128x128xf32, #tpu.memory_space<vmem>> -> memref<1x128x128xf32, #tpu.memory_space<vmem>>
          %dma_wait3A_148 = tpu.memref_squeeze %dma_wait3A_147 : memref<1x128x128xf32, #tpu.memory_space<vmem>> -> memref<128x128xf32, #tpu.memory_space<vmem>>
          %dma_wait3A_149 = arith.constant 0 : i32
          %dma_wait3A_150 = tpu.memref_slice %arg4[%mul3A_145, %dma_wait3A_149] : memref<30720x128xf32, #tpu.memory_space<hbm>> -> memref<128x128xf32, #tpu.memory_space<hbm>>
          %dma_wait3A_151 = tpu.memref_slice %run_scoped3A_19[%rem3A_143] : memref<2x!tpu.dma_semaphore, #tpu.memory_space<semaphore_mem>> -> memref<1x!tpu.dma_semaphore, #tpu.memory_space<semaphore_mem>>
          %dma_wait3A_152 = tpu.memref_squeeze %dma_wait3A_151 : memref<1x!tpu.dma_semaphore, #tpu.memory_space<semaphore_mem>> -> memref<!tpu.dma_semaphore, #tpu.memory_space<semaphore_mem>>
          %dma_wait3A_153 = arith.constant 0 : i32
          %dma_wait3A_154 = tpu.memref_slice %arg4[%mul3A_145, %dma_wait3A_153] : memref<30720x128xf32, #tpu.memory_space<hbm>> -> memref<128x128xf32, #tpu.memory_space<hbm>>
          %dma_wait3A_155 = arith.constant 0 : i32
          %dma_wait3A_156 = arith.constant 0 : i32
          %dma_wait3A_157 = tpu.memref_slice %run_scoped3A_18[%rem3A_143, %dma_wait3A_155, %dma_wait3A_156] : memref<2x128x128xf32, #tpu.memory_space<vmem>> -> memref<1x128x128xf32, #tpu.memory_space<vmem>>
          %dma_wait3A_158 = tpu.memref_squeeze %dma_wait3A_157 : memref<1x128x128xf32, #tpu.memory_space<vmem>> -> memref<128x128xf32, #tpu.memory_space<vmem>>
          tpu.wait_dma2 semaphore(%dma_wait3A_152 : memref<!tpu.dma_semaphore, #tpu.memory_space<semaphore_mem>>) src(%dma_wait3A_158 : memref<128x128xf32, #tpu.memory_space<vmem>>) dst(%dma_wait3A_154 : memref<128x128xf32, #tpu.memory_space<hbm>>)
          "tpu.trace_stop"() : () -> ()
        } else {
        }
      } else {
      }
      tpu.yield
    }) : () -> ()
    return
  }
}

module attributes {stable_mosaic.version = 14 : i64} {
  func.func @_tree_body(%arg0: i32, %arg1: memref<1x1024x512xf32, #tpu.memory_space<vmem>>, %arg2: memref<1x512x512xf32, #tpu.memory_space<vmem>>, %arg3: memref<1x256x512xf32, #tpu.memory_space<vmem>>, %arg4: memref<1x128x512xf32, #tpu.memory_space<vmem>>, %arg5: memref<1x1024x128xf32, #tpu.memory_space<vmem>>, %arg6: memref<1x512x128xf32, #tpu.memory_space<vmem>>, %arg7: memref<1x256x128xf32, #tpu.memory_space<vmem>>, %arg8: memref<1x128x128xf32, #tpu.memory_space<vmem>>, %arg9: memref<256x128xf32, #tpu.memory_space<vmem>>, %arg10: memref<40x256xf32, #tpu.memory_space<vmem>>, %arg11: memref<8x256xf32, #tpu.memory_space<vmem>>, %arg12: memref<1x256xf32, #tpu.memory_space<vmem>>, %arg13: memref<512x256xf32, #tpu.memory_space<vmem>>, %arg14: memref<1x256xf32, #tpu.memory_space<vmem>>, %arg15: memref<16x256xf32, #tpu.memory_space<vmem>>, %arg16: memref<1x256xf32, #tpu.memory_space<vmem>>, %arg17: memref<16x256xf32, #tpu.memory_space<vmem>>, %arg18: memref<128x256xf32, #tpu.memory_space<vmem>>, %arg19: memref<1x2048x128xf32, #tpu.memory_space<vmem>>) attributes {dimension_semantics = [#tpu.dimension_semantics<arbitrary>], iteration_bounds = array<i64: 4>, scalar_prefetch = 0 : i64, scratch_operands = 0 : i64, tpu.core_type = #tpu.core_type<tc>, window_params = [{transform_indices = @transform_0, window_bounds = array<i64: 1, 1024, 512>}, {transform_indices = @transform_1, window_bounds = array<i64: 1, 512, 512>}, {transform_indices = @transform_2, window_bounds = array<i64: 1, 256, 512>}, {transform_indices = @transform_3, window_bounds = array<i64: 1, 128, 512>}, {transform_indices = @transform_4, window_bounds = array<i64: 1, 1024, 128>}, {transform_indices = @transform_5, window_bounds = array<i64: 1, 512, 128>}, {transform_indices = @transform_6, window_bounds = array<i64: 1, 256, 128>}, {transform_indices = @transform_7, window_bounds = array<i64: 1, 128, 128>}, {pipeline_mode = #tpu.pipeline_mode<synchronous>, transform_indices = @transform_8, window_bounds = array<i64: 256, 128>}, {pipeline_mode = #tpu.pipeline_mode<synchronous>, transform_indices = @transform_9, window_bounds = array<i64: 40, 256>}, {pipeline_mode = #tpu.pipeline_mode<synchronous>, transform_indices = @transform_10, window_bounds = array<i64: 8, 256>}, {pipeline_mode = #tpu.pipeline_mode<synchronous>, transform_indices = @transform_11, window_bounds = array<i64: 1, 256>}, {pipeline_mode = #tpu.pipeline_mode<synchronous>, transform_indices = @transform_12, window_bounds = array<i64: 512, 256>}, {pipeline_mode = #tpu.pipeline_mode<synchronous>, transform_indices = @transform_13, window_bounds = array<i64: 1, 256>}, {pipeline_mode = #tpu.pipeline_mode<synchronous>, transform_indices = @transform_14, window_bounds = array<i64: 16, 256>}, {pipeline_mode = #tpu.pipeline_mode<synchronous>, transform_indices = @transform_15, window_bounds = array<i64: 1, 256>}, {pipeline_mode = #tpu.pipeline_mode<synchronous>, transform_indices = @transform_16, window_bounds = array<i64: 16, 256>}, {pipeline_mode = #tpu.pipeline_mode<synchronous>, transform_indices = @transform_17, window_bounds = array<i64: 128, 256>}, {transform_indices = @transform_18, window_bounds = array<i64: 1, 2048, 128>}]} {
    %get3A = arith.constant 0 : index
    %get3A_0 = arith.constant 0 : index
    %get3A_1 = vector.load %arg12[%get3A, %get3A_0] : memref<1x256xf32, #tpu.memory_space<vmem>>, vector<1x256xf32>
    %get3A_2 = arith.constant 0 : index
    %get3A_3 = arith.constant 0 : index
    %get3A_4 = vector.load %arg14[%get3A_2, %get3A_3] : memref<1x256xf32, #tpu.memory_space<vmem>>, vector<1x256xf32>
    %get3A_5 = arith.constant 0 : index
    %get3A_6 = arith.constant 0 : index
    %get3A_7 = vector.load %arg16[%get3A_5, %get3A_6] : memref<1x256xf32, #tpu.memory_space<vmem>>, vector<1x256xf32>
    %get3A_8 = arith.constant 0 : index
    %get3A_9 = arith.constant 0 : index
    %get3A_10 = arith.constant 0 : index
    %get3A_11 = vector.load %arg1[%get3A_8, %get3A_9, %get3A_10] : memref<1x1024x512xf32, #tpu.memory_space<vmem>>, vector<1x1024x512xf32>
    %get3A_12 = vector.shape_cast %get3A_11 : vector<1x1024x512xf32> to vector<1024x512xf32>
    %get3A_13 = arith.constant 0 : index
    %get3A_14 = arith.constant 0 : index
    %get3A_15 = arith.constant 0 : index
    %get3A_16 = vector.load %arg5[%get3A_13, %get3A_14, %get3A_15] : memref<1x1024x128xf32, #tpu.memory_space<vmem>>, vector<1x1024x128xf32>
    %get3A_17 = vector.shape_cast %get3A_16 : vector<1x1024x128xf32> to vector<1024x128xf32>
    %get3A_18 = arith.constant 0 : index
    %get3A_19 = arith.constant 0 : index
    %get3A_20 = vector.load %arg13[%get3A_18, %get3A_19] : memref<512x256xf32, #tpu.memory_space<vmem>>, vector<512x256xf32>
    %dot_general3A = arith.constant dense<0.000000e+00> : vector<1024x256xf32>
    %dot_general3A_21 = tpu.matmul %get3A_12, %get3A_20, %dot_general3A {dimension_numbers = #tpu.dot_dimension_numbers<[1], [0], [0], [1], [0, 0, 1, 1], [], []>, transpose_lhs_hint = false} : vector<1024x512xf32>, vector<512x256xf32>, vector<1024x256xf32> -> vector<1024x256xf32>
    %add3A = vector.broadcast %get3A_4 : vector<1x256xf32> to vector<1024x256xf32>
    %add3A_22 = arith.addf %add3A, %dot_general3A_21 : vector<1024x256xf32>
    %logistic3A = arith.negf %add3A_22 : vector<1024x256xf32>
    %logistic3A_23 = math.exp %logistic3A : vector<1024x256xf32>
    %logistic3A_24 = arith.constant 1.000000e+00 : f32
    %logistic3A_25 = vector.broadcast %logistic3A_24 : f32 to vector<1024x256xf32>
    %logistic3A_26 = arith.addf %logistic3A_25, %logistic3A_23 : vector<1024x256xf32>
    %logistic3A_27 = arith.divf %logistic3A_25, %logistic3A_26 : vector<1024x256xf32>
    %mul3A = arith.mulf %add3A_22, %logistic3A_27 : vector<1024x256xf32>
    %get3A_28 = arith.constant 0 : index
    %get3A_29 = arith.constant 0 : index
    %get3A_30 = vector.load %arg9[%get3A_28, %get3A_29] : memref<256x128xf32, #tpu.memory_space<vmem>>, vector<256x128xf32>
    %dot_general3A_31 = arith.constant dense<0.000000e+00> : vector<1024x256xf32>
    %dot_general3A_32 = tpu.matmul %get3A_17, %get3A_30, %dot_general3A_31 {dimension_numbers = #tpu.dot_dimension_numbers<[1], [1], [0], [0], [0, 0, 1, 0], [], []>, transpose_lhs_hint = false} : vector<1024x128xf32>, vector<256x128xf32>, vector<1024x256xf32> -> vector<1024x256xf32>
    %get3A_33 = arith.constant 0 : index
    %get3A_34 = arith.constant 0 : index
    %get3A_35 = vector.load %arg10[%get3A_33, %get3A_34] : memref<40x256xf32, #tpu.memory_space<vmem>>, vector<40x256xf32>
    %dot_general3A_36 = arith.constant dense<0.000000e+00> : vector<1024x40xf32>
    %dot_general3A_37 = tpu.matmul %mul3A, %get3A_35, %dot_general3A_36 {dimension_numbers = #tpu.dot_dimension_numbers<[1], [1], [0], [0], [0, 0, 1, 0], [], []>, transpose_lhs_hint = false} : vector<1024x256xf32>, vector<40x256xf32>, vector<1024x40xf32> -> vector<1024x40xf32>
    %slice3A = vector.extract_strided_slice %dot_general3A_37 {offsets = [0, 0], sizes = [1024, 8], strides = [1, 1]} : vector<1024x40xf32> to vector<1024x8xf32>
    %get3A_38 = arith.constant 0 : index
    %get3A_39 = arith.constant 0 : index
    %get3A_40 = vector.load %arg11[%get3A_38, %get3A_39] : memref<8x256xf32, #tpu.memory_space<vmem>>, vector<8x256xf32>
    %dot_general3A_41 = arith.constant dense<0.000000e+00> : vector<1024x256xf32>
    %dot_general3A_42 = tpu.matmul %slice3A, %get3A_40, %dot_general3A_41 {dimension_numbers = #tpu.dot_dimension_numbers<[1], [0], [0], [1], [0, 0, 1, 1], [], []>, transpose_lhs_hint = false} : vector<1024x8xf32>, vector<8x256xf32>, vector<1024x256xf32> -> vector<1024x256xf32>
    %add3A_43 = vector.broadcast %get3A_1 : vector<1x256xf32> to vector<1024x256xf32>
    %add3A_44 = arith.addf %dot_general3A_42, %add3A_43 : vector<1024x256xf32>
    %max3A = arith.constant 0.000000e+00 : f32
    %max3A_45 = vector.broadcast %max3A : f32 to vector<1024x256xf32>
    %max3A_46 = arith.maximumf %add3A_44, %max3A_45 : vector<1024x256xf32>
    %abs3A = math.absf %add3A_44 : vector<1024x256xf32>
    %neg3A = arith.constant 0.000000e+00 : f32
    %neg3A_47 = vector.broadcast %neg3A : f32 to vector<1024x256xf32>
    %neg3A_48 = arith.subf %neg3A_47, %abs3A : vector<1024x256xf32>
    %exp3A = math.exp %neg3A_48 : vector<1024x256xf32>
    %log1p3A = math.log1p %exp3A : vector<1024x256xf32>
    %add3A_49 = arith.addf %max3A_46, %log1p3A : vector<1024x256xf32>
    %mul3A_50 = arith.mulf %mul3A, %add3A_49 : vector<1024x256xf32>
    %convert_element_type3A = arith.truncf %mul3A_50 : vector<1024x256xf32> to vector<1024x256xbf16>
    %convert_element_type3A_51 = arith.truncf %dot_general3A_37 : vector<1024x40xf32> to vector<1024x40xbf16>
    %mul3A_52 = vector.broadcast %get3A_7 : vector<1x256xf32> to vector<1024x256xf32>
    %mul3A_53 = arith.mulf %mul3A_52, %mul3A : vector<1024x256xf32>
    %slice3A_54 = vector.extract_strided_slice %convert_element_type3A_51 {offsets = [0, 8], sizes = [1024, 1], strides = [1, 1]} : vector<1024x40xbf16> to vector<1024x1xbf16>
    %slice3A_55 = vector.extract_strided_slice %convert_element_type3A_51 {offsets = [0, 24], sizes = [1024, 1], strides = [1, 1]} : vector<1024x40xbf16> to vector<1024x1xbf16>
    %mul3A_56 = vector.broadcast %slice3A_54 : vector<1024x1xbf16> to vector<1024x256xbf16>
    %mul3A_57 = arith.mulf %convert_element_type3A, %mul3A_56 : vector<1024x256xbf16>
    %mul3A_58 = vector.broadcast %slice3A_55 : vector<1024x1xbf16> to vector<1024x256xbf16>
    %mul3A_59 = arith.mulf %mul3A_57, %mul3A_58 : vector<1024x256xbf16>
    %convert_element_type3A_60 = arith.extf %mul3A_59 : vector<1024x256xbf16> to vector<1024x256xf32>
    %add3A_61 = arith.addf %mul3A_53, %convert_element_type3A_60 : vector<1024x256xf32>
    %slice3A_62 = vector.extract_strided_slice %convert_element_type3A_51 {offsets = [0, 9], sizes = [1024, 1], strides = [1, 1]} : vector<1024x40xbf16> to vector<1024x1xbf16>
    %slice3A_63 = vector.extract_strided_slice %convert_element_type3A_51 {offsets = [0, 25], sizes = [1024, 1], strides = [1, 1]} : vector<1024x40xbf16> to vector<1024x1xbf16>
    %mul3A_64 = vector.broadcast %slice3A_62 : vector<1024x1xbf16> to vector<1024x256xbf16>
    %mul3A_65 = arith.mulf %convert_element_type3A, %mul3A_64 : vector<1024x256xbf16>
    %mul3A_66 = vector.broadcast %slice3A_63 : vector<1024x1xbf16> to vector<1024x256xbf16>
    %mul3A_67 = arith.mulf %mul3A_65, %mul3A_66 : vector<1024x256xbf16>
    %convert_element_type3A_68 = arith.extf %mul3A_67 : vector<1024x256xbf16> to vector<1024x256xf32>
    %add3A_69 = arith.addf %add3A_61, %convert_element_type3A_68 : vector<1024x256xf32>
    %slice3A_70 = vector.extract_strided_slice %convert_element_type3A_51 {offsets = [0, 10], sizes = [1024, 1], strides = [1, 1]} : vector<1024x40xbf16> to vector<1024x1xbf16>
    %slice3A_71 = vector.extract_strided_slice %convert_element_type3A_51 {offsets = [0, 26], sizes = [1024, 1], strides = [1, 1]} : vector<1024x40xbf16> to vector<1024x1xbf16>
    %mul3A_72 = vector.broadcast %slice3A_70 : vector<1024x1xbf16> to vector<1024x256xbf16>
    %mul3A_73 = arith.mulf %convert_element_type3A, %mul3A_72 : vector<1024x256xbf16>
    %mul3A_74 = vector.broadcast %slice3A_71 : vector<1024x1xbf16> to vector<1024x256xbf16>
    %mul3A_75 = arith.mulf %mul3A_73, %mul3A_74 : vector<1024x256xbf16>
    %convert_element_type3A_76 = arith.extf %mul3A_75 : vector<1024x256xbf16> to vector<1024x256xf32>
    %add3A_77 = arith.addf %add3A_69, %convert_element_type3A_76 : vector<1024x256xf32>
    %slice3A_78 = vector.extract_strided_slice %convert_element_type3A_51 {offsets = [0, 11], sizes = [1024, 1], strides = [1, 1]} : vector<1024x40xbf16> to vector<1024x1xbf16>
    %slice3A_79 = vector.extract_strided_slice %convert_element_type3A_51 {offsets = [0, 27], sizes = [1024, 1], strides = [1, 1]} : vector<1024x40xbf16> to vector<1024x1xbf16>
    %mul3A_80 = vector.broadcast %slice3A_78 : vector<1024x1xbf16> to vector<1024x256xbf16>
    %mul3A_81 = arith.mulf %convert_element_type3A, %mul3A_80 : vector<1024x256xbf16>
    %mul3A_82 = vector.broadcast %slice3A_79 : vector<1024x1xbf16> to vector<1024x256xbf16>
    %mul3A_83 = arith.mulf %mul3A_81, %mul3A_82 : vector<1024x256xbf16>
    %convert_element_type3A_84 = arith.extf %mul3A_83 : vector<1024x256xbf16> to vector<1024x256xf32>
    %add3A_85 = arith.addf %add3A_77, %convert_element_type3A_84 : vector<1024x256xf32>
    %slice3A_86 = vector.extract_strided_slice %convert_element_type3A_51 {offsets = [0, 12], sizes = [1024, 1], strides = [1, 1]} : vector<1024x40xbf16> to vector<1024x1xbf16>
    %slice3A_87 = vector.extract_strided_slice %convert_element_type3A_51 {offsets = [0, 28], sizes = [1024, 1], strides = [1, 1]} : vector<1024x40xbf16> to vector<1024x1xbf16>
    %mul3A_88 = vector.broadcast %slice3A_86 : vector<1024x1xbf16> to vector<1024x256xbf16>
    %mul3A_89 = arith.mulf %convert_element_type3A, %mul3A_88 : vector<1024x256xbf16>
    %mul3A_90 = vector.broadcast %slice3A_87 : vector<1024x1xbf16> to vector<1024x256xbf16>
    %mul3A_91 = arith.mulf %mul3A_89, %mul3A_90 : vector<1024x256xbf16>
    %convert_element_type3A_92 = arith.extf %mul3A_91 : vector<1024x256xbf16> to vector<1024x256xf32>
    %add3A_93 = arith.addf %add3A_85, %convert_element_type3A_92 : vector<1024x256xf32>
    %slice3A_94 = vector.extract_strided_slice %convert_element_type3A_51 {offsets = [0, 13], sizes = [1024, 1], strides = [1, 1]} : vector<1024x40xbf16> to vector<1024x1xbf16>
    %slice3A_95 = vector.extract_strided_slice %convert_element_type3A_51 {offsets = [0, 29], sizes = [1024, 1], strides = [1, 1]} : vector<1024x40xbf16> to vector<1024x1xbf16>
    %mul3A_96 = vector.broadcast %slice3A_94 : vector<1024x1xbf16> to vector<1024x256xbf16>
    %mul3A_97 = arith.mulf %convert_element_type3A, %mul3A_96 : vector<1024x256xbf16>
    %mul3A_98 = vector.broadcast %slice3A_95 : vector<1024x1xbf16> to vector<1024x256xbf16>
    %mul3A_99 = arith.mulf %mul3A_97, %mul3A_98 : vector<1024x256xbf16>
    %convert_element_type3A_100 = arith.extf %mul3A_99 : vector<1024x256xbf16> to vector<1024x256xf32>
    %add3A_101 = arith.addf %add3A_93, %convert_element_type3A_100 : vector<1024x256xf32>
    %slice3A_102 = vector.extract_strided_slice %convert_element_type3A_51 {offsets = [0, 14], sizes = [1024, 1], strides = [1, 1]} : vector<1024x40xbf16> to vector<1024x1xbf16>
    %slice3A_103 = vector.extract_strided_slice %convert_element_type3A_51 {offsets = [0, 30], sizes = [1024, 1], strides = [1, 1]} : vector<1024x40xbf16> to vector<1024x1xbf16>
    %mul3A_104 = vector.broadcast %slice3A_102 : vector<1024x1xbf16> to vector<1024x256xbf16>
    %mul3A_105 = arith.mulf %convert_element_type3A, %mul3A_104 : vector<1024x256xbf16>
    %mul3A_106 = vector.broadcast %slice3A_103 : vector<1024x1xbf16> to vector<1024x256xbf16>
    %mul3A_107 = arith.mulf %mul3A_105, %mul3A_106 : vector<1024x256xbf16>
    %convert_element_type3A_108 = arith.extf %mul3A_107 : vector<1024x256xbf16> to vector<1024x256xf32>
    %add3A_109 = arith.addf %add3A_101, %convert_element_type3A_108 : vector<1024x256xf32>
    %slice3A_110 = vector.extract_strided_slice %convert_element_type3A_51 {offsets = [0, 15], sizes = [1024, 1], strides = [1, 1]} : vector<1024x40xbf16> to vector<1024x1xbf16>
    %slice3A_111 = vector.extract_strided_slice %convert_element_type3A_51 {offsets = [0, 31], sizes = [1024, 1], strides = [1, 1]} : vector<1024x40xbf16> to vector<1024x1xbf16>
    %mul3A_112 = vector.broadcast %slice3A_110 : vector<1024x1xbf16> to vector<1024x256xbf16>
    %mul3A_113 = arith.mulf %convert_element_type3A, %mul3A_112 : vector<1024x256xbf16>
    %mul3A_114 = vector.broadcast %slice3A_111 : vector<1024x1xbf16> to vector<1024x256xbf16>
    %mul3A_115 = arith.mulf %mul3A_113, %mul3A_114 : vector<1024x256xbf16>
    %convert_element_type3A_116 = arith.extf %mul3A_115 : vector<1024x256xbf16> to vector<1024x256xf32>
    %add3A_117 = arith.addf %add3A_109, %convert_element_type3A_116 : vector<1024x256xf32>
    %slice3A_118 = vector.extract_strided_slice %convert_element_type3A_51 {offsets = [0, 16], sizes = [1024, 1], strides = [1, 1]} : vector<1024x40xbf16> to vector<1024x1xbf16>
    %slice3A_119 = vector.extract_strided_slice %convert_element_type3A_51 {offsets = [0, 32], sizes = [1024, 1], strides = [1, 1]} : vector<1024x40xbf16> to vector<1024x1xbf16>
    %mul3A_120 = vector.broadcast %slice3A_118 : vector<1024x1xbf16> to vector<1024x256xbf16>
    %mul3A_121 = arith.mulf %convert_element_type3A, %mul3A_120 : vector<1024x256xbf16>
    %mul3A_122 = vector.broadcast %slice3A_119 : vector<1024x1xbf16> to vector<1024x256xbf16>
    %mul3A_123 = arith.mulf %mul3A_121, %mul3A_122 : vector<1024x256xbf16>
    %convert_element_type3A_124 = arith.extf %mul3A_123 : vector<1024x256xbf16> to vector<1024x256xf32>
    %add3A_125 = arith.addf %add3A_117, %convert_element_type3A_124 : vector<1024x256xf32>
    %slice3A_126 = vector.extract_strided_slice %convert_element_type3A_51 {offsets = [0, 17], sizes = [1024, 1], strides = [1, 1]} : vector<1024x40xbf16> to vector<1024x1xbf16>
    %slice3A_127 = vector.extract_strided_slice %convert_element_type3A_51 {offsets = [0, 33], sizes = [1024, 1], strides = [1, 1]} : vector<1024x40xbf16> to vector<1024x1xbf16>
    %mul3A_128 = vector.broadcast %slice3A_126 : vector<1024x1xbf16> to vector<1024x256xbf16>
    %mul3A_129 = arith.mulf %convert_element_type3A, %mul3A_128 : vector<1024x256xbf16>
    %mul3A_130 = vector.broadcast %slice3A_127 : vector<1024x1xbf16> to vector<1024x256xbf16>
    %mul3A_131 = arith.mulf %mul3A_129, %mul3A_130 : vector<1024x256xbf16>
    %convert_element_type3A_132 = arith.extf %mul3A_131 : vector<1024x256xbf16> to vector<1024x256xf32>
    %add3A_133 = arith.addf %add3A_125, %convert_element_type3A_132 : vector<1024x256xf32>
    %slice3A_134 = vector.extract_strided_slice %convert_element_type3A_51 {offsets = [0, 18], sizes = [1024, 1], strides = [1, 1]} : vector<1024x40xbf16> to vector<1024x1xbf16>
    %slice3A_135 = vector.extract_strided_slice %convert_element_type3A_51 {offsets = [0, 34], sizes = [1024, 1], strides = [1, 1]} : vector<1024x40xbf16> to vector<1024x1xbf16>
    %mul3A_136 = vector.broadcast %slice3A_134 : vector<1024x1xbf16> to vector<1024x256xbf16>
    %mul3A_137 = arith.mulf %convert_element_type3A, %mul3A_136 : vector<1024x256xbf16>
    %mul3A_138 = vector.broadcast %slice3A_135 : vector<1024x1xbf16> to vector<1024x256xbf16>
    %mul3A_139 = arith.mulf %mul3A_137, %mul3A_138 : vector<1024x256xbf16>
    %convert_element_type3A_140 = arith.extf %mul3A_139 : vector<1024x256xbf16> to vector<1024x256xf32>
    %add3A_141 = arith.addf %add3A_133, %convert_element_type3A_140 : vector<1024x256xf32>
    %slice3A_142 = vector.extract_strided_slice %convert_element_type3A_51 {offsets = [0, 19], sizes = [1024, 1], strides = [1, 1]} : vector<1024x40xbf16> to vector<1024x1xbf16>
    %slice3A_143 = vector.extract_strided_slice %convert_element_type3A_51 {offsets = [0, 35], sizes = [1024, 1], strides = [1, 1]} : vector<1024x40xbf16> to vector<1024x1xbf16>
    %mul3A_144 = vector.broadcast %slice3A_142 : vector<1024x1xbf16> to vector<1024x256xbf16>
    %mul3A_145 = arith.mulf %convert_element_type3A, %mul3A_144 : vector<1024x256xbf16>
    %mul3A_146 = vector.broadcast %slice3A_143 : vector<1024x1xbf16> to vector<1024x256xbf16>
    %mul3A_147 = arith.mulf %mul3A_145, %mul3A_146 : vector<1024x256xbf16>
    %convert_element_type3A_148 = arith.extf %mul3A_147 : vector<1024x256xbf16> to vector<1024x256xf32>
    %add3A_149 = arith.addf %add3A_141, %convert_element_type3A_148 : vector<1024x256xf32>
    %slice3A_150 = vector.extract_strided_slice %convert_element_type3A_51 {offsets = [0, 20], sizes = [1024, 1], strides = [1, 1]} : vector<1024x40xbf16> to vector<1024x1xbf16>
    %slice3A_151 = vector.extract_strided_slice %convert_element_type3A_51 {offsets = [0, 36], sizes = [1024, 1], strides = [1, 1]} : vector<1024x40xbf16> to vector<1024x1xbf16>
    %mul3A_152 = vector.broadcast %slice3A_150 : vector<1024x1xbf16> to vector<1024x256xbf16>
    %mul3A_153 = arith.mulf %convert_element_type3A, %mul3A_152 : vector<1024x256xbf16>
    %mul3A_154 = vector.broadcast %slice3A_151 : vector<1024x1xbf16> to vector<1024x256xbf16>
    %mul3A_155 = arith.mulf %mul3A_153, %mul3A_154 : vector<1024x256xbf16>
    %convert_element_type3A_156 = arith.extf %mul3A_155 : vector<1024x256xbf16> to vector<1024x256xf32>
    %add3A_157 = arith.addf %add3A_149, %convert_element_type3A_156 : vector<1024x256xf32>
    %slice3A_158 = vector.extract_strided_slice %convert_element_type3A_51 {offsets = [0, 21], sizes = [1024, 1], strides = [1, 1]} : vector<1024x40xbf16> to vector<1024x1xbf16>
    %slice3A_159 = vector.extract_strided_slice %convert_element_type3A_51 {offsets = [0, 37], sizes = [1024, 1], strides = [1, 1]} : vector<1024x40xbf16> to vector<1024x1xbf16>
    %mul3A_160 = vector.broadcast %slice3A_158 : vector<1024x1xbf16> to vector<1024x256xbf16>
    %mul3A_161 = arith.mulf %convert_element_type3A, %mul3A_160 : vector<1024x256xbf16>
    %mul3A_162 = vector.broadcast %slice3A_159 : vector<1024x1xbf16> to vector<1024x256xbf16>
    %mul3A_163 = arith.mulf %mul3A_161, %mul3A_162 : vector<1024x256xbf16>
    %convert_element_type3A_164 = arith.extf %mul3A_163 : vector<1024x256xbf16> to vector<1024x256xf32>
    %add3A_165 = arith.addf %add3A_157, %convert_element_type3A_164 : vector<1024x256xf32>
    %slice3A_166 = vector.extract_strided_slice %convert_element_type3A_51 {offsets = [0, 22], sizes = [1024, 1], strides = [1, 1]} : vector<1024x40xbf16> to vector<1024x1xbf16>
    %slice3A_167 = vector.extract_strided_slice %convert_element_type3A_51 {offsets = [0, 38], sizes = [1024, 1], strides = [1, 1]} : vector<1024x40xbf16> to vector<1024x1xbf16>
    %mul3A_168 = vector.broadcast %slice3A_166 : vector<1024x1xbf16> to vector<1024x256xbf16>
    %mul3A_169 = arith.mulf %convert_element_type3A, %mul3A_168 : vector<1024x256xbf16>
    %mul3A_170 = vector.broadcast %slice3A_167 : vector<1024x1xbf16> to vector<1024x256xbf16>
    %mul3A_171 = arith.mulf %mul3A_169, %mul3A_170 : vector<1024x256xbf16>
    %convert_element_type3A_172 = arith.extf %mul3A_171 : vector<1024x256xbf16> to vector<1024x256xf32>
    %add3A_173 = arith.addf %add3A_165, %convert_element_type3A_172 : vector<1024x256xf32>
    %slice3A_174 = vector.extract_strided_slice %convert_element_type3A_51 {offsets = [0, 23], sizes = [1024, 1], strides = [1, 1]} : vector<1024x40xbf16> to vector<1024x1xbf16>
    %slice3A_175 = vector.extract_strided_slice %convert_element_type3A_51 {offsets = [0, 39], sizes = [1024, 1], strides = [1, 1]} : vector<1024x40xbf16> to vector<1024x1xbf16>
    %mul3A_176 = vector.broadcast %slice3A_174 : vector<1024x1xbf16> to vector<1024x256xbf16>
    %mul3A_177 = arith.mulf %convert_element_type3A, %mul3A_176 : vector<1024x256xbf16>
    %mul3A_178 = vector.broadcast %slice3A_175 : vector<1024x1xbf16> to vector<1024x256xbf16>
    %mul3A_179 = arith.mulf %mul3A_177, %mul3A_178 : vector<1024x256xbf16>
    %convert_element_type3A_180 = arith.extf %mul3A_179 : vector<1024x256xbf16> to vector<1024x256xf32>
    %add3A_181 = arith.addf %add3A_173, %convert_element_type3A_180 : vector<1024x256xf32>
    %logistic3A_182 = arith.negf %dot_general3A_32 : vector<1024x256xf32>
    %logistic3A_183 = math.exp %logistic3A_182 : vector<1024x256xf32>
    %logistic3A_184 = arith.constant 1.000000e+00 : f32
    %logistic3A_185 = vector.broadcast %logistic3A_184 : f32 to vector<1024x256xf32>
    %logistic3A_186 = arith.addf %logistic3A_185, %logistic3A_183 : vector<1024x256xf32>
    %logistic3A_187 = arith.divf %logistic3A_185, %logistic3A_186 : vector<1024x256xf32>
    %mul3A_188 = arith.mulf %dot_general3A_32, %logistic3A_187 : vector<1024x256xf32>
    %mul3A_189 = arith.mulf %add3A_181, %mul3A_188 : vector<1024x256xf32>
    %get3A_190 = arith.constant 0 : index
    %get3A_191 = arith.constant 0 : index
    %get3A_192 = vector.load %arg18[%get3A_190, %get3A_191] : memref<128x256xf32, #tpu.memory_space<vmem>>, vector<128x256xf32>
    %dot_general3A_193 = arith.constant dense<0.000000e+00> : vector<1024x128xf32>
    %dot_general3A_194 = tpu.matmul %mul3A_189, %get3A_192, %dot_general3A_193 {dimension_numbers = #tpu.dot_dimension_numbers<[1], [1], [0], [0], [0, 0, 1, 0], [], []>, transpose_lhs_hint = false} : vector<1024x256xf32>, vector<128x256xf32>, vector<1024x128xf32> -> vector<1024x128xf32>
    %swap3A = arith.constant 0 : index
    %swap3A_195 = arith.constant 0 : index
    %swap3A_196 = arith.constant 0 : index
    %swap3A_197 = vector.load %arg19[%swap3A, %swap3A_195, %swap3A_196] : memref<1x2048x128xf32, #tpu.memory_space<vmem>>, vector<1x1024x128xf32>
    %swap3A_198 = vector.shape_cast %swap3A_197 : vector<1x1024x128xf32> to vector<1024x128xf32>
    %swap3A_199 = vector.shape_cast %dot_general3A_194 : vector<1024x128xf32> to vector<1x1024x128xf32>
    tpu.vector_store %arg19[%swap3A, %swap3A_195, %swap3A_196], %swap3A_199 {strides = array<i32>} : memref<1x2048x128xf32, #tpu.memory_space<vmem>>, vector<1x1024x128xf32>,
    %get3A_200 = arith.constant 0 : index
    %get3A_201 = arith.constant 0 : index
    %get3A_202 = arith.constant 0 : index
    %get3A_203 = vector.load %arg2[%get3A_200, %get3A_201, %get3A_202] : memref<1x512x512xf32, #tpu.memory_space<vmem>>, vector<1x512x512xf32>
    %get3A_204 = vector.shape_cast %get3A_203 : vector<1x512x512xf32> to vector<512x512xf32>
    %get3A_205 = arith.constant 0 : index
    %get3A_206 = arith.constant 0 : index
    %get3A_207 = arith.constant 0 : index
    %get3A_208 = vector.load %arg6[%get3A_205, %get3A_206, %get3A_207] : memref<1x512x128xf32, #tpu.memory_space<vmem>>, vector<1x512x128xf32>
    %get3A_209 = vector.shape_cast %get3A_208 : vector<1x512x128xf32> to vector<512x128xf32>
    %reshape3A = vector.shape_cast %mul3A_57 : vector<1024x256xbf16> to vector<512x512xbf16>
    %get3A_210 = arith.constant 0 : index
    %get3A_211 = arith.constant 0 : index
    %get3A_212 = vector.load %arg17[%get3A_210, %get3A_211] : memref<16x256xf32, #tpu.memory_space<vmem>>, vector<1x256xf32>
    %convert_element_type3A_213 = arith.truncf %get3A_212 : vector<1x256xf32> to vector<1x256xbf16>
    %slice3A_214 = vector.extract_strided_slice %reshape3A {offsets = [0, 0], sizes = [512, 256], strides = [1, 1]} : vector<512x512xbf16> to vector<512x256xbf16>
    %mul3A_215 = vector.broadcast %convert_element_type3A_213 : vector<1x256xbf16> to vector<512x256xbf16>
    %mul3A_216 = arith.mulf %mul3A_215, %slice3A_214 : vector<512x256xbf16>
    %sub3A = arith.constant 1.000000e+00 : bf16
    %sub3A_217 = vector.broadcast %sub3A : bf16 to vector<1x256xbf16>
    %sub3A_218 = arith.subf %sub3A_217, %convert_element_type3A_213 : vector<1x256xbf16>
    %slice3A_219 = vector.extract_strided_slice %reshape3A {offsets = [0, 256], sizes = [512, 256], strides = [1, 1]} : vector<512x512xbf16> to vector<512x256xbf16>
    %mul3A_220 = vector.broadcast %sub3A_218 : vector<1x256xbf16> to vector<512x256xbf16>
    %mul3A_221 = arith.mulf %mul3A_220, %slice3A_219 : vector<512x256xbf16>
    %add3A_222 = arith.addf %mul3A_216, %mul3A_221 : vector<512x256xbf16>
    %reshape3A_223 = vector.shape_cast %mul3A_65 : vector<1024x256xbf16> to vector<512x512xbf16>
    %get3A_224 = arith.constant 1 : index
    %get3A_225 = arith.constant 0 : index
    %get3A_226 = vector.load %arg17[%get3A_224, %get3A_225] : memref<16x256xf32, #tpu.memory_space<vmem>>, vector<1x256xf32>
    %convert_element_type3A_227 = arith.truncf %get3A_226 : vector<1x256xf32> to vector<1x256xbf16>
    %slice3A_228 = vector.extract_strided_slice %reshape3A_223 {offsets = [0, 0], sizes = [512, 256], strides = [1, 1]} : vector<512x512xbf16> to vector<512x256xbf16>
    %mul3A_229 = vector.broadcast %convert_element_type3A_227 : vector<1x256xbf16> to vector<512x256xbf16>
    %mul3A_230 = arith.mulf %mul3A_229, %slice3A_228 : vector<512x256xbf16>
    %sub3A_231 = arith.constant 1.000000e+00 : bf16
    %sub3A_232 = vector.broadcast %sub3A_231 : bf16 to vector<1x256xbf16>
    %sub3A_233 = arith.subf %sub3A_232, %convert_element_type3A_227 : vector<1x256xbf16>
    %slice3A_234 = vector.extract_strided_slice %reshape3A_223 {offsets = [0, 256], sizes = [512, 256], strides = [1, 1]} : vector<512x512xbf16> to vector<512x256xbf16>
    %mul3A_235 = vector.broadcast %sub3A_233 : vector<1x256xbf16> to vector<512x256xbf16>
    %mul3A_236 = arith.mulf %mul3A_235, %slice3A_234 : vector<512x256xbf16>
    %add3A_237 = arith.addf %mul3A_230, %mul3A_236 : vector<512x256xbf16>
    %reshape3A_238 = vector.shape_cast %mul3A_73 : vector<1024x256xbf16> to vector<512x512xbf16>
    %get3A_239 = arith.constant 2 : index
    %get3A_240 = arith.constant 0 : index
    %get3A_241 = vector.load %arg17[%get3A_239, %get3A_240] : memref<16x256xf32, #tpu.memory_space<vmem>>, vector<1x256xf32>
    %convert_element_type3A_242 = arith.truncf %get3A_241 : vector<1x256xf32> to vector<1x256xbf16>
    %slice3A_243 = vector.extract_strided_slice %reshape3A_238 {offsets = [0, 0], sizes = [512, 256], strides = [1, 1]} : vector<512x512xbf16> to vector<512x256xbf16>
    %mul3A_244 = vector.broadcast %convert_element_type3A_242 : vector<1x256xbf16> to vector<512x256xbf16>
    %mul3A_245 = arith.mulf %mul3A_244, %slice3A_243 : vector<512x256xbf16>
    %sub3A_246 = arith.constant 1.000000e+00 : bf16
    %sub3A_247 = vector.broadcast %sub3A_246 : bf16 to vector<1x256xbf16>
    %sub3A_248 = arith.subf %sub3A_247, %convert_element_type3A_242 : vector<1x256xbf16>
    %slice3A_249 = vector.extract_strided_slice %reshape3A_238 {offsets = [0, 256], sizes = [512, 256], strides = [1, 1]} : vector<512x512xbf16> to vector<512x256xbf16>
    %mul3A_250 = vector.broadcast %sub3A_248 : vector<1x256xbf16> to vector<512x256xbf16>
    %mul3A_251 = arith.mulf %mul3A_250, %slice3A_249 : vector<512x256xbf16>
    %add3A_252 = arith.addf %mul3A_245, %mul3A_251 : vector<512x256xbf16>
    %reshape3A_253 = vector.shape_cast %mul3A_81 : vector<1024x256xbf16> to vector<512x512xbf16>
    %get3A_254 = arith.constant 3 : index
    %get3A_255 = arith.constant 0 : index
    %get3A_256 = vector.load %arg17[%get3A_254, %get3A_255] : memref<16x256xf32, #tpu.memory_space<vmem>>, vector<1x256xf32>
    %convert_element_type3A_257 = arith.truncf %get3A_256 : vector<1x256xf32> to vector<1x256xbf16>
    %slice3A_258 = vector.extract_strided_slice %reshape3A_253 {offsets = [0, 0], sizes = [512, 256], strides = [1, 1]} : vector<512x512xbf16> to vector<512x256xbf16>
    %mul3A_259 = vector.broadcast %convert_element_type3A_257 : vector<1x256xbf16> to vector<512x256xbf16>
    %mul3A_260 = arith.mulf %mul3A_259, %slice3A_258 : vector<512x256xbf16>
    %sub3A_261 = arith.constant 1.000000e+00 : bf16
    %sub3A_262 = vector.broadcast %sub3A_261 : bf16 to vector<1x256xbf16>
    %sub3A_263 = arith.subf %sub3A_262, %convert_element_type3A_257 : vector<1x256xbf16>
    %slice3A_264 = vector.extract_strided_slice %reshape3A_253 {offsets = [0, 256], sizes = [512, 256], strides = [1, 1]} : vector<512x512xbf16> to vector<512x256xbf16>
    %mul3A_265 = vector.broadcast %sub3A_263 : vector<1x256xbf16> to vector<512x256xbf16>
    %mul3A_266 = arith.mulf %mul3A_265, %slice3A_264 : vector<512x256xbf16>
    %add3A_267 = arith.addf %mul3A_260, %mul3A_266 : vector<512x256xbf16>
    %reshape3A_268 = vector.shape_cast %mul3A_89 : vector<1024x256xbf16> to vector<512x512xbf16>
    %get3A_269 = arith.constant 4 : index
    %get3A_270 = arith.constant 0 : index
    %get3A_271 = vector.load %arg17[%get3A_269, %get3A_270] : memref<16x256xf32, #tpu.memory_space<vmem>>, vector<1x256xf32>
    %convert_element_type3A_272 = arith.truncf %get3A_271 : vector<1x256xf32> to vector<1x256xbf16>
    %slice3A_273 = vector.extract_strided_slice %reshape3A_268 {offsets = [0, 0], sizes = [512, 256], strides = [1, 1]} : vector<512x512xbf16> to vector<512x256xbf16>
    %mul3A_274 = vector.broadcast %convert_element_type3A_272 : vector<1x256xbf16> to vector<512x256xbf16>
    %mul3A_275 = arith.mulf %mul3A_274, %slice3A_273 : vector<512x256xbf16>
    %sub3A_276 = arith.constant 1.000000e+00 : bf16
    %sub3A_277 = vector.broadcast %sub3A_276 : bf16 to vector<1x256xbf16>
    %sub3A_278 = arith.subf %sub3A_277, %convert_element_type3A_272 : vector<1x256xbf16>
    %slice3A_279 = vector.extract_strided_slice %reshape3A_268 {offsets = [0, 256], sizes = [512, 256], strides = [1, 1]} : vector<512x512xbf16> to vector<512x256xbf16>
    %mul3A_280 = vector.broadcast %sub3A_278 : vector<1x256xbf16> to vector<512x256xbf16>
    %mul3A_281 = arith.mulf %mul3A_280, %slice3A_279 : vector<512x256xbf16>
    %add3A_282 = arith.addf %mul3A_275, %mul3A_281 : vector<512x256xbf16>
    %reshape3A_283 = vector.shape_cast %mul3A_97 : vector<1024x256xbf16> to vector<512x512xbf16>
    %get3A_284 = arith.constant 5 : index
    %get3A_285 = arith.constant 0 : index
    %get3A_286 = vector.load %arg17[%get3A_284, %get3A_285] : memref<16x256xf32, #tpu.memory_space<vmem>>, vector<1x256xf32>
    %convert_element_type3A_287 = arith.truncf %get3A_286 : vector<1x256xf32> to vector<1x256xbf16>
    %slice3A_288 = vector.extract_strided_slice %reshape3A_283 {offsets = [0, 0], sizes = [512, 256], strides = [1, 1]} : vector<512x512xbf16> to vector<512x256xbf16>
    %mul3A_289 = vector.broadcast %convert_element_type3A_287 : vector<1x256xbf16> to vector<512x256xbf16>
    %mul3A_290 = arith.mulf %mul3A_289, %slice3A_288 : vector<512x256xbf16>
    %sub3A_291 = arith.constant 1.000000e+00 : bf16
    %sub3A_292 = vector.broadcast %sub3A_291 : bf16 to vector<1x256xbf16>
    %sub3A_293 = arith.subf %sub3A_292, %convert_element_type3A_287 : vector<1x256xbf16>
    %slice3A_294 = vector.extract_strided_slice %reshape3A_283 {offsets = [0, 256], sizes = [512, 256], strides = [1, 1]} : vector<512x512xbf16> to vector<512x256xbf16>
    %mul3A_295 = vector.broadcast %sub3A_293 : vector<1x256xbf16> to vector<512x256xbf16>
    %mul3A_296 = arith.mulf %mul3A_295, %slice3A_294 : vector<512x256xbf16>
    %add3A_297 = arith.addf %mul3A_290, %mul3A_296 : vector<512x256xbf16>
    %reshape3A_298 = vector.shape_cast %mul3A_105 : vector<1024x256xbf16> to vector<512x512xbf16>
    %get3A_299 = arith.constant 6 : index
    %get3A_300 = arith.constant 0 : index
    %get3A_301 = vector.load %arg17[%get3A_299, %get3A_300] : memref<16x256xf32, #tpu.memory_space<vmem>>, vector<1x256xf32>
    %convert_element_type3A_302 = arith.truncf %get3A_301 : vector<1x256xf32> to vector<1x256xbf16>
    %slice3A_303 = vector.extract_strided_slice %reshape3A_298 {offsets = [0, 0], sizes = [512, 256], strides = [1, 1]} : vector<512x512xbf16> to vector<512x256xbf16>
    %mul3A_304 = vector.broadcast %convert_element_type3A_302 : vector<1x256xbf16> to vector<512x256xbf16>
    %mul3A_305 = arith.mulf %mul3A_304, %slice3A_303 : vector<512x256xbf16>
    %sub3A_306 = arith.constant 1.000000e+00 : bf16
    %sub3A_307 = vector.broadcast %sub3A_306 : bf16 to vector<1x256xbf16>
    %sub3A_308 = arith.subf %sub3A_307, %convert_element_type3A_302 : vector<1x256xbf16>
    %slice3A_309 = vector.extract_strided_slice %reshape3A_298 {offsets = [0, 256], sizes = [512, 256], strides = [1, 1]} : vector<512x512xbf16> to vector<512x256xbf16>
    %mul3A_310 = vector.broadcast %sub3A_308 : vector<1x256xbf16> to vector<512x256xbf16>
    %mul3A_311 = arith.mulf %mul3A_310, %slice3A_309 : vector<512x256xbf16>
    %add3A_312 = arith.addf %mul3A_305, %mul3A_311 : vector<512x256xbf16>
    %reshape3A_313 = vector.shape_cast %mul3A_113 : vector<1024x256xbf16> to vector<512x512xbf16>
    %get3A_314 = arith.constant 7 : index
    %get3A_315 = arith.constant 0 : index
    %get3A_316 = vector.load %arg17[%get3A_314, %get3A_315] : memref<16x256xf32, #tpu.memory_space<vmem>>, vector<1x256xf32>
    %convert_element_type3A_317 = arith.truncf %get3A_316 : vector<1x256xf32> to vector<1x256xbf16>
    %slice3A_318 = vector.extract_strided_slice %reshape3A_313 {offsets = [0, 0], sizes = [512, 256], strides = [1, 1]} : vector<512x512xbf16> to vector<512x256xbf16>
    %mul3A_319 = vector.broadcast %convert_element_type3A_317 : vector<1x256xbf16> to vector<512x256xbf16>
    %mul3A_320 = arith.mulf %mul3A_319, %slice3A_318 : vector<512x256xbf16>
    %sub3A_321 = arith.constant 1.000000e+00 : bf16
    %sub3A_322 = vector.broadcast %sub3A_321 : bf16 to vector<1x256xbf16>
    %sub3A_323 = arith.subf %sub3A_322, %convert_element_type3A_317 : vector<1x256xbf16>
    %slice3A_324 = vector.extract_strided_slice %reshape3A_313 {offsets = [0, 256], sizes = [512, 256], strides = [1, 1]} : vector<512x512xbf16> to vector<512x256xbf16>
    %mul3A_325 = vector.broadcast %sub3A_323 : vector<1x256xbf16> to vector<512x256xbf16>
    %mul3A_326 = arith.mulf %mul3A_325, %slice3A_324 : vector<512x256xbf16>
    %add3A_327 = arith.addf %mul3A_320, %mul3A_326 : vector<512x256xbf16>
    %reshape3A_328 = vector.shape_cast %mul3A_121 : vector<1024x256xbf16> to vector<512x512xbf16>
    %get3A_329 = arith.constant 8 : index
    %get3A_330 = arith.constant 0 : index
    %get3A_331 = vector.load %arg17[%get3A_329, %get3A_330] : memref<16x256xf32, #tpu.memory_space<vmem>>, vector<1x256xf32>
    %convert_element_type3A_332 = arith.truncf %get3A_331 : vector<1x256xf32> to vector<1x256xbf16>
    %slice3A_333 = vector.extract_strided_slice %reshape3A_328 {offsets = [0, 0], sizes = [512, 256], strides = [1, 1]} : vector<512x512xbf16> to vector<512x256xbf16>
    %mul3A_334 = vector.broadcast %convert_element_type3A_332 : vector<1x256xbf16> to vector<512x256xbf16>
    %mul3A_335 = arith.mulf %mul3A_334, %slice3A_333 : vector<512x256xbf16>
    %sub3A_336 = arith.constant 1.000000e+00 : bf16
    %sub3A_337 = vector.broadcast %sub3A_336 : bf16 to vector<1x256xbf16>
    %sub3A_338 = arith.subf %sub3A_337, %convert_element_type3A_332 : vector<1x256xbf16>
    %slice3A_339 = vector.extract_strided_slice %reshape3A_328 {offsets = [0, 256], sizes = [512, 256], strides = [1, 1]} : vector<512x512xbf16> to vector<512x256xbf16>
    %mul3A_340 = vector.broadcast %sub3A_338 : vector<1x256xbf16> to vector<512x256xbf16>
    %mul3A_341 = arith.mulf %mul3A_340, %slice3A_339 : vector<512x256xbf16>
    %add3A_342 = arith.addf %mul3A_335, %mul3A_341 : vector<512x256xbf16>
    %reshape3A_343 = vector.shape_cast %mul3A_129 : vector<1024x256xbf16> to vector<512x512xbf16>
    %get3A_344 = arith.constant 9 : index
    %get3A_345 = arith.constant 0 : index
    %get3A_346 = vector.load %arg17[%get3A_344, %get3A_345] : memref<16x256xf32, #tpu.memory_space<vmem>>, vector<1x256xf32>
    %convert_element_type3A_347 = arith.truncf %get3A_346 : vector<1x256xf32> to vector<1x256xbf16>
    %slice3A_348 = vector.extract_strided_slice %reshape3A_343 {offsets = [0, 0], sizes = [512, 256], strides = [1, 1]} : vector<512x512xbf16> to vector<512x256xbf16>
    %mul3A_349 = vector.broadcast %convert_element_type3A_347 : vector<1x256xbf16> to vector<512x256xbf16>
    %mul3A_350 = arith.mulf %mul3A_349, %slice3A_348 : vector<512x256xbf16>
    %sub3A_351 = arith.constant 1.000000e+00 : bf16
    %sub3A_352 = vector.broadcast %sub3A_351 : bf16 to vector<1x256xbf16>
    %sub3A_353 = arith.subf %sub3A_352, %convert_element_type3A_347 : vector<1x256xbf16>
    %slice3A_354 = vector.extract_strided_slice %reshape3A_343 {offsets = [0, 256], sizes = [512, 256], strides = [1, 1]} : vector<512x512xbf16> to vector<512x256xbf16>
    %mul3A_355 = vector.broadcast %sub3A_353 : vector<1x256xbf16> to vector<512x256xbf16>
    %mul3A_356 = arith.mulf %mul3A_355, %slice3A_354 : vector<512x256xbf16>
    %add3A_357 = arith.addf %mul3A_350, %mul3A_356 : vector<512x256xbf16>
    %reshape3A_358 = vector.shape_cast %mul3A_137 : vector<1024x256xbf16> to vector<512x512xbf16>
    %get3A_359 = arith.constant 10 : index
    %get3A_360 = arith.constant 0 : index
    %get3A_361 = vector.load %arg17[%get3A_359, %get3A_360] : memref<16x256xf32, #tpu.memory_space<vmem>>, vector<1x256xf32>
    %convert_element_type3A_362 = arith.truncf %get3A_361 : vector<1x256xf32> to vector<1x256xbf16>
    %slice3A_363 = vector.extract_strided_slice %reshape3A_358 {offsets = [0, 0], sizes = [512, 256], strides = [1, 1]} : vector<512x512xbf16> to vector<512x256xbf16>
    %mul3A_364 = vector.broadcast %convert_element_type3A_362 : vector<1x256xbf16> to vector<512x256xbf16>
    %mul3A_365 = arith.mulf %mul3A_364, %slice3A_363 : vector<512x256xbf16>
    %sub3A_366 = arith.constant 1.000000e+00 : bf16
    %sub3A_367 = vector.broadcast %sub3A_366 : bf16 to vector<1x256xbf16>
    %sub3A_368 = arith.subf %sub3A_367, %convert_element_type3A_362 : vector<1x256xbf16>
    %slice3A_369 = vector.extract_strided_slice %reshape3A_358 {offsets = [0, 256], sizes = [512, 256], strides = [1, 1]} : vector<512x512xbf16> to vector<512x256xbf16>
    %mul3A_370 = vector.broadcast %sub3A_368 : vector<1x256xbf16> to vector<512x256xbf16>
    %mul3A_371 = arith.mulf %mul3A_370, %slice3A_369 : vector<512x256xbf16>
    %add3A_372 = arith.addf %mul3A_365, %mul3A_371 : vector<512x256xbf16>
    %reshape3A_373 = vector.shape_cast %mul3A_145 : vector<1024x256xbf16> to vector<512x512xbf16>
    %get3A_374 = arith.constant 11 : index
    %get3A_375 = arith.constant 0 : index
    %get3A_376 = vector.load %arg17[%get3A_374, %get3A_375] : memref<16x256xf32, #tpu.memory_space<vmem>>, vector<1x256xf32>
    %convert_element_type3A_377 = arith.truncf %get3A_376 : vector<1x256xf32> to vector<1x256xbf16>
    %slice3A_378 = vector.extract_strided_slice %reshape3A_373 {offsets = [0, 0], sizes = [512, 256], strides = [1, 1]} : vector<512x512xbf16> to vector<512x256xbf16>
    %mul3A_379 = vector.broadcast %convert_element_type3A_377 : vector<1x256xbf16> to vector<512x256xbf16>
    %mul3A_380 = arith.mulf %mul3A_379, %slice3A_378 : vector<512x256xbf16>
    %sub3A_381 = arith.constant 1.000000e+00 : bf16
    %sub3A_382 = vector.broadcast %sub3A_381 : bf16 to vector<1x256xbf16>
    %sub3A_383 = arith.subf %sub3A_382, %convert_element_type3A_377 : vector<1x256xbf16>
    %slice3A_384 = vector.extract_strided_slice %reshape3A_373 {offsets = [0, 256], sizes = [512, 256], strides = [1, 1]} : vector<512x512xbf16> to vector<512x256xbf16>
    %mul3A_385 = vector.broadcast %sub3A_383 : vector<1x256xbf16> to vector<512x256xbf16>
    %mul3A_386 = arith.mulf %mul3A_385, %slice3A_384 : vector<512x256xbf16>
    %add3A_387 = arith.addf %mul3A_380, %mul3A_386 : vector<512x256xbf16>
    %reshape3A_388 = vector.shape_cast %mul3A_153 : vector<1024x256xbf16> to vector<512x512xbf16>
    %get3A_389 = arith.constant 12 : index
    %get3A_390 = arith.constant 0 : index
    %get3A_391 = vector.load %arg17[%get3A_389, %get3A_390] : memref<16x256xf32, #tpu.memory_space<vmem>>, vector<1x256xf32>
    %convert_element_type3A_392 = arith.truncf %get3A_391 : vector<1x256xf32> to vector<1x256xbf16>
    %slice3A_393 = vector.extract_strided_slice %reshape3A_388 {offsets = [0, 0], sizes = [512, 256], strides = [1, 1]} : vector<512x512xbf16> to vector<512x256xbf16>
    %mul3A_394 = vector.broadcast %convert_element_type3A_392 : vector<1x256xbf16> to vector<512x256xbf16>
    %mul3A_395 = arith.mulf %mul3A_394, %slice3A_393 : vector<512x256xbf16>
    %sub3A_396 = arith.constant 1.000000e+00 : bf16
    %sub3A_397 = vector.broadcast %sub3A_396 : bf16 to vector<1x256xbf16>
    %sub3A_398 = arith.subf %sub3A_397, %convert_element_type3A_392 : vector<1x256xbf16>
    %slice3A_399 = vector.extract_strided_slice %reshape3A_388 {offsets = [0, 256], sizes = [512, 256], strides = [1, 1]} : vector<512x512xbf16> to vector<512x256xbf16>
    %mul3A_400 = vector.broadcast %sub3A_398 : vector<1x256xbf16> to vector<512x256xbf16>
    %mul3A_401 = arith.mulf %mul3A_400, %slice3A_399 : vector<512x256xbf16>
    %add3A_402 = arith.addf %mul3A_395, %mul3A_401 : vector<512x256xbf16>
    %reshape3A_403 = vector.shape_cast %mul3A_161 : vector<1024x256xbf16> to vector<512x512xbf16>
    %get3A_404 = arith.constant 13 : index
    %get3A_405 = arith.constant 0 : index
    %get3A_406 = vector.load %arg17[%get3A_404, %get3A_405] : memref<16x256xf32, #tpu.memory_space<vmem>>, vector<1x256xf32>
    %convert_element_type3A_407 = arith.truncf %get3A_406 : vector<1x256xf32> to vector<1x256xbf16>
    %slice3A_408 = vector.extract_strided_slice %reshape3A_403 {offsets = [0, 0], sizes = [512, 256], strides = [1, 1]} : vector<512x512xbf16> to vector<512x256xbf16>
    %mul3A_409 = vector.broadcast %convert_element_type3A_407 : vector<1x256xbf16> to vector<512x256xbf16>
    %mul3A_410 = arith.mulf %mul3A_409, %slice3A_408 : vector<512x256xbf16>
    %sub3A_411 = arith.constant 1.000000e+00 : bf16
    %sub3A_412 = vector.broadcast %sub3A_411 : bf16 to vector<1x256xbf16>
    %sub3A_413 = arith.subf %sub3A_412, %convert_element_type3A_407 : vector<1x256xbf16>
    %slice3A_414 = vector.extract_strided_slice %reshape3A_403 {offsets = [0, 256], sizes = [512, 256], strides = [1, 1]} : vector<512x512xbf16> to vector<512x256xbf16>
    %mul3A_415 = vector.broadcast %sub3A_413 : vector<1x256xbf16> to vector<512x256xbf16>
    %mul3A_416 = arith.mulf %mul3A_415, %slice3A_414 : vector<512x256xbf16>
    %add3A_417 = arith.addf %mul3A_410, %mul3A_416 : vector<512x256xbf16>
    %reshape3A_418 = vector.shape_cast %mul3A_169 : vector<1024x256xbf16> to vector<512x512xbf16>
    %get3A_419 = arith.constant 14 : index
    %get3A_420 = arith.constant 0 : index
    %get3A_421 = vector.load %arg17[%get3A_419, %get3A_420] : memref<16x256xf32, #tpu.memory_space<vmem>>, vector<1x256xf32>
    %convert_element_type3A_422 = arith.truncf %get3A_421 : vector<1x256xf32> to vector<1x256xbf16>
    %slice3A_423 = vector.extract_strided_slice %reshape3A_418 {offsets = [0, 0], sizes = [512, 256], strides = [1, 1]} : vector<512x512xbf16> to vector<512x256xbf16>
    %mul3A_424 = vector.broadcast %convert_element_type3A_422 : vector<1x256xbf16> to vector<512x256xbf16>
    %mul3A_425 = arith.mulf %mul3A_424, %slice3A_423 : vector<512x256xbf16>
    %sub3A_426 = arith.constant 1.000000e+00 : bf16
    %sub3A_427 = vector.broadcast %sub3A_426 : bf16 to vector<1x256xbf16>
    %sub3A_428 = arith.subf %sub3A_427, %convert_element_type3A_422 : vector<1x256xbf16>
    %slice3A_429 = vector.extract_strided_slice %reshape3A_418 {offsets = [0, 256], sizes = [512, 256], strides = [1, 1]} : vector<512x512xbf16> to vector<512x256xbf16>
    %mul3A_430 = vector.broadcast %sub3A_428 : vector<1x256xbf16> to vector<512x256xbf16>
    %mul3A_431 = arith.mulf %mul3A_430, %slice3A_429 : vector<512x256xbf16>
    %add3A_432 = arith.addf %mul3A_425, %mul3A_431 : vector<512x256xbf16>
    %reshape3A_433 = vector.shape_cast %mul3A_177 : vector<1024x256xbf16> to vector<512x512xbf16>
    %get3A_434 = arith.constant 15 : index
    %get3A_435 = arith.constant 0 : index
    %get3A_436 = vector.load %arg17[%get3A_434, %get3A_435] : memref<16x256xf32, #tpu.memory_space<vmem>>, vector<1x256xf32>
    %convert_element_type3A_437 = arith.truncf %get3A_436 : vector<1x256xf32> to vector<1x256xbf16>
    %slice3A_438 = vector.extract_strided_slice %reshape3A_433 {offsets = [0, 0], sizes = [512, 256], strides = [1, 1]} : vector<512x512xbf16> to vector<512x256xbf16>
    %mul3A_439 = vector.broadcast %convert_element_type3A_437 : vector<1x256xbf16> to vector<512x256xbf16>
    %mul3A_440 = arith.mulf %mul3A_439, %slice3A_438 : vector<512x256xbf16>
    %sub3A_441 = arith.constant 1.000000e+00 : bf16
    %sub3A_442 = vector.broadcast %sub3A_441 : bf16 to vector<1x256xbf16>
    %sub3A_443 = arith.subf %sub3A_442, %convert_element_type3A_437 : vector<1x256xbf16>
    %slice3A_444 = vector.extract_strided_slice %reshape3A_433 {offsets = [0, 256], sizes = [512, 256], strides = [1, 1]} : vector<512x512xbf16> to vector<512x256xbf16>
    %mul3A_445 = vector.broadcast %sub3A_443 : vector<1x256xbf16> to vector<512x256xbf16>
    %mul3A_446 = arith.mulf %mul3A_445, %slice3A_444 : vector<512x256xbf16>
    %add3A_447 = arith.addf %mul3A_440, %mul3A_446 : vector<512x256xbf16>
    %get3A_448 = arith.constant 0 : index
    %get3A_449 = arith.constant 0 : index
    %get3A_450 = vector.load %arg13[%get3A_448, %get3A_449] : memref<512x256xf32, #tpu.memory_space<vmem>>, vector<512x256xf32>
    %dot_general3A_451 = arith.constant dense<0.000000e+00> : vector<512x256xf32>
    %dot_general3A_452 = tpu.matmul %get3A_204, %get3A_450, %dot_general3A_451 {dimension_numbers = #tpu.dot_dimension_numbers<[1], [0], [0], [1], [0, 0, 1, 1], [], []>, transpose_lhs_hint = false} : vector<512x512xf32>, vector<512x256xf32>, vector<512x256xf32> -> vector<512x256xf32>
    %add3A_453 = vector.broadcast %get3A_4 : vector<1x256xf32> to vector<512x256xf32>
    %add3A_454 = arith.addf %add3A_453, %dot_general3A_452 : vector<512x256xf32>
    %logistic3A_455 = arith.negf %add3A_454 : vector<512x256xf32>
    %logistic3A_456 = math.exp %logistic3A_455 : vector<512x256xf32>
    %logistic3A_457 = arith.constant 1.000000e+00 : f32
    %logistic3A_458 = vector.broadcast %logistic3A_457 : f32 to vector<512x256xf32>
    %logistic3A_459 = arith.addf %logistic3A_458, %logistic3A_456 : vector<512x256xf32>
    %logistic3A_460 = arith.divf %logistic3A_458, %logistic3A_459 : vector<512x256xf32>
    %mul3A_461 = arith.mulf %add3A_454, %logistic3A_460 : vector<512x256xf32>
    %get3A_462 = arith.constant 0 : index
    %get3A_463 = arith.constant 0 : index
    %get3A_464 = vector.load %arg9[%get3A_462, %get3A_463] : memref<256x128xf32, #tpu.memory_space<vmem>>, vector<256x128xf32>
    %dot_general3A_465 = arith.constant dense<0.000000e+00> : vector<512x256xf32>
    %dot_general3A_466 = tpu.matmul %get3A_209, %get3A_464, %dot_general3A_465 {dimension_numbers = #tpu.dot_dimension_numbers<[1], [1], [0], [0], [0, 0, 1, 0], [], []>, transpose_lhs_hint = false} : vector<512x128xf32>, vector<256x128xf32>, vector<512x256xf32> -> vector<512x256xf32>
    %get3A_467 = arith.constant 0 : index
    %get3A_468 = arith.constant 0 : index
    %get3A_469 = vector.load %arg10[%get3A_467, %get3A_468] : memref<40x256xf32, #tpu.memory_space<vmem>>, vector<40x256xf32>
    %dot_general3A_470 = arith.constant dense<0.000000e+00> : vector<512x40xf32>
    %dot_general3A_471 = tpu.matmul %mul3A_461, %get3A_469, %dot_general3A_470 {dimension_numbers = #tpu.dot_dimension_numbers<[1], [1], [0], [0], [0, 0, 1, 0], [], []>, transpose_lhs_hint = false} : vector<512x256xf32>, vector<40x256xf32>, vector<512x40xf32> -> vector<512x40xf32>
    %slice3A_472 = vector.extract_strided_slice %dot_general3A_471 {offsets = [0, 0], sizes = [512, 8], strides = [1, 1]} : vector<512x40xf32> to vector<512x8xf32>
    %get3A_473 = arith.constant 0 : index
    %get3A_474 = arith.constant 0 : index
    %get3A_475 = vector.load %arg11[%get3A_473, %get3A_474] : memref<8x256xf32, #tpu.memory_space<vmem>>, vector<8x256xf32>
    %dot_general3A_476 = arith.constant dense<0.000000e+00> : vector<512x256xf32>
    %dot_general3A_477 = tpu.matmul %slice3A_472, %get3A_475, %dot_general3A_476 {dimension_numbers = #tpu.dot_dimension_numbers<[1], [0], [0], [1], [0, 0, 1, 1], [], []>, transpose_lhs_hint = false} : vector<512x8xf32>, vector<8x256xf32>, vector<512x256xf32> -> vector<512x256xf32>
    %add3A_478 = vector.broadcast %get3A_1 : vector<1x256xf32> to vector<512x256xf32>
    %add3A_479 = arith.addf %dot_general3A_477, %add3A_478 : vector<512x256xf32>
    %max3A_480 = arith.constant 0.000000e+00 : f32
    %max3A_481 = vector.broadcast %max3A_480 : f32 to vector<512x256xf32>
    %max3A_482 = arith.maximumf %add3A_479, %max3A_481 : vector<512x256xf32>
    %abs3A_483 = math.absf %add3A_479 : vector<512x256xf32>
    %neg3A_484 = arith.constant 0.000000e+00 : f32
    %neg3A_485 = vector.broadcast %neg3A_484 : f32 to vector<512x256xf32>
    %neg3A_486 = arith.subf %neg3A_485, %abs3A_483 : vector<512x256xf32>
    %exp3A_487 = math.exp %neg3A_486 : vector<512x256xf32>
    %log1p3A_488 = math.log1p %exp3A_487 : vector<512x256xf32>
    %add3A_489 = arith.addf %max3A_482, %log1p3A_488 : vector<512x256xf32>
    %mul3A_490 = arith.mulf %mul3A_461, %add3A_489 : vector<512x256xf32>
    %convert_element_type3A_491 = arith.truncf %mul3A_490 : vector<512x256xf32> to vector<512x256xbf16>
    %convert_element_type3A_492 = arith.truncf %add3A_489 : vector<512x256xf32> to vector<512x256xbf16>
    %convert_element_type3A_493 = arith.truncf %dot_general3A_471 : vector<512x40xf32> to vector<512x40xbf16>
    %mul3A_494 = vector.broadcast %get3A_7 : vector<1x256xf32> to vector<512x256xf32>
    %mul3A_495 = arith.mulf %mul3A_494, %mul3A_461 : vector<512x256xf32>
    %get3A_496 = arith.constant 0 : index
    %get3A_497 = arith.constant 0 : index
    %get3A_498 = vector.load %arg15[%get3A_496, %get3A_497] : memref<16x256xf32, #tpu.memory_space<vmem>>, vector<1x256xf32>
    %exp3A_499 = math.exp %get3A_498 : vector<1x256xf32>
    %neg3A_500 = arith.constant 0.000000e+00 : f32
    %neg3A_501 = vector.broadcast %neg3A_500 : f32 to vector<1x256xf32>
    %neg3A_502 = arith.subf %neg3A_501, %exp3A_499 : vector<1x256xf32>
    %convert_element_type3A_503 = arith.truncf %neg3A_502 : vector<1x256xf32> to vector<1x256xbf16>
    %mul3A_504 = vector.broadcast %convert_element_type3A_503 : vector<1x256xbf16> to vector<512x256xbf16>
    %mul3A_505 = arith.mulf %convert_element_type3A_492, %mul3A_504 : vector<512x256xbf16>
    %exp3A_506 = math.exp %mul3A_505 : vector<512x256xbf16>
    %slice3A_507 = vector.extract_strided_slice %convert_element_type3A_493 {offsets = [0, 8], sizes = [512, 1], strides = [1, 1]} : vector<512x40xbf16> to vector<512x1xbf16>
    %slice3A_508 = vector.extract_strided_slice %convert_element_type3A_493 {offsets = [0, 24], sizes = [512, 1], strides = [1, 1]} : vector<512x40xbf16> to vector<512x1xbf16>
    %mul3A_509 = vector.broadcast %slice3A_507 : vector<512x1xbf16> to vector<512x256xbf16>
    %mul3A_510 = arith.mulf %convert_element_type3A_491, %mul3A_509 : vector<512x256xbf16>
    %mul3A_511 = arith.mulf %add3A_222, %exp3A_506 : vector<512x256xbf16>
    %add3A_512 = arith.addf %mul3A_511, %mul3A_510 : vector<512x256xbf16>
    %mul3A_513 = vector.broadcast %slice3A_508 : vector<512x1xbf16> to vector<512x256xbf16>
    %mul3A_514 = arith.mulf %add3A_512, %mul3A_513 : vector<512x256xbf16>
    %convert_element_type3A_515 = arith.extf %mul3A_514 : vector<512x256xbf16> to vector<512x256xf32>
    %add3A_516 = arith.addf %mul3A_495, %convert_element_type3A_515 : vector<512x256xf32>
    %get3A_517 = arith.constant 1 : index
    %get3A_518 = arith.constant 0 : index
    %get3A_519 = vector.load %arg15[%get3A_517, %get3A_518] : memref<16x256xf32, #tpu.memory_space<vmem>>, vector<1x256xf32>
    %exp3A_520 = math.exp %get3A_519 : vector<1x256xf32>
    %neg3A_521 = arith.constant 0.000000e+00 : f32
    %neg3A_522 = vector.broadcast %neg3A_521 : f32 to vector<1x256xf32>
    %neg3A_523 = arith.subf %neg3A_522, %exp3A_520 : vector<1x256xf32>
    %convert_element_type3A_524 = arith.truncf %neg3A_523 : vector<1x256xf32> to vector<1x256xbf16>
    %mul3A_525 = vector.broadcast %convert_element_type3A_524 : vector<1x256xbf16> to vector<512x256xbf16>
    %mul3A_526 = arith.mulf %convert_element_type3A_492, %mul3A_525 : vector<512x256xbf16>
    %exp3A_527 = math.exp %mul3A_526 : vector<512x256xbf16>
    %slice3A_528 = vector.extract_strided_slice %convert_element_type3A_493 {offsets = [0, 9], sizes = [512, 1], strides = [1, 1]} : vector<512x40xbf16> to vector<512x1xbf16>
    %slice3A_529 = vector.extract_strided_slice %convert_element_type3A_493 {offsets = [0, 25], sizes = [512, 1], strides = [1, 1]} : vector<512x40xbf16> to vector<512x1xbf16>
    %mul3A_530 = vector.broadcast %slice3A_528 : vector<512x1xbf16> to vector<512x256xbf16>
    %mul3A_531 = arith.mulf %convert_element_type3A_491, %mul3A_530 : vector<512x256xbf16>
    %mul3A_532 = arith.mulf %add3A_237, %exp3A_527 : vector<512x256xbf16>
    %add3A_533 = arith.addf %mul3A_532, %mul3A_531 : vector<512x256xbf16>
    %mul3A_534 = vector.broadcast %slice3A_529 : vector<512x1xbf16> to vector<512x256xbf16>
    %mul3A_535 = arith.mulf %add3A_533, %mul3A_534 : vector<512x256xbf16>
    %convert_element_type3A_536 = arith.extf %mul3A_535 : vector<512x256xbf16> to vector<512x256xf32>
    %add3A_537 = arith.addf %add3A_516, %convert_element_type3A_536 : vector<512x256xf32>
    %get3A_538 = arith.constant 2 : index
    %get3A_539 = arith.constant 0 : index
    %get3A_540 = vector.load %arg15[%get3A_538, %get3A_539] : memref<16x256xf32, #tpu.memory_space<vmem>>, vector<1x256xf32>
    %exp3A_541 = math.exp %get3A_540 : vector<1x256xf32>
    %neg3A_542 = arith.constant 0.000000e+00 : f32
    %neg3A_543 = vector.broadcast %neg3A_542 : f32 to vector<1x256xf32>
    %neg3A_544 = arith.subf %neg3A_543, %exp3A_541 : vector<1x256xf32>
    %convert_element_type3A_545 = arith.truncf %neg3A_544 : vector<1x256xf32> to vector<1x256xbf16>
    %mul3A_546 = vector.broadcast %convert_element_type3A_545 : vector<1x256xbf16> to vector<512x256xbf16>
    %mul3A_547 = arith.mulf %convert_element_type3A_492, %mul3A_546 : vector<512x256xbf16>
    %exp3A_548 = math.exp %mul3A_547 : vector<512x256xbf16>
    %slice3A_549 = vector.extract_strided_slice %convert_element_type3A_493 {offsets = [0, 10], sizes = [512, 1], strides = [1, 1]} : vector<512x40xbf16> to vector<512x1xbf16>
    %slice3A_550 = vector.extract_strided_slice %convert_element_type3A_493 {offsets = [0, 26], sizes = [512, 1], strides = [1, 1]} : vector<512x40xbf16> to vector<512x1xbf16>
    %mul3A_551 = vector.broadcast %slice3A_549 : vector<512x1xbf16> to vector<512x256xbf16>
    %mul3A_552 = arith.mulf %convert_element_type3A_491, %mul3A_551 : vector<512x256xbf16>
    %mul3A_553 = arith.mulf %add3A_252, %exp3A_548 : vector<512x256xbf16>
    %add3A_554 = arith.addf %mul3A_553, %mul3A_552 : vector<512x256xbf16>
    %mul3A_555 = vector.broadcast %slice3A_550 : vector<512x1xbf16> to vector<512x256xbf16>
    %mul3A_556 = arith.mulf %add3A_554, %mul3A_555 : vector<512x256xbf16>
    %convert_element_type3A_557 = arith.extf %mul3A_556 : vector<512x256xbf16> to vector<512x256xf32>
    %add3A_558 = arith.addf %add3A_537, %convert_element_type3A_557 : vector<512x256xf32>
    %get3A_559 = arith.constant 3 : index
    %get3A_560 = arith.constant 0 : index
    %get3A_561 = vector.load %arg15[%get3A_559, %get3A_560] : memref<16x256xf32, #tpu.memory_space<vmem>>, vector<1x256xf32>
    %exp3A_562 = math.exp %get3A_561 : vector<1x256xf32>
    %neg3A_563 = arith.constant 0.000000e+00 : f32
    %neg3A_564 = vector.broadcast %neg3A_563 : f32 to vector<1x256xf32>
    %neg3A_565 = arith.subf %neg3A_564, %exp3A_562 : vector<1x256xf32>
    %convert_element_type3A_566 = arith.truncf %neg3A_565 : vector<1x256xf32> to vector<1x256xbf16>
    %mul3A_567 = vector.broadcast %convert_element_type3A_566 : vector<1x256xbf16> to vector<512x256xbf16>
    %mul3A_568 = arith.mulf %convert_element_type3A_492, %mul3A_567 : vector<512x256xbf16>
    %exp3A_569 = math.exp %mul3A_568 : vector<512x256xbf16>
    %slice3A_570 = vector.extract_strided_slice %convert_element_type3A_493 {offsets = [0, 11], sizes = [512, 1], strides = [1, 1]} : vector<512x40xbf16> to vector<512x1xbf16>
    %slice3A_571 = vector.extract_strided_slice %convert_element_type3A_493 {offsets = [0, 27], sizes = [512, 1], strides = [1, 1]} : vector<512x40xbf16> to vector<512x1xbf16>
    %mul3A_572 = vector.broadcast %slice3A_570 : vector<512x1xbf16> to vector<512x256xbf16>
    %mul3A_573 = arith.mulf %convert_element_type3A_491, %mul3A_572 : vector<512x256xbf16>
    %mul3A_574 = arith.mulf %add3A_267, %exp3A_569 : vector<512x256xbf16>
    %add3A_575 = arith.addf %mul3A_574, %mul3A_573 : vector<512x256xbf16>
    %mul3A_576 = vector.broadcast %slice3A_571 : vector<512x1xbf16> to vector<512x256xbf16>
    %mul3A_577 = arith.mulf %add3A_575, %mul3A_576 : vector<512x256xbf16>
    %convert_element_type3A_578 = arith.extf %mul3A_577 : vector<512x256xbf16> to vector<512x256xf32>
    %add3A_579 = arith.addf %add3A_558, %convert_element_type3A_578 : vector<512x256xf32>
    %get3A_580 = arith.constant 4 : index
    %get3A_581 = arith.constant 0 : index
    %get3A_582 = vector.load %arg15[%get3A_580, %get3A_581] : memref<16x256xf32, #tpu.memory_space<vmem>>, vector<1x256xf32>
    %exp3A_583 = math.exp %get3A_582 : vector<1x256xf32>
    %neg3A_584 = arith.constant 0.000000e+00 : f32
    %neg3A_585 = vector.broadcast %neg3A_584 : f32 to vector<1x256xf32>
    %neg3A_586 = arith.subf %neg3A_585, %exp3A_583 : vector<1x256xf32>
    %convert_element_type3A_587 = arith.truncf %neg3A_586 : vector<1x256xf32> to vector<1x256xbf16>
    %mul3A_588 = vector.broadcast %convert_element_type3A_587 : vector<1x256xbf16> to vector<512x256xbf16>
    %mul3A_589 = arith.mulf %convert_element_type3A_492, %mul3A_588 : vector<512x256xbf16>
    %exp3A_590 = math.exp %mul3A_589 : vector<512x256xbf16>
    %slice3A_591 = vector.extract_strided_slice %convert_element_type3A_493 {offsets = [0, 12], sizes = [512, 1], strides = [1, 1]} : vector<512x40xbf16> to vector<512x1xbf16>
    %slice3A_592 = vector.extract_strided_slice %convert_element_type3A_493 {offsets = [0, 28], sizes = [512, 1], strides = [1, 1]} : vector<512x40xbf16> to vector<512x1xbf16>
    %mul3A_593 = vector.broadcast %slice3A_591 : vector<512x1xbf16> to vector<512x256xbf16>
    %mul3A_594 = arith.mulf %convert_element_type3A_491, %mul3A_593 : vector<512x256xbf16>
    %mul3A_595 = arith.mulf %add3A_282, %exp3A_590 : vector<512x256xbf16>
    %add3A_596 = arith.addf %mul3A_595, %mul3A_594 : vector<512x256xbf16>
    %mul3A_597 = vector.broadcast %slice3A_592 : vector<512x1xbf16> to vector<512x256xbf16>
    %mul3A_598 = arith.mulf %add3A_596, %mul3A_597 : vector<512x256xbf16>
    %convert_element_type3A_599 = arith.extf %mul3A_598 : vector<512x256xbf16> to vector<512x256xf32>
    %add3A_600 = arith.addf %add3A_579, %convert_element_type3A_599 : vector<512x256xf32>
    %get3A_601 = arith.constant 5 : index
    %get3A_602 = arith.constant 0 : index
    %get3A_603 = vector.load %arg15[%get3A_601, %get3A_602] : memref<16x256xf32, #tpu.memory_space<vmem>>, vector<1x256xf32>
    %exp3A_604 = math.exp %get3A_603 : vector<1x256xf32>
    %neg3A_605 = arith.constant 0.000000e+00 : f32
    %neg3A_606 = vector.broadcast %neg3A_605 : f32 to vector<1x256xf32>
    %neg3A_607 = arith.subf %neg3A_606, %exp3A_604 : vector<1x256xf32>
    %convert_element_type3A_608 = arith.truncf %neg3A_607 : vector<1x256xf32> to vector<1x256xbf16>
    %mul3A_609 = vector.broadcast %convert_element_type3A_608 : vector<1x256xbf16> to vector<512x256xbf16>
    %mul3A_610 = arith.mulf %convert_element_type3A_492, %mul3A_609 : vector<512x256xbf16>
    %exp3A_611 = math.exp %mul3A_610 : vector<512x256xbf16>
    %slice3A_612 = vector.extract_strided_slice %convert_element_type3A_493 {offsets = [0, 13], sizes = [512, 1], strides = [1, 1]} : vector<512x40xbf16> to vector<512x1xbf16>
    %slice3A_613 = vector.extract_strided_slice %convert_element_type3A_493 {offsets = [0, 29], sizes = [512, 1], strides = [1, 1]} : vector<512x40xbf16> to vector<512x1xbf16>
    %mul3A_614 = vector.broadcast %slice3A_612 : vector<512x1xbf16> to vector<512x256xbf16>
    %mul3A_615 = arith.mulf %convert_element_type3A_491, %mul3A_614 : vector<512x256xbf16>
    %mul3A_616 = arith.mulf %add3A_297, %exp3A_611 : vector<512x256xbf16>
    %add3A_617 = arith.addf %mul3A_616, %mul3A_615 : vector<512x256xbf16>
    %mul3A_618 = vector.broadcast %slice3A_613 : vector<512x1xbf16> to vector<512x256xbf16>
    %mul3A_619 = arith.mulf %add3A_617, %mul3A_618 : vector<512x256xbf16>
    %convert_element_type3A_620 = arith.extf %mul3A_619 : vector<512x256xbf16> to vector<512x256xf32>
    %add3A_621 = arith.addf %add3A_600, %convert_element_type3A_620 : vector<512x256xf32>
    %get3A_622 = arith.constant 6 : index
    %get3A_623 = arith.constant 0 : index
    %get3A_624 = vector.load %arg15[%get3A_622, %get3A_623] : memref<16x256xf32, #tpu.memory_space<vmem>>, vector<1x256xf32>
    %exp3A_625 = math.exp %get3A_624 : vector<1x256xf32>
    %neg3A_626 = arith.constant 0.000000e+00 : f32
    %neg3A_627 = vector.broadcast %neg3A_626 : f32 to vector<1x256xf32>
    %neg3A_628 = arith.subf %neg3A_627, %exp3A_625 : vector<1x256xf32>
    %convert_element_type3A_629 = arith.truncf %neg3A_628 : vector<1x256xf32> to vector<1x256xbf16>
    %mul3A_630 = vector.broadcast %convert_element_type3A_629 : vector<1x256xbf16> to vector<512x256xbf16>
    %mul3A_631 = arith.mulf %convert_element_type3A_492, %mul3A_630 : vector<512x256xbf16>
    %exp3A_632 = math.exp %mul3A_631 : vector<512x256xbf16>
    %slice3A_633 = vector.extract_strided_slice %convert_element_type3A_493 {offsets = [0, 14], sizes = [512, 1], strides = [1, 1]} : vector<512x40xbf16> to vector<512x1xbf16>
    %slice3A_634 = vector.extract_strided_slice %convert_element_type3A_493 {offsets = [0, 30], sizes = [512, 1], strides = [1, 1]} : vector<512x40xbf16> to vector<512x1xbf16>
    %mul3A_635 = vector.broadcast %slice3A_633 : vector<512x1xbf16> to vector<512x256xbf16>
    %mul3A_636 = arith.mulf %convert_element_type3A_491, %mul3A_635 : vector<512x256xbf16>
    %mul3A_637 = arith.mulf %add3A_312, %exp3A_632 : vector<512x256xbf16>
    %add3A_638 = arith.addf %mul3A_637, %mul3A_636 : vector<512x256xbf16>
    %mul3A_639 = vector.broadcast %slice3A_634 : vector<512x1xbf16> to vector<512x256xbf16>
    %mul3A_640 = arith.mulf %add3A_638, %mul3A_639 : vector<512x256xbf16>
    %convert_element_type3A_641 = arith.extf %mul3A_640 : vector<512x256xbf16> to vector<512x256xf32>
    %add3A_642 = arith.addf %add3A_621, %convert_element_type3A_641 : vector<512x256xf32>
    %get3A_643 = arith.constant 7 : index
    %get3A_644 = arith.constant 0 : index
    %get3A_645 = vector.load %arg15[%get3A_643, %get3A_644] : memref<16x256xf32, #tpu.memory_space<vmem>>, vector<1x256xf32>
    %exp3A_646 = math.exp %get3A_645 : vector<1x256xf32>
    %neg3A_647 = arith.constant 0.000000e+00 : f32
    %neg3A_648 = vector.broadcast %neg3A_647 : f32 to vector<1x256xf32>
    %neg3A_649 = arith.subf %neg3A_648, %exp3A_646 : vector<1x256xf32>
    %convert_element_type3A_650 = arith.truncf %neg3A_649 : vector<1x256xf32> to vector<1x256xbf16>
    %mul3A_651 = vector.broadcast %convert_element_type3A_650 : vector<1x256xbf16> to vector<512x256xbf16>
    %mul3A_652 = arith.mulf %convert_element_type3A_492, %mul3A_651 : vector<512x256xbf16>
    %exp3A_653 = math.exp %mul3A_652 : vector<512x256xbf16>
    %slice3A_654 = vector.extract_strided_slice %convert_element_type3A_493 {offsets = [0, 15], sizes = [512, 1], strides = [1, 1]} : vector<512x40xbf16> to vector<512x1xbf16>
    %slice3A_655 = vector.extract_strided_slice %convert_element_type3A_493 {offsets = [0, 31], sizes = [512, 1], strides = [1, 1]} : vector<512x40xbf16> to vector<512x1xbf16>
    %mul3A_656 = vector.broadcast %slice3A_654 : vector<512x1xbf16> to vector<512x256xbf16>
    %mul3A_657 = arith.mulf %convert_element_type3A_491, %mul3A_656 : vector<512x256xbf16>
    %mul3A_658 = arith.mulf %add3A_327, %exp3A_653 : vector<512x256xbf16>
    %add3A_659 = arith.addf %mul3A_658, %mul3A_657 : vector<512x256xbf16>
    %mul3A_660 = vector.broadcast %slice3A_655 : vector<512x1xbf16> to vector<512x256xbf16>
    %mul3A_661 = arith.mulf %add3A_659, %mul3A_660 : vector<512x256xbf16>
    %convert_element_type3A_662 = arith.extf %mul3A_661 : vector<512x256xbf16> to vector<512x256xf32>
    %add3A_663 = arith.addf %add3A_642, %convert_element_type3A_662 : vector<512x256xf32>
    %get3A_664 = arith.constant 8 : index
    %get3A_665 = arith.constant 0 : index
    %get3A_666 = vector.load %arg15[%get3A_664, %get3A_665] : memref<16x256xf32, #tpu.memory_space<vmem>>, vector<1x256xf32>
    %exp3A_667 = math.exp %get3A_666 : vector<1x256xf32>
    %neg3A_668 = arith.constant 0.000000e+00 : f32
    %neg3A_669 = vector.broadcast %neg3A_668 : f32 to vector<1x256xf32>
    %neg3A_670 = arith.subf %neg3A_669, %exp3A_667 : vector<1x256xf32>
    %convert_element_type3A_671 = arith.truncf %neg3A_670 : vector<1x256xf32> to vector<1x256xbf16>
    %mul3A_672 = vector.broadcast %convert_element_type3A_671 : vector<1x256xbf16> to vector<512x256xbf16>
    %mul3A_673 = arith.mulf %convert_element_type3A_492, %mul3A_672 : vector<512x256xbf16>
    %exp3A_674 = math.exp %mul3A_673 : vector<512x256xbf16>
    %slice3A_675 = vector.extract_strided_slice %convert_element_type3A_493 {offsets = [0, 16], sizes = [512, 1], strides = [1, 1]} : vector<512x40xbf16> to vector<512x1xbf16>
    %slice3A_676 = vector.extract_strided_slice %convert_element_type3A_493 {offsets = [0, 32], sizes = [512, 1], strides = [1, 1]} : vector<512x40xbf16> to vector<512x1xbf16>
    %mul3A_677 = vector.broadcast %slice3A_675 : vector<512x1xbf16> to vector<512x256xbf16>
    %mul3A_678 = arith.mulf %convert_element_type3A_491, %mul3A_677 : vector<512x256xbf16>
    %mul3A_679 = arith.mulf %add3A_342, %exp3A_674 : vector<512x256xbf16>
    %add3A_680 = arith.addf %mul3A_679, %mul3A_678 : vector<512x256xbf16>
    %mul3A_681 = vector.broadcast %slice3A_676 : vector<512x1xbf16> to vector<512x256xbf16>
    %mul3A_682 = arith.mulf %add3A_680, %mul3A_681 : vector<512x256xbf16>
    %convert_element_type3A_683 = arith.extf %mul3A_682 : vector<512x256xbf16> to vector<512x256xf32>
    %add3A_684 = arith.addf %add3A_663, %convert_element_type3A_683 : vector<512x256xf32>
    %get3A_685 = arith.constant 9 : index
    %get3A_686 = arith.constant 0 : index
    %get3A_687 = vector.load %arg15[%get3A_685, %get3A_686] : memref<16x256xf32, #tpu.memory_space<vmem>>, vector<1x256xf32>
    %exp3A_688 = math.exp %get3A_687 : vector<1x256xf32>
    %neg3A_689 = arith.constant 0.000000e+00 : f32
    %neg3A_690 = vector.broadcast %neg3A_689 : f32 to vector<1x256xf32>
    %neg3A_691 = arith.subf %neg3A_690, %exp3A_688 : vector<1x256xf32>
    %convert_element_type3A_692 = arith.truncf %neg3A_691 : vector<1x256xf32> to vector<1x256xbf16>
    %mul3A_693 = vector.broadcast %convert_element_type3A_692 : vector<1x256xbf16> to vector<512x256xbf16>
    %mul3A_694 = arith.mulf %convert_element_type3A_492, %mul3A_693 : vector<512x256xbf16>
    %exp3A_695 = math.exp %mul3A_694 : vector<512x256xbf16>
    %slice3A_696 = vector.extract_strided_slice %convert_element_type3A_493 {offsets = [0, 17], sizes = [512, 1], strides = [1, 1]} : vector<512x40xbf16> to vector<512x1xbf16>
    %slice3A_697 = vector.extract_strided_slice %convert_element_type3A_493 {offsets = [0, 33], sizes = [512, 1], strides = [1, 1]} : vector<512x40xbf16> to vector<512x1xbf16>
    %mul3A_698 = vector.broadcast %slice3A_696 : vector<512x1xbf16> to vector<512x256xbf16>
    %mul3A_699 = arith.mulf %convert_element_type3A_491, %mul3A_698 : vector<512x256xbf16>
    %mul3A_700 = arith.mulf %add3A_357, %exp3A_695 : vector<512x256xbf16>
    %add3A_701 = arith.addf %mul3A_700, %mul3A_699 : vector<512x256xbf16>
    %mul3A_702 = vector.broadcast %slice3A_697 : vector<512x1xbf16> to vector<512x256xbf16>
    %mul3A_703 = arith.mulf %add3A_701, %mul3A_702 : vector<512x256xbf16>
    %convert_element_type3A_704 = arith.extf %mul3A_703 : vector<512x256xbf16> to vector<512x256xf32>
    %add3A_705 = arith.addf %add3A_684, %convert_element_type3A_704 : vector<512x256xf32>
    %get3A_706 = arith.constant 10 : index
    %get3A_707 = arith.constant 0 : index
    %get3A_708 = vector.load %arg15[%get3A_706, %get3A_707] : memref<16x256xf32, #tpu.memory_space<vmem>>, vector<1x256xf32>
    %exp3A_709 = math.exp %get3A_708 : vector<1x256xf32>
    %neg3A_710 = arith.constant 0.000000e+00 : f32
    %neg3A_711 = vector.broadcast %neg3A_710 : f32 to vector<1x256xf32>
    %neg3A_712 = arith.subf %neg3A_711, %exp3A_709 : vector<1x256xf32>
    %convert_element_type3A_713 = arith.truncf %neg3A_712 : vector<1x256xf32> to vector<1x256xbf16>
    %mul3A_714 = vector.broadcast %convert_element_type3A_713 : vector<1x256xbf16> to vector<512x256xbf16>
    %mul3A_715 = arith.mulf %convert_element_type3A_492, %mul3A_714 : vector<512x256xbf16>
    %exp3A_716 = math.exp %mul3A_715 : vector<512x256xbf16>
    %slice3A_717 = vector.extract_strided_slice %convert_element_type3A_493 {offsets = [0, 18], sizes = [512, 1], strides = [1, 1]} : vector<512x40xbf16> to vector<512x1xbf16>
    %slice3A_718 = vector.extract_strided_slice %convert_element_type3A_493 {offsets = [0, 34], sizes = [512, 1], strides = [1, 1]} : vector<512x40xbf16> to vector<512x1xbf16>
    %mul3A_719 = vector.broadcast %slice3A_717 : vector<512x1xbf16> to vector<512x256xbf16>
    %mul3A_720 = arith.mulf %convert_element_type3A_491, %mul3A_719 : vector<512x256xbf16>
    %mul3A_721 = arith.mulf %add3A_372, %exp3A_716 : vector<512x256xbf16>
    %add3A_722 = arith.addf %mul3A_721, %mul3A_720 : vector<512x256xbf16>
    %mul3A_723 = vector.broadcast %slice3A_718 : vector<512x1xbf16> to vector<512x256xbf16>
    %mul3A_724 = arith.mulf %add3A_722, %mul3A_723 : vector<512x256xbf16>
    %convert_element_type3A_725 = arith.extf %mul3A_724 : vector<512x256xbf16> to vector<512x256xf32>
    %add3A_726 = arith.addf %add3A_705, %convert_element_type3A_725 : vector<512x256xf32>
    %get3A_727 = arith.constant 11 : index
    %get3A_728 = arith.constant 0 : index
    %get3A_729 = vector.load %arg15[%get3A_727, %get3A_728] : memref<16x256xf32, #tpu.memory_space<vmem>>, vector<1x256xf32>
    %exp3A_730 = math.exp %get3A_729 : vector<1x256xf32>
    %neg3A_731 = arith.constant 0.000000e+00 : f32
    %neg3A_732 = vector.broadcast %neg3A_731 : f32 to vector<1x256xf32>
    %neg3A_733 = arith.subf %neg3A_732, %exp3A_730 : vector<1x256xf32>
    %convert_element_type3A_734 = arith.truncf %neg3A_733 : vector<1x256xf32> to vector<1x256xbf16>
    %mul3A_735 = vector.broadcast %convert_element_type3A_734 : vector<1x256xbf16> to vector<512x256xbf16>
    %mul3A_736 = arith.mulf %convert_element_type3A_492, %mul3A_735 : vector<512x256xbf16>
    %exp3A_737 = math.exp %mul3A_736 : vector<512x256xbf16>
    %slice3A_738 = vector.extract_strided_slice %convert_element_type3A_493 {offsets = [0, 19], sizes = [512, 1], strides = [1, 1]} : vector<512x40xbf16> to vector<512x1xbf16>
    %slice3A_739 = vector.extract_strided_slice %convert_element_type3A_493 {offsets = [0, 35], sizes = [512, 1], strides = [1, 1]} : vector<512x40xbf16> to vector<512x1xbf16>
    %mul3A_740 = vector.broadcast %slice3A_738 : vector<512x1xbf16> to vector<512x256xbf16>
    %mul3A_741 = arith.mulf %convert_element_type3A_491, %mul3A_740 : vector<512x256xbf16>
    %mul3A_742 = arith.mulf %add3A_387, %exp3A_737 : vector<512x256xbf16>
    %add3A_743 = arith.addf %mul3A_742, %mul3A_741 : vector<512x256xbf16>
    %mul3A_744 = vector.broadcast %slice3A_739 : vector<512x1xbf16> to vector<512x256xbf16>
    %mul3A_745 = arith.mulf %add3A_743, %mul3A_744 : vector<512x256xbf16>
    %convert_element_type3A_746 = arith.extf %mul3A_745 : vector<512x256xbf16> to vector<512x256xf32>
    %add3A_747 = arith.addf %add3A_726, %convert_element_type3A_746 : vector<512x256xf32>
    %get3A_748 = arith.constant 12 : index
    %get3A_749 = arith.constant 0 : index
    %get3A_750 = vector.load %arg15[%get3A_748, %get3A_749] : memref<16x256xf32, #tpu.memory_space<vmem>>, vector<1x256xf32>
    %exp3A_751 = math.exp %get3A_750 : vector<1x256xf32>
    %neg3A_752 = arith.constant 0.000000e+00 : f32
    %neg3A_753 = vector.broadcast %neg3A_752 : f32 to vector<1x256xf32>
    %neg3A_754 = arith.subf %neg3A_753, %exp3A_751 : vector<1x256xf32>
    %convert_element_type3A_755 = arith.truncf %neg3A_754 : vector<1x256xf32> to vector<1x256xbf16>
    %mul3A_756 = vector.broadcast %convert_element_type3A_755 : vector<1x256xbf16> to vector<512x256xbf16>
    %mul3A_757 = arith.mulf %convert_element_type3A_492, %mul3A_756 : vector<512x256xbf16>
    %exp3A_758 = math.exp %mul3A_757 : vector<512x256xbf16>
    %slice3A_759 = vector.extract_strided_slice %convert_element_type3A_493 {offsets = [0, 20], sizes = [512, 1], strides = [1, 1]} : vector<512x40xbf16> to vector<512x1xbf16>
    %slice3A_760 = vector.extract_strided_slice %convert_element_type3A_493 {offsets = [0, 36], sizes = [512, 1], strides = [1, 1]} : vector<512x40xbf16> to vector<512x1xbf16>
    %mul3A_761 = vector.broadcast %slice3A_759 : vector<512x1xbf16> to vector<512x256xbf16>
    %mul3A_762 = arith.mulf %convert_element_type3A_491, %mul3A_761 : vector<512x256xbf16>
    %mul3A_763 = arith.mulf %add3A_402, %exp3A_758 : vector<512x256xbf16>
    %add3A_764 = arith.addf %mul3A_763, %mul3A_762 : vector<512x256xbf16>
    %mul3A_765 = vector.broadcast %slice3A_760 : vector<512x1xbf16> to vector<512x256xbf16>
    %mul3A_766 = arith.mulf %add3A_764, %mul3A_765 : vector<512x256xbf16>
    %convert_element_type3A_767 = arith.extf %mul3A_766 : vector<512x256xbf16> to vector<512x256xf32>
    %add3A_768 = arith.addf %add3A_747, %convert_element_type3A_767 : vector<512x256xf32>
    %get3A_769 = arith.constant 13 : index
    %get3A_770 = arith.constant 0 : index
    %get3A_771 = vector.load %arg15[%get3A_769, %get3A_770] : memref<16x256xf32, #tpu.memory_space<vmem>>, vector<1x256xf32>
    %exp3A_772 = math.exp %get3A_771 : vector<1x256xf32>
    %neg3A_773 = arith.constant 0.000000e+00 : f32
    %neg3A_774 = vector.broadcast %neg3A_773 : f32 to vector<1x256xf32>
    %neg3A_775 = arith.subf %neg3A_774, %exp3A_772 : vector<1x256xf32>
    %convert_element_type3A_776 = arith.truncf %neg3A_775 : vector<1x256xf32> to vector<1x256xbf16>
    %mul3A_777 = vector.broadcast %convert_element_type3A_776 : vector<1x256xbf16> to vector<512x256xbf16>
    %mul3A_778 = arith.mulf %convert_element_type3A_492, %mul3A_777 : vector<512x256xbf16>
    %exp3A_779 = math.exp %mul3A_778 : vector<512x256xbf16>
    %slice3A_780 = vector.extract_strided_slice %convert_element_type3A_493 {offsets = [0, 21], sizes = [512, 1], strides = [1, 1]} : vector<512x40xbf16> to vector<512x1xbf16>
    %slice3A_781 = vector.extract_strided_slice %convert_element_type3A_493 {offsets = [0, 37], sizes = [512, 1], strides = [1, 1]} : vector<512x40xbf16> to vector<512x1xbf16>
    %mul3A_782 = vector.broadcast %slice3A_780 : vector<512x1xbf16> to vector<512x256xbf16>
    %mul3A_783 = arith.mulf %convert_element_type3A_491, %mul3A_782 : vector<512x256xbf16>
    %mul3A_784 = arith.mulf %add3A_417, %exp3A_779 : vector<512x256xbf16>
    %add3A_785 = arith.addf %mul3A_784, %mul3A_783 : vector<512x256xbf16>
    %mul3A_786 = vector.broadcast %slice3A_781 : vector<512x1xbf16> to vector<512x256xbf16>
    %mul3A_787 = arith.mulf %add3A_785, %mul3A_786 : vector<512x256xbf16>
    %convert_element_type3A_788 = arith.extf %mul3A_787 : vector<512x256xbf16> to vector<512x256xf32>
    %add3A_789 = arith.addf %add3A_768, %convert_element_type3A_788 : vector<512x256xf32>
    %get3A_790 = arith.constant 14 : index
    %get3A_791 = arith.constant 0 : index
    %get3A_792 = vector.load %arg15[%get3A_790, %get3A_791] : memref<16x256xf32, #tpu.memory_space<vmem>>, vector<1x256xf32>
    %exp3A_793 = math.exp %get3A_792 : vector<1x256xf32>
    %neg3A_794 = arith.constant 0.000000e+00 : f32
    %neg3A_795 = vector.broadcast %neg3A_794 : f32 to vector<1x256xf32>
    %neg3A_796 = arith.subf %neg3A_795, %exp3A_793 : vector<1x256xf32>
    %convert_element_type3A_797 = arith.truncf %neg3A_796 : vector<1x256xf32> to vector<1x256xbf16>
    %mul3A_798 = vector.broadcast %convert_element_type3A_797 : vector<1x256xbf16> to vector<512x256xbf16>
    %mul3A_799 = arith.mulf %convert_element_type3A_492, %mul3A_798 : vector<512x256xbf16>
    %exp3A_800 = math.exp %mul3A_799 : vector<512x256xbf16>
    %slice3A_801 = vector.extract_strided_slice %convert_element_type3A_493 {offsets = [0, 22], sizes = [512, 1], strides = [1, 1]} : vector<512x40xbf16> to vector<512x1xbf16>
    %slice3A_802 = vector.extract_strided_slice %convert_element_type3A_493 {offsets = [0, 38], sizes = [512, 1], strides = [1, 1]} : vector<512x40xbf16> to vector<512x1xbf16>
    %mul3A_803 = vector.broadcast %slice3A_801 : vector<512x1xbf16> to vector<512x256xbf16>
    %mul3A_804 = arith.mulf %convert_element_type3A_491, %mul3A_803 : vector<512x256xbf16>
    %mul3A_805 = arith.mulf %add3A_432, %exp3A_800 : vector<512x256xbf16>
    %add3A_806 = arith.addf %mul3A_805, %mul3A_804 : vector<512x256xbf16>
    %mul3A_807 = vector.broadcast %slice3A_802 : vector<512x1xbf16> to vector<512x256xbf16>
    %mul3A_808 = arith.mulf %add3A_806, %mul3A_807 : vector<512x256xbf16>
    %convert_element_type3A_809 = arith.extf %mul3A_808 : vector<512x256xbf16> to vector<512x256xf32>
    %add3A_810 = arith.addf %add3A_789, %convert_element_type3A_809 : vector<512x256xf32>
    %get3A_811 = arith.constant 15 : index
    %get3A_812 = arith.constant 0 : index
    %get3A_813 = vector.load %arg15[%get3A_811, %get3A_812] : memref<16x256xf32, #tpu.memory_space<vmem>>, vector<1x256xf32>
    %exp3A_814 = math.exp %get3A_813 : vector<1x256xf32>
    %neg3A_815 = arith.constant 0.000000e+00 : f32
    %neg3A_816 = vector.broadcast %neg3A_815 : f32 to vector<1x256xf32>
    %neg3A_817 = arith.subf %neg3A_816, %exp3A_814 : vector<1x256xf32>
    %convert_element_type3A_818 = arith.truncf %neg3A_817 : vector<1x256xf32> to vector<1x256xbf16>
    %mul3A_819 = vector.broadcast %convert_element_type3A_818 : vector<1x256xbf16> to vector<512x256xbf16>
    %mul3A_820 = arith.mulf %convert_element_type3A_492, %mul3A_819 : vector<512x256xbf16>
    %exp3A_821 = math.exp %mul3A_820 : vector<512x256xbf16>
    %slice3A_822 = vector.extract_strided_slice %convert_element_type3A_493 {offsets = [0, 23], sizes = [512, 1], strides = [1, 1]} : vector<512x40xbf16> to vector<512x1xbf16>
    %slice3A_823 = vector.extract_strided_slice %convert_element_type3A_493 {offsets = [0, 39], sizes = [512, 1], strides = [1, 1]} : vector<512x40xbf16> to vector<512x1xbf16>
    %mul3A_824 = vector.broadcast %slice3A_822 : vector<512x1xbf16> to vector<512x256xbf16>
    %mul3A_825 = arith.mulf %convert_element_type3A_491, %mul3A_824 : vector<512x256xbf16>
    %mul3A_826 = arith.mulf %add3A_447, %exp3A_821 : vector<512x256xbf16>
    %add3A_827 = arith.addf %mul3A_826, %mul3A_825 : vector<512x256xbf16>
    %mul3A_828 = vector.broadcast %slice3A_823 : vector<512x1xbf16> to vector<512x256xbf16>
    %mul3A_829 = arith.mulf %add3A_827, %mul3A_828 : vector<512x256xbf16>
    %convert_element_type3A_830 = arith.extf %mul3A_829 : vector<512x256xbf16> to vector<512x256xf32>
    %add3A_831 = arith.addf %add3A_810, %convert_element_type3A_830 : vector<512x256xf32>
    %logistic3A_832 = arith.negf %dot_general3A_466 : vector<512x256xf32>
    %logistic3A_833 = math.exp %logistic3A_832 : vector<512x256xf32>
    %logistic3A_834 = arith.constant 1.000000e+00 : f32
    %logistic3A_835 = vector.broadcast %logistic3A_834 : f32 to vector<512x256xf32>
    %logistic3A_836 = arith.addf %logistic3A_835, %logistic3A_833 : vector<512x256xf32>
    %logistic3A_837 = arith.divf %logistic3A_835, %logistic3A_836 : vector<512x256xf32>
    %mul3A_838 = arith.mulf %dot_general3A_466, %logistic3A_837 : vector<512x256xf32>
    %mul3A_839 = arith.mulf %add3A_831, %mul3A_838 : vector<512x256xf32>
    %get3A_840 = arith.constant 0 : index
    %get3A_841 = arith.constant 0 : index
    %get3A_842 = vector.load %arg18[%get3A_840, %get3A_841] : memref<128x256xf32, #tpu.memory_space<vmem>>, vector<128x256xf32>
    %dot_general3A_843 = arith.constant dense<0.000000e+00> : vector<512x128xf32>
    %dot_general3A_844 = tpu.matmul %mul3A_839, %get3A_842, %dot_general3A_843 {dimension_numbers = #tpu.dot_dimension_numbers<[1], [1], [0], [0], [0, 0, 1, 0], [], []>, transpose_lhs_hint = false} : vector<512x256xf32>, vector<128x256xf32>, vector<512x128xf32> -> vector<512x128xf32>
    %swap3A_845 = arith.constant 0 : index
    %swap3A_846 = arith.constant 1024 : index
    %swap3A_847 = arith.constant 0 : index
    %swap3A_848 = vector.load %arg19[%swap3A_845, %swap3A_846, %swap3A_847] : memref<1x2048x128xf32, #tpu.memory_space<vmem>>, vector<1x512x128xf32>
    %swap3A_849 = vector.shape_cast %swap3A_848 : vector<1x512x128xf32> to vector<512x128xf32>
    %swap3A_850 = vector.shape_cast %dot_general3A_844 : vector<512x128xf32> to vector<1x512x128xf32>
    tpu.vector_store %arg19[%swap3A_845, %swap3A_846, %swap3A_847], %swap3A_850 {strides = array<i32>} : memref<1x2048x128xf32, #tpu.memory_space<vmem>>, vector<1x512x128xf32>,
    %get3A_851 = arith.constant 0 : index
    %get3A_852 = arith.constant 0 : index
    %get3A_853 = arith.constant 0 : index
    %get3A_854 = vector.load %arg3[%get3A_851, %get3A_852, %get3A_853] : memref<1x256x512xf32, #tpu.memory_space<vmem>>, vector<1x256x512xf32>
    %get3A_855 = vector.shape_cast %get3A_854 : vector<1x256x512xf32> to vector<256x512xf32>
    %get3A_856 = arith.constant 0 : index
    %get3A_857 = arith.constant 0 : index
    %get3A_858 = arith.constant 0 : index
    %get3A_859 = vector.load %arg7[%get3A_856, %get3A_857, %get3A_858] : memref<1x256x128xf32, #tpu.memory_space<vmem>>, vector<1x256x128xf32>
    %get3A_860 = vector.shape_cast %get3A_859 : vector<1x256x128xf32> to vector<256x128xf32>
    %reshape3A_861 = vector.shape_cast %add3A_512 : vector<512x256xbf16> to vector<256x512xbf16>
    %get3A_862 = arith.constant 0 : index
    %get3A_863 = arith.constant 0 : index
    %get3A_864 = vector.load %arg17[%get3A_862, %get3A_863] : memref<16x256xf32, #tpu.memory_space<vmem>>, vector<1x256xf32>
    %convert_element_type3A_865 = arith.truncf %get3A_864 : vector<1x256xf32> to vector<1x256xbf16>
    %slice3A_866 = vector.extract_strided_slice %reshape3A_861 {offsets = [0, 0], sizes = [256, 256], strides = [1, 1]} : vector<256x512xbf16> to vector<256x256xbf16>
    %mul3A_867 = vector.broadcast %convert_element_type3A_865 : vector<1x256xbf16> to vector<256x256xbf16>
    %mul3A_868 = arith.mulf %mul3A_867, %slice3A_866 : vector<256x256xbf16>
    %sub3A_869 = arith.constant 1.000000e+00 : bf16
    %sub3A_870 = vector.broadcast %sub3A_869 : bf16 to vector<1x256xbf16>
    %sub3A_871 = arith.subf %sub3A_870, %convert_element_type3A_865 : vector<1x256xbf16>
    %slice3A_872 = vector.extract_strided_slice %reshape3A_861 {offsets = [0, 256], sizes = [256, 256], strides = [1, 1]} : vector<256x512xbf16> to vector<256x256xbf16>
    %mul3A_873 = vector.broadcast %sub3A_871 : vector<1x256xbf16> to vector<256x256xbf16>
    %mul3A_874 = arith.mulf %mul3A_873, %slice3A_872 : vector<256x256xbf16>
    %add3A_875 = arith.addf %mul3A_868, %mul3A_874 : vector<256x256xbf16>
    %reshape3A_876 = vector.shape_cast %add3A_533 : vector<512x256xbf16> to vector<256x512xbf16>
    %get3A_877 = arith.constant 1 : index
    %get3A_878 = arith.constant 0 : index
    %get3A_879 = vector.load %arg17[%get3A_877, %get3A_878] : memref<16x256xf32, #tpu.memory_space<vmem>>, vector<1x256xf32>
    %convert_element_type3A_880 = arith.truncf %get3A_879 : vector<1x256xf32> to vector<1x256xbf16>
    %slice3A_881 = vector.extract_strided_slice %reshape3A_876 {offsets = [0, 0], sizes = [256, 256], strides = [1, 1]} : vector<256x512xbf16> to vector<256x256xbf16>
    %mul3A_882 = vector.broadcast %convert_element_type3A_880 : vector<1x256xbf16> to vector<256x256xbf16>
    %mul3A_883 = arith.mulf %mul3A_882, %slice3A_881 : vector<256x256xbf16>
    %sub3A_884 = arith.constant 1.000000e+00 : bf16
    %sub3A_885 = vector.broadcast %sub3A_884 : bf16 to vector<1x256xbf16>
    %sub3A_886 = arith.subf %sub3A_885, %convert_element_type3A_880 : vector<1x256xbf16>
    %slice3A_887 = vector.extract_strided_slice %reshape3A_876 {offsets = [0, 256], sizes = [256, 256], strides = [1, 1]} : vector<256x512xbf16> to vector<256x256xbf16>
    %mul3A_888 = vector.broadcast %sub3A_886 : vector<1x256xbf16> to vector<256x256xbf16>
    %mul3A_889 = arith.mulf %mul3A_888, %slice3A_887 : vector<256x256xbf16>
    %add3A_890 = arith.addf %mul3A_883, %mul3A_889 : vector<256x256xbf16>
    %reshape3A_891 = vector.shape_cast %add3A_554 : vector<512x256xbf16> to vector<256x512xbf16>
    %get3A_892 = arith.constant 2 : index
    %get3A_893 = arith.constant 0 : index
    %get3A_894 = vector.load %arg17[%get3A_892, %get3A_893] : memref<16x256xf32, #tpu.memory_space<vmem>>, vector<1x256xf32>
    %convert_element_type3A_895 = arith.truncf %get3A_894 : vector<1x256xf32> to vector<1x256xbf16>
    %slice3A_896 = vector.extract_strided_slice %reshape3A_891 {offsets = [0, 0], sizes = [256, 256], strides = [1, 1]} : vector<256x512xbf16> to vector<256x256xbf16>
    %mul3A_897 = vector.broadcast %convert_element_type3A_895 : vector<1x256xbf16> to vector<256x256xbf16>
    %mul3A_898 = arith.mulf %mul3A_897, %slice3A_896 : vector<256x256xbf16>
    %sub3A_899 = arith.constant 1.000000e+00 : bf16
    %sub3A_900 = vector.broadcast %sub3A_899 : bf16 to vector<1x256xbf16>
    %sub3A_901 = arith.subf %sub3A_900, %convert_element_type3A_895 : vector<1x256xbf16>
    %slice3A_902 = vector.extract_strided_slice %reshape3A_891 {offsets = [0, 256], sizes = [256, 256], strides = [1, 1]} : vector<256x512xbf16> to vector<256x256xbf16>
    %mul3A_903 = vector.broadcast %sub3A_901 : vector<1x256xbf16> to vector<256x256xbf16>
    %mul3A_904 = arith.mulf %mul3A_903, %slice3A_902 : vector<256x256xbf16>
    %add3A_905 = arith.addf %mul3A_898, %mul3A_904 : vector<256x256xbf16>
    %reshape3A_906 = vector.shape_cast %add3A_575 : vector<512x256xbf16> to vector<256x512xbf16>
    %get3A_907 = arith.constant 3 : index
    %get3A_908 = arith.constant 0 : index
    %get3A_909 = vector.load %arg17[%get3A_907, %get3A_908] : memref<16x256xf32, #tpu.memory_space<vmem>>, vector<1x256xf32>
    %convert_element_type3A_910 = arith.truncf %get3A_909 : vector<1x256xf32> to vector<1x256xbf16>
    %slice3A_911 = vector.extract_strided_slice %reshape3A_906 {offsets = [0, 0], sizes = [256, 256], strides = [1, 1]} : vector<256x512xbf16> to vector<256x256xbf16>
    %mul3A_912 = vector.broadcast %convert_element_type3A_910 : vector<1x256xbf16> to vector<256x256xbf16>
    %mul3A_913 = arith.mulf %mul3A_912, %slice3A_911 : vector<256x256xbf16>
    %sub3A_914 = arith.constant 1.000000e+00 : bf16
    %sub3A_915 = vector.broadcast %sub3A_914 : bf16 to vector<1x256xbf16>
    %sub3A_916 = arith.subf %sub3A_915, %convert_element_type3A_910 : vector<1x256xbf16>
    %slice3A_917 = vector.extract_strided_slice %reshape3A_906 {offsets = [0, 256], sizes = [256, 256], strides = [1, 1]} : vector<256x512xbf16> to vector<256x256xbf16>
    %mul3A_918 = vector.broadcast %sub3A_916 : vector<1x256xbf16> to vector<256x256xbf16>
    %mul3A_919 = arith.mulf %mul3A_918, %slice3A_917 : vector<256x256xbf16>
    %add3A_920 = arith.addf %mul3A_913, %mul3A_919 : vector<256x256xbf16>
    %reshape3A_921 = vector.shape_cast %add3A_596 : vector<512x256xbf16> to vector<256x512xbf16>
    %get3A_922 = arith.constant 4 : index
    %get3A_923 = arith.constant 0 : index
    %get3A_924 = vector.load %arg17[%get3A_922, %get3A_923] : memref<16x256xf32, #tpu.memory_space<vmem>>, vector<1x256xf32>
    %convert_element_type3A_925 = arith.truncf %get3A_924 : vector<1x256xf32> to vector<1x256xbf16>
    %slice3A_926 = vector.extract_strided_slice %reshape3A_921 {offsets = [0, 0], sizes = [256, 256], strides = [1, 1]} : vector<256x512xbf16> to vector<256x256xbf16>
    %mul3A_927 = vector.broadcast %convert_element_type3A_925 : vector<1x256xbf16> to vector<256x256xbf16>
    %mul3A_928 = arith.mulf %mul3A_927, %slice3A_926 : vector<256x256xbf16>
    %sub3A_929 = arith.constant 1.000000e+00 : bf16
    %sub3A_930 = vector.broadcast %sub3A_929 : bf16 to vector<1x256xbf16>
    %sub3A_931 = arith.subf %sub3A_930, %convert_element_type3A_925 : vector<1x256xbf16>
    %slice3A_932 = vector.extract_strided_slice %reshape3A_921 {offsets = [0, 256], sizes = [256, 256], strides = [1, 1]} : vector<256x512xbf16> to vector<256x256xbf16>
    %mul3A_933 = vector.broadcast %sub3A_931 : vector<1x256xbf16> to vector<256x256xbf16>
    %mul3A_934 = arith.mulf %mul3A_933, %slice3A_932 : vector<256x256xbf16>
    %add3A_935 = arith.addf %mul3A_928, %mul3A_934 : vector<256x256xbf16>
    %reshape3A_936 = vector.shape_cast %add3A_617 : vector<512x256xbf16> to vector<256x512xbf16>
    %get3A_937 = arith.constant 5 : index
    %get3A_938 = arith.constant 0 : index
    %get3A_939 = vector.load %arg17[%get3A_937, %get3A_938] : memref<16x256xf32, #tpu.memory_space<vmem>>, vector<1x256xf32>
    %convert_element_type3A_940 = arith.truncf %get3A_939 : vector<1x256xf32> to vector<1x256xbf16>
    %slice3A_941 = vector.extract_strided_slice %reshape3A_936 {offsets = [0, 0], sizes = [256, 256], strides = [1, 1]} : vector<256x512xbf16> to vector<256x256xbf16>
    %mul3A_942 = vector.broadcast %convert_element_type3A_940 : vector<1x256xbf16> to vector<256x256xbf16>
    %mul3A_943 = arith.mulf %mul3A_942, %slice3A_941 : vector<256x256xbf16>
    %sub3A_944 = arith.constant 1.000000e+00 : bf16
    %sub3A_945 = vector.broadcast %sub3A_944 : bf16 to vector<1x256xbf16>
    %sub3A_946 = arith.subf %sub3A_945, %convert_element_type3A_940 : vector<1x256xbf16>
    %slice3A_947 = vector.extract_strided_slice %reshape3A_936 {offsets = [0, 256], sizes = [256, 256], strides = [1, 1]} : vector<256x512xbf16> to vector<256x256xbf16>
    %mul3A_948 = vector.broadcast %sub3A_946 : vector<1x256xbf16> to vector<256x256xbf16>
    %mul3A_949 = arith.mulf %mul3A_948, %slice3A_947 : vector<256x256xbf16>
    %add3A_950 = arith.addf %mul3A_943, %mul3A_949 : vector<256x256xbf16>
    %reshape3A_951 = vector.shape_cast %add3A_638 : vector<512x256xbf16> to vector<256x512xbf16>
    %get3A_952 = arith.constant 6 : index
    %get3A_953 = arith.constant 0 : index
    %get3A_954 = vector.load %arg17[%get3A_952, %get3A_953] : memref<16x256xf32, #tpu.memory_space<vmem>>, vector<1x256xf32>
    %convert_element_type3A_955 = arith.truncf %get3A_954 : vector<1x256xf32> to vector<1x256xbf16>
    %slice3A_956 = vector.extract_strided_slice %reshape3A_951 {offsets = [0, 0], sizes = [256, 256], strides = [1, 1]} : vector<256x512xbf16> to vector<256x256xbf16>
    %mul3A_957 = vector.broadcast %convert_element_type3A_955 : vector<1x256xbf16> to vector<256x256xbf16>
    %mul3A_958 = arith.mulf %mul3A_957, %slice3A_956 : vector<256x256xbf16>
    %sub3A_959 = arith.constant 1.000000e+00 : bf16
    %sub3A_960 = vector.broadcast %sub3A_959 : bf16 to vector<1x256xbf16>
    %sub3A_961 = arith.subf %sub3A_960, %convert_element_type3A_955 : vector<1x256xbf16>
    %slice3A_962 = vector.extract_strided_slice %reshape3A_951 {offsets = [0, 256], sizes = [256, 256], strides = [1, 1]} : vector<256x512xbf16> to vector<256x256xbf16>
    %mul3A_963 = vector.broadcast %sub3A_961 : vector<1x256xbf16> to vector<256x256xbf16>
    %mul3A_964 = arith.mulf %mul3A_963, %slice3A_962 : vector<256x256xbf16>
    %add3A_965 = arith.addf %mul3A_958, %mul3A_964 : vector<256x256xbf16>
    %reshape3A_966 = vector.shape_cast %add3A_659 : vector<512x256xbf16> to vector<256x512xbf16>
    %get3A_967 = arith.constant 7 : index
    %get3A_968 = arith.constant 0 : index
    %get3A_969 = vector.load %arg17[%get3A_967, %get3A_968] : memref<16x256xf32, #tpu.memory_space<vmem>>, vector<1x256xf32>
    %convert_element_type3A_970 = arith.truncf %get3A_969 : vector<1x256xf32> to vector<1x256xbf16>
    %slice3A_971 = vector.extract_strided_slice %reshape3A_966 {offsets = [0, 0], sizes = [256, 256], strides = [1, 1]} : vector<256x512xbf16> to vector<256x256xbf16>
    %mul3A_972 = vector.broadcast %convert_element_type3A_970 : vector<1x256xbf16> to vector<256x256xbf16>
    %mul3A_973 = arith.mulf %mul3A_972, %slice3A_971 : vector<256x256xbf16>
    %sub3A_974 = arith.constant 1.000000e+00 : bf16
    %sub3A_975 = vector.broadcast %sub3A_974 : bf16 to vector<1x256xbf16>
    %sub3A_976 = arith.subf %sub3A_975, %convert_element_type3A_970 : vector<1x256xbf16>
    %slice3A_977 = vector.extract_strided_slice %reshape3A_966 {offsets = [0, 256], sizes = [256, 256], strides = [1, 1]} : vector<256x512xbf16> to vector<256x256xbf16>
    %mul3A_978 = vector.broadcast %sub3A_976 : vector<1x256xbf16> to vector<256x256xbf16>
    %mul3A_979 = arith.mulf %mul3A_978, %slice3A_977 : vector<256x256xbf16>
    %add3A_980 = arith.addf %mul3A_973, %mul3A_979 : vector<256x256xbf16>
    %reshape3A_981 = vector.shape_cast %add3A_680 : vector<512x256xbf16> to vector<256x512xbf16>
    %get3A_982 = arith.constant 8 : index
    %get3A_983 = arith.constant 0 : index
    %get3A_984 = vector.load %arg17[%get3A_982, %get3A_983] : memref<16x256xf32, #tpu.memory_space<vmem>>, vector<1x256xf32>
    %convert_element_type3A_985 = arith.truncf %get3A_984 : vector<1x256xf32> to vector<1x256xbf16>
    %slice3A_986 = vector.extract_strided_slice %reshape3A_981 {offsets = [0, 0], sizes = [256, 256], strides = [1, 1]} : vector<256x512xbf16> to vector<256x256xbf16>
    %mul3A_987 = vector.broadcast %convert_element_type3A_985 : vector<1x256xbf16> to vector<256x256xbf16>
    %mul3A_988 = arith.mulf %mul3A_987, %slice3A_986 : vector<256x256xbf16>
    %sub3A_989 = arith.constant 1.000000e+00 : bf16
    %sub3A_990 = vector.broadcast %sub3A_989 : bf16 to vector<1x256xbf16>
    %sub3A_991 = arith.subf %sub3A_990, %convert_element_type3A_985 : vector<1x256xbf16>
    %slice3A_992 = vector.extract_strided_slice %reshape3A_981 {offsets = [0, 256], sizes = [256, 256], strides = [1, 1]} : vector<256x512xbf16> to vector<256x256xbf16>
    %mul3A_993 = vector.broadcast %sub3A_991 : vector<1x256xbf16> to vector<256x256xbf16>
    %mul3A_994 = arith.mulf %mul3A_993, %slice3A_992 : vector<256x256xbf16>
    %add3A_995 = arith.addf %mul3A_988, %mul3A_994 : vector<256x256xbf16>
    %reshape3A_996 = vector.shape_cast %add3A_701 : vector<512x256xbf16> to vector<256x512xbf16>
    %get3A_997 = arith.constant 9 : index
    %get3A_998 = arith.constant 0 : index
    %get3A_999 = vector.load %arg17[%get3A_997, %get3A_998] : memref<16x256xf32, #tpu.memory_space<vmem>>, vector<1x256xf32>
    %convert_element_type3A_1000 = arith.truncf %get3A_999 : vector<1x256xf32> to vector<1x256xbf16>
    %slice3A_1001 = vector.extract_strided_slice %reshape3A_996 {offsets = [0, 0], sizes = [256, 256], strides = [1, 1]} : vector<256x512xbf16> to vector<256x256xbf16>
    %mul3A_1002 = vector.broadcast %convert_element_type3A_1000 : vector<1x256xbf16> to vector<256x256xbf16>
    %mul3A_1003 = arith.mulf %mul3A_1002, %slice3A_1001 : vector<256x256xbf16>
    %sub3A_1004 = arith.constant 1.000000e+00 : bf16
    %sub3A_1005 = vector.broadcast %sub3A_1004 : bf16 to vector<1x256xbf16>
    %sub3A_1006 = arith.subf %sub3A_1005, %convert_element_type3A_1000 : vector<1x256xbf16>
    %slice3A_1007 = vector.extract_strided_slice %reshape3A_996 {offsets = [0, 256], sizes = [256, 256], strides = [1, 1]} : vector<256x512xbf16> to vector<256x256xbf16>
    %mul3A_1008 = vector.broadcast %sub3A_1006 : vector<1x256xbf16> to vector<256x256xbf16>
    %mul3A_1009 = arith.mulf %mul3A_1008, %slice3A_1007 : vector<256x256xbf16>
    %add3A_1010 = arith.addf %mul3A_1003, %mul3A_1009 : vector<256x256xbf16>
    %reshape3A_1011 = vector.shape_cast %add3A_722 : vector<512x256xbf16> to vector<256x512xbf16>
    %get3A_1012 = arith.constant 10 : index
    %get3A_1013 = arith.constant 0 : index
    %get3A_1014 = vector.load %arg17[%get3A_1012, %get3A_1013] : memref<16x256xf32, #tpu.memory_space<vmem>>, vector<1x256xf32>
    %convert_element_type3A_1015 = arith.truncf %get3A_1014 : vector<1x256xf32> to vector<1x256xbf16>
    %slice3A_1016 = vector.extract_strided_slice %reshape3A_1011 {offsets = [0, 0], sizes = [256, 256], strides = [1, 1]} : vector<256x512xbf16> to vector<256x256xbf16>
    %mul3A_1017 = vector.broadcast %convert_element_type3A_1015 : vector<1x256xbf16> to vector<256x256xbf16>
    %mul3A_1018 = arith.mulf %mul3A_1017, %slice3A_1016 : vector<256x256xbf16>
    %sub3A_1019 = arith.constant 1.000000e+00 : bf16
    %sub3A_1020 = vector.broadcast %sub3A_1019 : bf16 to vector<1x256xbf16>
    %sub3A_1021 = arith.subf %sub3A_1020, %convert_element_type3A_1015 : vector<1x256xbf16>
    %slice3A_1022 = vector.extract_strided_slice %reshape3A_1011 {offsets = [0, 256], sizes = [256, 256], strides = [1, 1]} : vector<256x512xbf16> to vector<256x256xbf16>
    %mul3A_1023 = vector.broadcast %sub3A_1021 : vector<1x256xbf16> to vector<256x256xbf16>
    %mul3A_1024 = arith.mulf %mul3A_1023, %slice3A_1022 : vector<256x256xbf16>
    %add3A_1025 = arith.addf %mul3A_1018, %mul3A_1024 : vector<256x256xbf16>
    %reshape3A_1026 = vector.shape_cast %add3A_743 : vector<512x256xbf16> to vector<256x512xbf16>
    %get3A_1027 = arith.constant 11 : index
    %get3A_1028 = arith.constant 0 : index
    %get3A_1029 = vector.load %arg17[%get3A_1027, %get3A_1028] : memref<16x256xf32, #tpu.memory_space<vmem>>, vector<1x256xf32>
    %convert_element_type3A_1030 = arith.truncf %get3A_1029 : vector<1x256xf32> to vector<1x256xbf16>
    %slice3A_1031 = vector.extract_strided_slice %reshape3A_1026 {offsets = [0, 0], sizes = [256, 256], strides = [1, 1]} : vector<256x512xbf16> to vector<256x256xbf16>
    %mul3A_1032 = vector.broadcast %convert_element_type3A_1030 : vector<1x256xbf16> to vector<256x256xbf16>
    %mul3A_1033 = arith.mulf %mul3A_1032, %slice3A_1031 : vector<256x256xbf16>
    %sub3A_1034 = arith.constant 1.000000e+00 : bf16
    %sub3A_1035 = vector.broadcast %sub3A_1034 : bf16 to vector<1x256xbf16>
    %sub3A_1036 = arith.subf %sub3A_1035, %convert_element_type3A_1030 : vector<1x256xbf16>
    %slice3A_1037 = vector.extract_strided_slice %reshape3A_1026 {offsets = [0, 256], sizes = [256, 256], strides = [1, 1]} : vector<256x512xbf16> to vector<256x256xbf16>
    %mul3A_1038 = vector.broadcast %sub3A_1036 : vector<1x256xbf16> to vector<256x256xbf16>
    %mul3A_1039 = arith.mulf %mul3A_1038, %slice3A_1037 : vector<256x256xbf16>
    %add3A_1040 = arith.addf %mul3A_1033, %mul3A_1039 : vector<256x256xbf16>
    %reshape3A_1041 = vector.shape_cast %add3A_764 : vector<512x256xbf16> to vector<256x512xbf16>
    %get3A_1042 = arith.constant 12 : index
    %get3A_1043 = arith.constant 0 : index
    %get3A_1044 = vector.load %arg17[%get3A_1042, %get3A_1043] : memref<16x256xf32, #tpu.memory_space<vmem>>, vector<1x256xf32>
    %convert_element_type3A_1045 = arith.truncf %get3A_1044 : vector<1x256xf32> to vector<1x256xbf16>
    %slice3A_1046 = vector.extract_strided_slice %reshape3A_1041 {offsets = [0, 0], sizes = [256, 256], strides = [1, 1]} : vector<256x512xbf16> to vector<256x256xbf16>
    %mul3A_1047 = vector.broadcast %convert_element_type3A_1045 : vector<1x256xbf16> to vector<256x256xbf16>
    %mul3A_1048 = arith.mulf %mul3A_1047, %slice3A_1046 : vector<256x256xbf16>
    %sub3A_1049 = arith.constant 1.000000e+00 : bf16
    %sub3A_1050 = vector.broadcast %sub3A_1049 : bf16 to vector<1x256xbf16>
    %sub3A_1051 = arith.subf %sub3A_1050, %convert_element_type3A_1045 : vector<1x256xbf16>
    %slice3A_1052 = vector.extract_strided_slice %reshape3A_1041 {offsets = [0, 256], sizes = [256, 256], strides = [1, 1]} : vector<256x512xbf16> to vector<256x256xbf16>
    %mul3A_1053 = vector.broadcast %sub3A_1051 : vector<1x256xbf16> to vector<256x256xbf16>
    %mul3A_1054 = arith.mulf %mul3A_1053, %slice3A_1052 : vector<256x256xbf16>
    %add3A_1055 = arith.addf %mul3A_1048, %mul3A_1054 : vector<256x256xbf16>
    %reshape3A_1056 = vector.shape_cast %add3A_785 : vector<512x256xbf16> to vector<256x512xbf16>
    %get3A_1057 = arith.constant 13 : index
    %get3A_1058 = arith.constant 0 : index
    %get3A_1059 = vector.load %arg17[%get3A_1057, %get3A_1058] : memref<16x256xf32, #tpu.memory_space<vmem>>, vector<1x256xf32>
    %convert_element_type3A_1060 = arith.truncf %get3A_1059 : vector<1x256xf32> to vector<1x256xbf16>
    %slice3A_1061 = vector.extract_strided_slice %reshape3A_1056 {offsets = [0, 0], sizes = [256, 256], strides = [1, 1]} : vector<256x512xbf16> to vector<256x256xbf16>
    %mul3A_1062 = vector.broadcast %convert_element_type3A_1060 : vector<1x256xbf16> to vector<256x256xbf16>
    %mul3A_1063 = arith.mulf %mul3A_1062, %slice3A_1061 : vector<256x256xbf16>
    %sub3A_1064 = arith.constant 1.000000e+00 : bf16
    %sub3A_1065 = vector.broadcast %sub3A_1064 : bf16 to vector<1x256xbf16>
    %sub3A_1066 = arith.subf %sub3A_1065, %convert_element_type3A_1060 : vector<1x256xbf16>
    %slice3A_1067 = vector.extract_strided_slice %reshape3A_1056 {offsets = [0, 256], sizes = [256, 256], strides = [1, 1]} : vector<256x512xbf16> to vector<256x256xbf16>
    %mul3A_1068 = vector.broadcast %sub3A_1066 : vector<1x256xbf16> to vector<256x256xbf16>
    %mul3A_1069 = arith.mulf %mul3A_1068, %slice3A_1067 : vector<256x256xbf16>
    %add3A_1070 = arith.addf %mul3A_1063, %mul3A_1069 : vector<256x256xbf16>
    %reshape3A_1071 = vector.shape_cast %add3A_806 : vector<512x256xbf16> to vector<256x512xbf16>
    %get3A_1072 = arith.constant 14 : index
    %get3A_1073 = arith.constant 0 : index
    %get3A_1074 = vector.load %arg17[%get3A_1072, %get3A_1073] : memref<16x256xf32, #tpu.memory_space<vmem>>, vector<1x256xf32>
    %convert_element_type3A_1075 = arith.truncf %get3A_1074 : vector<1x256xf32> to vector<1x256xbf16>
    %slice3A_1076 = vector.extract_strided_slice %reshape3A_1071 {offsets = [0, 0], sizes = [256, 256], strides = [1, 1]} : vector<256x512xbf16> to vector<256x256xbf16>
    %mul3A_1077 = vector.broadcast %convert_element_type3A_1075 : vector<1x256xbf16> to vector<256x256xbf16>
    %mul3A_1078 = arith.mulf %mul3A_1077, %slice3A_1076 : vector<256x256xbf16>
    %sub3A_1079 = arith.constant 1.000000e+00 : bf16
    %sub3A_1080 = vector.broadcast %sub3A_1079 : bf16 to vector<1x256xbf16>
    %sub3A_1081 = arith.subf %sub3A_1080, %convert_element_type3A_1075 : vector<1x256xbf16>
    %slice3A_1082 = vector.extract_strided_slice %reshape3A_1071 {offsets = [0, 256], sizes = [256, 256], strides = [1, 1]} : vector<256x512xbf16> to vector<256x256xbf16>
    %mul3A_1083 = vector.broadcast %sub3A_1081 : vector<1x256xbf16> to vector<256x256xbf16>
    %mul3A_1084 = arith.mulf %mul3A_1083, %slice3A_1082 : vector<256x256xbf16>
    %add3A_1085 = arith.addf %mul3A_1078, %mul3A_1084 : vector<256x256xbf16>
    %reshape3A_1086 = vector.shape_cast %add3A_827 : vector<512x256xbf16> to vector<256x512xbf16>
    %get3A_1087 = arith.constant 15 : index
    %get3A_1088 = arith.constant 0 : index
    %get3A_1089 = vector.load %arg17[%get3A_1087, %get3A_1088] : memref<16x256xf32, #tpu.memory_space<vmem>>, vector<1x256xf32>
    %convert_element_type3A_1090 = arith.truncf %get3A_1089 : vector<1x256xf32> to vector<1x256xbf16>
    %slice3A_1091 = vector.extract_strided_slice %reshape3A_1086 {offsets = [0, 0], sizes = [256, 256], strides = [1, 1]} : vector<256x512xbf16> to vector<256x256xbf16>
    %mul3A_1092 = vector.broadcast %convert_element_type3A_1090 : vector<1x256xbf16> to vector<256x256xbf16>
    %mul3A_1093 = arith.mulf %mul3A_1092, %slice3A_1091 : vector<256x256xbf16>
    %sub3A_1094 = arith.constant 1.000000e+00 : bf16
    %sub3A_1095 = vector.broadcast %sub3A_1094 : bf16 to vector<1x256xbf16>
    %sub3A_1096 = arith.subf %sub3A_1095, %convert_element_type3A_1090 : vector<1x256xbf16>
    %slice3A_1097 = vector.extract_strided_slice %reshape3A_1086 {offsets = [0, 256], sizes = [256, 256], strides = [1, 1]} : vector<256x512xbf16> to vector<256x256xbf16>
    %mul3A_1098 = vector.broadcast %sub3A_1096 : vector<1x256xbf16> to vector<256x256xbf16>
    %mul3A_1099 = arith.mulf %mul3A_1098, %slice3A_1097 : vector<256x256xbf16>
    %add3A_1100 = arith.addf %mul3A_1093, %mul3A_1099 : vector<256x256xbf16>
    %get3A_1101 = arith.constant 0 : index
    %get3A_1102 = arith.constant 0 : index
    %get3A_1103 = vector.load %arg13[%get3A_1101, %get3A_1102] : memref<512x256xf32, #tpu.memory_space<vmem>>, vector<512x256xf32>
    %dot_general3A_1104 = arith.constant dense<0.000000e+00> : vector<256x256xf32>
    %dot_general3A_1105 = tpu.matmul %get3A_855, %get3A_1103, %dot_general3A_1104 {dimension_numbers = #tpu.dot_dimension_numbers<[1], [0], [0], [1], [0, 0, 1, 1], [], []>, transpose_lhs_hint = false} : vector<256x512xf32>, vector<512x256xf32>, vector<256x256xf32> -> vector<256x256xf32>
    %add3A_1106 = vector.broadcast %get3A_4 : vector<1x256xf32> to vector<256x256xf32>
    %add3A_1107 = arith.addf %add3A_1106, %dot_general3A_1105 : vector<256x256xf32>
    %logistic3A_1108 = arith.negf %add3A_1107 : vector<256x256xf32>
    %logistic3A_1109 = math.exp %logistic3A_1108 : vector<256x256xf32>
    %logistic3A_1110 = arith.constant 1.000000e+00 : f32
    %logistic3A_1111 = vector.broadcast %logistic3A_1110 : f32 to vector<256x256xf32>
    %logistic3A_1112 = arith.addf %logistic3A_1111, %logistic3A_1109 : vector<256x256xf32>
    %logistic3A_1113 = arith.divf %logistic3A_1111, %logistic3A_1112 : vector<256x256xf32>
    %mul3A_1114 = arith.mulf %add3A_1107, %logistic3A_1113 : vector<256x256xf32>
    %get3A_1115 = arith.constant 0 : index
    %get3A_1116 = arith.constant 0 : index
    %get3A_1117 = vector.load %arg9[%get3A_1115, %get3A_1116] : memref<256x128xf32, #tpu.memory_space<vmem>>, vector<256x128xf32>
    %dot_general3A_1118 = arith.constant dense<0.000000e+00> : vector<256x256xf32>
    %dot_general3A_1119 = tpu.matmul %get3A_860, %get3A_1117, %dot_general3A_1118 {dimension_numbers = #tpu.dot_dimension_numbers<[1], [1], [0], [0], [0, 0, 1, 0], [], []>, transpose_lhs_hint = false} : vector<256x128xf32>, vector<256x128xf32>, vector<256x256xf32> -> vector<256x256xf32>
    %get3A_1120 = arith.constant 0 : index
    %get3A_1121 = arith.constant 0 : index
    %get3A_1122 = vector.load %arg10[%get3A_1120, %get3A_1121] : memref<40x256xf32, #tpu.memory_space<vmem>>, vector<40x256xf32>
    %dot_general3A_1123 = arith.constant dense<0.000000e+00> : vector<256x40xf32>
    %dot_general3A_1124 = tpu.matmul %mul3A_1114, %get3A_1122, %dot_general3A_1123 {dimension_numbers = #tpu.dot_dimension_numbers<[1], [1], [0], [0], [0, 0, 1, 0], [], []>, transpose_lhs_hint = false} : vector<256x256xf32>, vector<40x256xf32>, vector<256x40xf32> -> vector<256x40xf32>
    %slice3A_1125 = vector.extract_strided_slice %dot_general3A_1124 {offsets = [0, 0], sizes = [256, 8], strides = [1, 1]} : vector<256x40xf32> to vector<256x8xf32>
    %get3A_1126 = arith.constant 0 : index
    %get3A_1127 = arith.constant 0 : index
    %get3A_1128 = vector.load %arg11[%get3A_1126, %get3A_1127] : memref<8x256xf32, #tpu.memory_space<vmem>>, vector<8x256xf32>
    %dot_general3A_1129 = arith.constant dense<0.000000e+00> : vector<256x256xf32>
    %dot_general3A_1130 = tpu.matmul %slice3A_1125, %get3A_1128, %dot_general3A_1129 {dimension_numbers = #tpu.dot_dimension_numbers<[1], [0], [0], [1], [0, 0, 1, 1], [], []>, transpose_lhs_hint = false} : vector<256x8xf32>, vector<8x256xf32>, vector<256x256xf32> -> vector<256x256xf32>
    %add3A_1131 = vector.broadcast %get3A_1 : vector<1x256xf32> to vector<256x256xf32>
    %add3A_1132 = arith.addf %dot_general3A_1130, %add3A_1131 : vector<256x256xf32>
    %max3A_1133 = arith.constant 0.000000e+00 : f32
    %max3A_1134 = vector.broadcast %max3A_1133 : f32 to vector<256x256xf32>
    %max3A_1135 = arith.maximumf %add3A_1132, %max3A_1134 : vector<256x256xf32>
    %abs3A_1136 = math.absf %add3A_1132 : vector<256x256xf32>
    %neg3A_1137 = arith.constant 0.000000e+00 : f32
    %neg3A_1138 = vector.broadcast %neg3A_1137 : f32 to vector<256x256xf32>
    %neg3A_1139 = arith.subf %neg3A_1138, %abs3A_1136 : vector<256x256xf32>
    %exp3A_1140 = math.exp %neg3A_1139 : vector<256x256xf32>
    %log1p3A_1141 = math.log1p %exp3A_1140 : vector<256x256xf32>
    %add3A_1142 = arith.addf %max3A_1135, %log1p3A_1141 : vector<256x256xf32>
    %mul3A_1143 = arith.mulf %mul3A_1114, %add3A_1142 : vector<256x256xf32>
    %convert_element_type3A_1144 = arith.truncf %mul3A_1143 : vector<256x256xf32> to vector<256x256xbf16>
    %convert_element_type3A_1145 = arith.truncf %add3A_1142 : vector<256x256xf32> to vector<256x256xbf16>
    %convert_element_type3A_1146 = arith.truncf %dot_general3A_1124 : vector<256x40xf32> to vector<256x40xbf16>
    %mul3A_1147 = vector.broadcast %get3A_7 : vector<1x256xf32> to vector<256x256xf32>
    %mul3A_1148 = arith.mulf %mul3A_1147, %mul3A_1114 : vector<256x256xf32>
    %get3A_1149 = arith.constant 0 : index
    %get3A_1150 = arith.constant 0 : index
    %get3A_1151 = vector.load %arg15[%get3A_1149, %get3A_1150] : memref<16x256xf32, #tpu.memory_space<vmem>>, vector<1x256xf32>
    %exp3A_1152 = math.exp %get3A_1151 : vector<1x256xf32>
    %neg3A_1153 = arith.constant 0.000000e+00 : f32
    %neg3A_1154 = vector.broadcast %neg3A_1153 : f32 to vector<1x256xf32>
    %neg3A_1155 = arith.subf %neg3A_1154, %exp3A_1152 : vector<1x256xf32>
    %convert_element_type3A_1156 = arith.truncf %neg3A_1155 : vector<1x256xf32> to vector<1x256xbf16>
    %mul3A_1157 = vector.broadcast %convert_element_type3A_1156 : vector<1x256xbf16> to vector<256x256xbf16>
    %mul3A_1158 = arith.mulf %convert_element_type3A_1145, %mul3A_1157 : vector<256x256xbf16>
    %exp3A_1159 = math.exp %mul3A_1158 : vector<256x256xbf16>
    %slice3A_1160 = vector.extract_strided_slice %convert_element_type3A_1146 {offsets = [0, 8], sizes = [256, 1], strides = [1, 1]} : vector<256x40xbf16> to vector<256x1xbf16>
    %slice3A_1161 = vector.extract_strided_slice %convert_element_type3A_1146 {offsets = [0, 24], sizes = [256, 1], strides = [1, 1]} : vector<256x40xbf16> to vector<256x1xbf16>
    %mul3A_1162 = vector.broadcast %slice3A_1160 : vector<256x1xbf16> to vector<256x256xbf16>
    %mul3A_1163 = arith.mulf %convert_element_type3A_1144, %mul3A_1162 : vector<256x256xbf16>
    %mul3A_1164 = arith.mulf %add3A_875, %exp3A_1159 : vector<256x256xbf16>
    %add3A_1165 = arith.addf %mul3A_1164, %mul3A_1163 : vector<256x256xbf16>
    %mul3A_1166 = vector.broadcast %slice3A_1161 : vector<256x1xbf16> to vector<256x256xbf16>
    %mul3A_1167 = arith.mulf %add3A_1165, %mul3A_1166 : vector<256x256xbf16>
    %convert_element_type3A_1168 = arith.extf %mul3A_1167 : vector<256x256xbf16> to vector<256x256xf32>
    %add3A_1169 = arith.addf %mul3A_1148, %convert_element_type3A_1168 : vector<256x256xf32>
    %get3A_1170 = arith.constant 1 : index
    %get3A_1171 = arith.constant 0 : index
    %get3A_1172 = vector.load %arg15[%get3A_1170, %get3A_1171] : memref<16x256xf32, #tpu.memory_space<vmem>>, vector<1x256xf32>
    %exp3A_1173 = math.exp %get3A_1172 : vector<1x256xf32>
    %neg3A_1174 = arith.constant 0.000000e+00 : f32
    %neg3A_1175 = vector.broadcast %neg3A_1174 : f32 to vector<1x256xf32>
    %neg3A_1176 = arith.subf %neg3A_1175, %exp3A_1173 : vector<1x256xf32>
    %convert_element_type3A_1177 = arith.truncf %neg3A_1176 : vector<1x256xf32> to vector<1x256xbf16>
    %mul3A_1178 = vector.broadcast %convert_element_type3A_1177 : vector<1x256xbf16> to vector<256x256xbf16>
    %mul3A_1179 = arith.mulf %convert_element_type3A_1145, %mul3A_1178 : vector<256x256xbf16>
    %exp3A_1180 = math.exp %mul3A_1179 : vector<256x256xbf16>
    %slice3A_1181 = vector.extract_strided_slice %convert_element_type3A_1146 {offsets = [0, 9], sizes = [256, 1], strides = [1, 1]} : vector<256x40xbf16> to vector<256x1xbf16>
    %slice3A_1182 = vector.extract_strided_slice %convert_element_type3A_1146 {offsets = [0, 25], sizes = [256, 1], strides = [1, 1]} : vector<256x40xbf16> to vector<256x1xbf16>
    %mul3A_1183 = vector.broadcast %slice3A_1181 : vector<256x1xbf16> to vector<256x256xbf16>
    %mul3A_1184 = arith.mulf %convert_element_type3A_1144, %mul3A_1183 : vector<256x256xbf16>
    %mul3A_1185 = arith.mulf %add3A_890, %exp3A_1180 : vector<256x256xbf16>
    %add3A_1186 = arith.addf %mul3A_1185, %mul3A_1184 : vector<256x256xbf16>
    %mul3A_1187 = vector.broadcast %slice3A_1182 : vector<256x1xbf16> to vector<256x256xbf16>
    %mul3A_1188 = arith.mulf %add3A_1186, %mul3A_1187 : vector<256x256xbf16>
    %convert_element_type3A_1189 = arith.extf %mul3A_1188 : vector<256x256xbf16> to vector<256x256xf32>
    %add3A_1190 = arith.addf %add3A_1169, %convert_element_type3A_1189 : vector<256x256xf32>
    %get3A_1191 = arith.constant 2 : index
    %get3A_1192 = arith.constant 0 : index
    %get3A_1193 = vector.load %arg15[%get3A_1191, %get3A_1192] : memref<16x256xf32, #tpu.memory_space<vmem>>, vector<1x256xf32>
    %exp3A_1194 = math.exp %get3A_1193 : vector<1x256xf32>
    %neg3A_1195 = arith.constant 0.000000e+00 : f32
    %neg3A_1196 = vector.broadcast %neg3A_1195 : f32 to vector<1x256xf32>
    %neg3A_1197 = arith.subf %neg3A_1196, %exp3A_1194 : vector<1x256xf32>
    %convert_element_type3A_1198 = arith.truncf %neg3A_1197 : vector<1x256xf32> to vector<1x256xbf16>
    %mul3A_1199 = vector.broadcast %convert_element_type3A_1198 : vector<1x256xbf16> to vector<256x256xbf16>
    %mul3A_1200 = arith.mulf %convert_element_type3A_1145, %mul3A_1199 : vector<256x256xbf16>
    %exp3A_1201 = math.exp %mul3A_1200 : vector<256x256xbf16>
    %slice3A_1202 = vector.extract_strided_slice %convert_element_type3A_1146 {offsets = [0, 10], sizes = [256, 1], strides = [1, 1]} : vector<256x40xbf16> to vector<256x1xbf16>
    %slice3A_1203 = vector.extract_strided_slice %convert_element_type3A_1146 {offsets = [0, 26], sizes = [256, 1], strides = [1, 1]} : vector<256x40xbf16> to vector<256x1xbf16>
    %mul3A_1204 = vector.broadcast %slice3A_1202 : vector<256x1xbf16> to vector<256x256xbf16>
    %mul3A_1205 = arith.mulf %convert_element_type3A_1144, %mul3A_1204 : vector<256x256xbf16>
    %mul3A_1206 = arith.mulf %add3A_905, %exp3A_1201 : vector<256x256xbf16>
    %add3A_1207 = arith.addf %mul3A_1206, %mul3A_1205 : vector<256x256xbf16>
    %mul3A_1208 = vector.broadcast %slice3A_1203 : vector<256x1xbf16> to vector<256x256xbf16>
    %mul3A_1209 = arith.mulf %add3A_1207, %mul3A_1208 : vector<256x256xbf16>
    %convert_element_type3A_1210 = arith.extf %mul3A_1209 : vector<256x256xbf16> to vector<256x256xf32>
    %add3A_1211 = arith.addf %add3A_1190, %convert_element_type3A_1210 : vector<256x256xf32>
    %get3A_1212 = arith.constant 3 : index
    %get3A_1213 = arith.constant 0 : index
    %get3A_1214 = vector.load %arg15[%get3A_1212, %get3A_1213] : memref<16x256xf32, #tpu.memory_space<vmem>>, vector<1x256xf32>
    %exp3A_1215 = math.exp %get3A_1214 : vector<1x256xf32>
    %neg3A_1216 = arith.constant 0.000000e+00 : f32
    %neg3A_1217 = vector.broadcast %neg3A_1216 : f32 to vector<1x256xf32>
    %neg3A_1218 = arith.subf %neg3A_1217, %exp3A_1215 : vector<1x256xf32>
    %convert_element_type3A_1219 = arith.truncf %neg3A_1218 : vector<1x256xf32> to vector<1x256xbf16>
    %mul3A_1220 = vector.broadcast %convert_element_type3A_1219 : vector<1x256xbf16> to vector<256x256xbf16>
    %mul3A_1221 = arith.mulf %convert_element_type3A_1145, %mul3A_1220 : vector<256x256xbf16>
    %exp3A_1222 = math.exp %mul3A_1221 : vector<256x256xbf16>
    %slice3A_1223 = vector.extract_strided_slice %convert_element_type3A_1146 {offsets = [0, 11], sizes = [256, 1], strides = [1, 1]} : vector<256x40xbf16> to vector<256x1xbf16>
    %slice3A_1224 = vector.extract_strided_slice %convert_element_type3A_1146 {offsets = [0, 27], sizes = [256, 1], strides = [1, 1]} : vector<256x40xbf16> to vector<256x1xbf16>
    %mul3A_1225 = vector.broadcast %slice3A_1223 : vector<256x1xbf16> to vector<256x256xbf16>
    %mul3A_1226 = arith.mulf %convert_element_type3A_1144, %mul3A_1225 : vector<256x256xbf16>
    %mul3A_1227 = arith.mulf %add3A_920, %exp3A_1222 : vector<256x256xbf16>
    %add3A_1228 = arith.addf %mul3A_1227, %mul3A_1226 : vector<256x256xbf16>
    %mul3A_1229 = vector.broadcast %slice3A_1224 : vector<256x1xbf16> to vector<256x256xbf16>
    %mul3A_1230 = arith.mulf %add3A_1228, %mul3A_1229 : vector<256x256xbf16>
    %convert_element_type3A_1231 = arith.extf %mul3A_1230 : vector<256x256xbf16> to vector<256x256xf32>
    %add3A_1232 = arith.addf %add3A_1211, %convert_element_type3A_1231 : vector<256x256xf32>
    %get3A_1233 = arith.constant 4 : index
    %get3A_1234 = arith.constant 0 : index
    %get3A_1235 = vector.load %arg15[%get3A_1233, %get3A_1234] : memref<16x256xf32, #tpu.memory_space<vmem>>, vector<1x256xf32>
    %exp3A_1236 = math.exp %get3A_1235 : vector<1x256xf32>
    %neg3A_1237 = arith.constant 0.000000e+00 : f32
    %neg3A_1238 = vector.broadcast %neg3A_1237 : f32 to vector<1x256xf32>
    %neg3A_1239 = arith.subf %neg3A_1238, %exp3A_1236 : vector<1x256xf32>
    %convert_element_type3A_1240 = arith.truncf %neg3A_1239 : vector<1x256xf32> to vector<1x256xbf16>
    %mul3A_1241 = vector.broadcast %convert_element_type3A_1240 : vector<1x256xbf16> to vector<256x256xbf16>
    %mul3A_1242 = arith.mulf %convert_element_type3A_1145, %mul3A_1241 : vector<256x256xbf16>
    %exp3A_1243 = math.exp %mul3A_1242 : vector<256x256xbf16>
    %slice3A_1244 = vector.extract_strided_slice %convert_element_type3A_1146 {offsets = [0, 12], sizes = [256, 1], strides = [1, 1]} : vector<256x40xbf16> to vector<256x1xbf16>
    %slice3A_1245 = vector.extract_strided_slice %convert_element_type3A_1146 {offsets = [0, 28], sizes = [256, 1], strides = [1, 1]} : vector<256x40xbf16> to vector<256x1xbf16>
    %mul3A_1246 = vector.broadcast %slice3A_1244 : vector<256x1xbf16> to vector<256x256xbf16>
    %mul3A_1247 = arith.mulf %convert_element_type3A_1144, %mul3A_1246 : vector<256x256xbf16>
    %mul3A_1248 = arith.mulf %add3A_935, %exp3A_1243 : vector<256x256xbf16>
    %add3A_1249 = arith.addf %mul3A_1248, %mul3A_1247 : vector<256x256xbf16>
    %mul3A_1250 = vector.broadcast %slice3A_1245 : vector<256x1xbf16> to vector<256x256xbf16>
    %mul3A_1251 = arith.mulf %add3A_1249, %mul3A_1250 : vector<256x256xbf16>
    %convert_element_type3A_1252 = arith.extf %mul3A_1251 : vector<256x256xbf16> to vector<256x256xf32>
    %add3A_1253 = arith.addf %add3A_1232, %convert_element_type3A_1252 : vector<256x256xf32>
    %get3A_1254 = arith.constant 5 : index
    %get3A_1255 = arith.constant 0 : index
    %get3A_1256 = vector.load %arg15[%get3A_1254, %get3A_1255] : memref<16x256xf32, #tpu.memory_space<vmem>>, vector<1x256xf32>
    %exp3A_1257 = math.exp %get3A_1256 : vector<1x256xf32>
    %neg3A_1258 = arith.constant 0.000000e+00 : f32
    %neg3A_1259 = vector.broadcast %neg3A_1258 : f32 to vector<1x256xf32>
    %neg3A_1260 = arith.subf %neg3A_1259, %exp3A_1257 : vector<1x256xf32>
    %convert_element_type3A_1261 = arith.truncf %neg3A_1260 : vector<1x256xf32> to vector<1x256xbf16>
    %mul3A_1262 = vector.broadcast %convert_element_type3A_1261 : vector<1x256xbf16> to vector<256x256xbf16>
    %mul3A_1263 = arith.mulf %convert_element_type3A_1145, %mul3A_1262 : vector<256x256xbf16>
    %exp3A_1264 = math.exp %mul3A_1263 : vector<256x256xbf16>
    %slice3A_1265 = vector.extract_strided_slice %convert_element_type3A_1146 {offsets = [0, 13], sizes = [256, 1], strides = [1, 1]} : vector<256x40xbf16> to vector<256x1xbf16>
    %slice3A_1266 = vector.extract_strided_slice %convert_element_type3A_1146 {offsets = [0, 29], sizes = [256, 1], strides = [1, 1]} : vector<256x40xbf16> to vector<256x1xbf16>
    %mul3A_1267 = vector.broadcast %slice3A_1265 : vector<256x1xbf16> to vector<256x256xbf16>
    %mul3A_1268 = arith.mulf %convert_element_type3A_1144, %mul3A_1267 : vector<256x256xbf16>
    %mul3A_1269 = arith.mulf %add3A_950, %exp3A_1264 : vector<256x256xbf16>
    %add3A_1270 = arith.addf %mul3A_1269, %mul3A_1268 : vector<256x256xbf16>
    %mul3A_1271 = vector.broadcast %slice3A_1266 : vector<256x1xbf16> to vector<256x256xbf16>
    %mul3A_1272 = arith.mulf %add3A_1270, %mul3A_1271 : vector<256x256xbf16>
    %convert_element_type3A_1273 = arith.extf %mul3A_1272 : vector<256x256xbf16> to vector<256x256xf32>
    %add3A_1274 = arith.addf %add3A_1253, %convert_element_type3A_1273 : vector<256x256xf32>
    %get3A_1275 = arith.constant 6 : index
    %get3A_1276 = arith.constant 0 : index
    %get3A_1277 = vector.load %arg15[%get3A_1275, %get3A_1276] : memref<16x256xf32, #tpu.memory_space<vmem>>, vector<1x256xf32>
    %exp3A_1278 = math.exp %get3A_1277 : vector<1x256xf32>
    %neg3A_1279 = arith.constant 0.000000e+00 : f32
    %neg3A_1280 = vector.broadcast %neg3A_1279 : f32 to vector<1x256xf32>
    %neg3A_1281 = arith.subf %neg3A_1280, %exp3A_1278 : vector<1x256xf32>
    %convert_element_type3A_1282 = arith.truncf %neg3A_1281 : vector<1x256xf32> to vector<1x256xbf16>
    %mul3A_1283 = vector.broadcast %convert_element_type3A_1282 : vector<1x256xbf16> to vector<256x256xbf16>
    %mul3A_1284 = arith.mulf %convert_element_type3A_1145, %mul3A_1283 : vector<256x256xbf16>
    %exp3A_1285 = math.exp %mul3A_1284 : vector<256x256xbf16>
    %slice3A_1286 = vector.extract_strided_slice %convert_element_type3A_1146 {offsets = [0, 14], sizes = [256, 1], strides = [1, 1]} : vector<256x40xbf16> to vector<256x1xbf16>
    %slice3A_1287 = vector.extract_strided_slice %convert_element_type3A_1146 {offsets = [0, 30], sizes = [256, 1], strides = [1, 1]} : vector<256x40xbf16> to vector<256x1xbf16>
    %mul3A_1288 = vector.broadcast %slice3A_1286 : vector<256x1xbf16> to vector<256x256xbf16>
    %mul3A_1289 = arith.mulf %convert_element_type3A_1144, %mul3A_1288 : vector<256x256xbf16>
    %mul3A_1290 = arith.mulf %add3A_965, %exp3A_1285 : vector<256x256xbf16>
    %add3A_1291 = arith.addf %mul3A_1290, %mul3A_1289 : vector<256x256xbf16>
    %mul3A_1292 = vector.broadcast %slice3A_1287 : vector<256x1xbf16> to vector<256x256xbf16>
    %mul3A_1293 = arith.mulf %add3A_1291, %mul3A_1292 : vector<256x256xbf16>
    %convert_element_type3A_1294 = arith.extf %mul3A_1293 : vector<256x256xbf16> to vector<256x256xf32>
    %add3A_1295 = arith.addf %add3A_1274, %convert_element_type3A_1294 : vector<256x256xf32>
    %get3A_1296 = arith.constant 7 : index
    %get3A_1297 = arith.constant 0 : index
    %get3A_1298 = vector.load %arg15[%get3A_1296, %get3A_1297] : memref<16x256xf32, #tpu.memory_space<vmem>>, vector<1x256xf32>
    %exp3A_1299 = math.exp %get3A_1298 : vector<1x256xf32>
    %neg3A_1300 = arith.constant 0.000000e+00 : f32
    %neg3A_1301 = vector.broadcast %neg3A_1300 : f32 to vector<1x256xf32>
    %neg3A_1302 = arith.subf %neg3A_1301, %exp3A_1299 : vector<1x256xf32>
    %convert_element_type3A_1303 = arith.truncf %neg3A_1302 : vector<1x256xf32> to vector<1x256xbf16>
    %mul3A_1304 = vector.broadcast %convert_element_type3A_1303 : vector<1x256xbf16> to vector<256x256xbf16>
    %mul3A_1305 = arith.mulf %convert_element_type3A_1145, %mul3A_1304 : vector<256x256xbf16>
    %exp3A_1306 = math.exp %mul3A_1305 : vector<256x256xbf16>
    %slice3A_1307 = vector.extract_strided_slice %convert_element_type3A_1146 {offsets = [0, 15], sizes = [256, 1], strides = [1, 1]} : vector<256x40xbf16> to vector<256x1xbf16>
    %slice3A_1308 = vector.extract_strided_slice %convert_element_type3A_1146 {offsets = [0, 31], sizes = [256, 1], strides = [1, 1]} : vector<256x40xbf16> to vector<256x1xbf16>
    %mul3A_1309 = vector.broadcast %slice3A_1307 : vector<256x1xbf16> to vector<256x256xbf16>
    %mul3A_1310 = arith.mulf %convert_element_type3A_1144, %mul3A_1309 : vector<256x256xbf16>
    %mul3A_1311 = arith.mulf %add3A_980, %exp3A_1306 : vector<256x256xbf16>
    %add3A_1312 = arith.addf %mul3A_1311, %mul3A_1310 : vector<256x256xbf16>
    %mul3A_1313 = vector.broadcast %slice3A_1308 : vector<256x1xbf16> to vector<256x256xbf16>
    %mul3A_1314 = arith.mulf %add3A_1312, %mul3A_1313 : vector<256x256xbf16>
    %convert_element_type3A_1315 = arith.extf %mul3A_1314 : vector<256x256xbf16> to vector<256x256xf32>
    %add3A_1316 = arith.addf %add3A_1295, %convert_element_type3A_1315 : vector<256x256xf32>
    %get3A_1317 = arith.constant 8 : index
    %get3A_1318 = arith.constant 0 : index
    %get3A_1319 = vector.load %arg15[%get3A_1317, %get3A_1318] : memref<16x256xf32, #tpu.memory_space<vmem>>, vector<1x256xf32>
    %exp3A_1320 = math.exp %get3A_1319 : vector<1x256xf32>
    %neg3A_1321 = arith.constant 0.000000e+00 : f32
    %neg3A_1322 = vector.broadcast %neg3A_1321 : f32 to vector<1x256xf32>
    %neg3A_1323 = arith.subf %neg3A_1322, %exp3A_1320 : vector<1x256xf32>
    %convert_element_type3A_1324 = arith.truncf %neg3A_1323 : vector<1x256xf32> to vector<1x256xbf16>
    %mul3A_1325 = vector.broadcast %convert_element_type3A_1324 : vector<1x256xbf16> to vector<256x256xbf16>
    %mul3A_1326 = arith.mulf %convert_element_type3A_1145, %mul3A_1325 : vector<256x256xbf16>
    %exp3A_1327 = math.exp %mul3A_1326 : vector<256x256xbf16>
    %slice3A_1328 = vector.extract_strided_slice %convert_element_type3A_1146 {offsets = [0, 16], sizes = [256, 1], strides = [1, 1]} : vector<256x40xbf16> to vector<256x1xbf16>
    %slice3A_1329 = vector.extract_strided_slice %convert_element_type3A_1146 {offsets = [0, 32], sizes = [256, 1], strides = [1, 1]} : vector<256x40xbf16> to vector<256x1xbf16>
    %mul3A_1330 = vector.broadcast %slice3A_1328 : vector<256x1xbf16> to vector<256x256xbf16>
    %mul3A_1331 = arith.mulf %convert_element_type3A_1144, %mul3A_1330 : vector<256x256xbf16>
    %mul3A_1332 = arith.mulf %add3A_995, %exp3A_1327 : vector<256x256xbf16>
    %add3A_1333 = arith.addf %mul3A_1332, %mul3A_1331 : vector<256x256xbf16>
    %mul3A_1334 = vector.broadcast %slice3A_1329 : vector<256x1xbf16> to vector<256x256xbf16>
    %mul3A_1335 = arith.mulf %add3A_1333, %mul3A_1334 : vector<256x256xbf16>
    %convert_element_type3A_1336 = arith.extf %mul3A_1335 : vector<256x256xbf16> to vector<256x256xf32>
    %add3A_1337 = arith.addf %add3A_1316, %convert_element_type3A_1336 : vector<256x256xf32>
    %get3A_1338 = arith.constant 9 : index
    %get3A_1339 = arith.constant 0 : index
    %get3A_1340 = vector.load %arg15[%get3A_1338, %get3A_1339] : memref<16x256xf32, #tpu.memory_space<vmem>>, vector<1x256xf32>
    %exp3A_1341 = math.exp %get3A_1340 : vector<1x256xf32>
    %neg3A_1342 = arith.constant 0.000000e+00 : f32
    %neg3A_1343 = vector.broadcast %neg3A_1342 : f32 to vector<1x256xf32>
    %neg3A_1344 = arith.subf %neg3A_1343, %exp3A_1341 : vector<1x256xf32>
    %convert_element_type3A_1345 = arith.truncf %neg3A_1344 : vector<1x256xf32> to vector<1x256xbf16>
    %mul3A_1346 = vector.broadcast %convert_element_type3A_1345 : vector<1x256xbf16> to vector<256x256xbf16>
    %mul3A_1347 = arith.mulf %convert_element_type3A_1145, %mul3A_1346 : vector<256x256xbf16>
    %exp3A_1348 = math.exp %mul3A_1347 : vector<256x256xbf16>
    %slice3A_1349 = vector.extract_strided_slice %convert_element_type3A_1146 {offsets = [0, 17], sizes = [256, 1], strides = [1, 1]} : vector<256x40xbf16> to vector<256x1xbf16>
    %slice3A_1350 = vector.extract_strided_slice %convert_element_type3A_1146 {offsets = [0, 33], sizes = [256, 1], strides = [1, 1]} : vector<256x40xbf16> to vector<256x1xbf16>
    %mul3A_1351 = vector.broadcast %slice3A_1349 : vector<256x1xbf16> to vector<256x256xbf16>
    %mul3A_1352 = arith.mulf %convert_element_type3A_1144, %mul3A_1351 : vector<256x256xbf16>
    %mul3A_1353 = arith.mulf %add3A_1010, %exp3A_1348 : vector<256x256xbf16>
    %add3A_1354 = arith.addf %mul3A_1353, %mul3A_1352 : vector<256x256xbf16>
    %mul3A_1355 = vector.broadcast %slice3A_1350 : vector<256x1xbf16> to vector<256x256xbf16>
    %mul3A_1356 = arith.mulf %add3A_1354, %mul3A_1355 : vector<256x256xbf16>
    %convert_element_type3A_1357 = arith.extf %mul3A_1356 : vector<256x256xbf16> to vector<256x256xf32>
    %add3A_1358 = arith.addf %add3A_1337, %convert_element_type3A_1357 : vector<256x256xf32>
    %get3A_1359 = arith.constant 10 : index
    %get3A_1360 = arith.constant 0 : index
    %get3A_1361 = vector.load %arg15[%get3A_1359, %get3A_1360] : memref<16x256xf32, #tpu.memory_space<vmem>>, vector<1x256xf32>
    %exp3A_1362 = math.exp %get3A_1361 : vector<1x256xf32>
    %neg3A_1363 = arith.constant 0.000000e+00 : f32
    %neg3A_1364 = vector.broadcast %neg3A_1363 : f32 to vector<1x256xf32>
    %neg3A_1365 = arith.subf %neg3A_1364, %exp3A_1362 : vector<1x256xf32>
    %convert_element_type3A_1366 = arith.truncf %neg3A_1365 : vector<1x256xf32> to vector<1x256xbf16>
    %mul3A_1367 = vector.broadcast %convert_element_type3A_1366 : vector<1x256xbf16> to vector<256x256xbf16>
    %mul3A_1368 = arith.mulf %convert_element_type3A_1145, %mul3A_1367 : vector<256x256xbf16>
    %exp3A_1369 = math.exp %mul3A_1368 : vector<256x256xbf16>
    %slice3A_1370 = vector.extract_strided_slice %convert_element_type3A_1146 {offsets = [0, 18], sizes = [256, 1], strides = [1, 1]} : vector<256x40xbf16> to vector<256x1xbf16>
    %slice3A_1371 = vector.extract_strided_slice %convert_element_type3A_1146 {offsets = [0, 34], sizes = [256, 1], strides = [1, 1]} : vector<256x40xbf16> to vector<256x1xbf16>
    %mul3A_1372 = vector.broadcast %slice3A_1370 : vector<256x1xbf16> to vector<256x256xbf16>
    %mul3A_1373 = arith.mulf %convert_element_type3A_1144, %mul3A_1372 : vector<256x256xbf16>
    %mul3A_1374 = arith.mulf %add3A_1025, %exp3A_1369 : vector<256x256xbf16>
    %add3A_1375 = arith.addf %mul3A_1374, %mul3A_1373 : vector<256x256xbf16>
    %mul3A_1376 = vector.broadcast %slice3A_1371 : vector<256x1xbf16> to vector<256x256xbf16>
    %mul3A_1377 = arith.mulf %add3A_1375, %mul3A_1376 : vector<256x256xbf16>
    %convert_element_type3A_1378 = arith.extf %mul3A_1377 : vector<256x256xbf16> to vector<256x256xf32>
    %add3A_1379 = arith.addf %add3A_1358, %convert_element_type3A_1378 : vector<256x256xf32>
    %get3A_1380 = arith.constant 11 : index
    %get3A_1381 = arith.constant 0 : index
    %get3A_1382 = vector.load %arg15[%get3A_1380, %get3A_1381] : memref<16x256xf32, #tpu.memory_space<vmem>>, vector<1x256xf32>
    %exp3A_1383 = math.exp %get3A_1382 : vector<1x256xf32>
    %neg3A_1384 = arith.constant 0.000000e+00 : f32
    %neg3A_1385 = vector.broadcast %neg3A_1384 : f32 to vector<1x256xf32>
    %neg3A_1386 = arith.subf %neg3A_1385, %exp3A_1383 : vector<1x256xf32>
    %convert_element_type3A_1387 = arith.truncf %neg3A_1386 : vector<1x256xf32> to vector<1x256xbf16>
    %mul3A_1388 = vector.broadcast %convert_element_type3A_1387 : vector<1x256xbf16> to vector<256x256xbf16>
    %mul3A_1389 = arith.mulf %convert_element_type3A_1145, %mul3A_1388 : vector<256x256xbf16>
    %exp3A_1390 = math.exp %mul3A_1389 : vector<256x256xbf16>
    %slice3A_1391 = vector.extract_strided_slice %convert_element_type3A_1146 {offsets = [0, 19], sizes = [256, 1], strides = [1, 1]} : vector<256x40xbf16> to vector<256x1xbf16>
    %slice3A_1392 = vector.extract_strided_slice %convert_element_type3A_1146 {offsets = [0, 35], sizes = [256, 1], strides = [1, 1]} : vector<256x40xbf16> to vector<256x1xbf16>
    %mul3A_1393 = vector.broadcast %slice3A_1391 : vector<256x1xbf16> to vector<256x256xbf16>
    %mul3A_1394 = arith.mulf %convert_element_type3A_1144, %mul3A_1393 : vector<256x256xbf16>
    %mul3A_1395 = arith.mulf %add3A_1040, %exp3A_1390 : vector<256x256xbf16>
    %add3A_1396 = arith.addf %mul3A_1395, %mul3A_1394 : vector<256x256xbf16>
    %mul3A_1397 = vector.broadcast %slice3A_1392 : vector<256x1xbf16> to vector<256x256xbf16>
    %mul3A_1398 = arith.mulf %add3A_1396, %mul3A_1397 : vector<256x256xbf16>
    %convert_element_type3A_1399 = arith.extf %mul3A_1398 : vector<256x256xbf16> to vector<256x256xf32>
    %add3A_1400 = arith.addf %add3A_1379, %convert_element_type3A_1399 : vector<256x256xf32>
    %get3A_1401 = arith.constant 12 : index
    %get3A_1402 = arith.constant 0 : index
    %get3A_1403 = vector.load %arg15[%get3A_1401, %get3A_1402] : memref<16x256xf32, #tpu.memory_space<vmem>>, vector<1x256xf32>
    %exp3A_1404 = math.exp %get3A_1403 : vector<1x256xf32>
    %neg3A_1405 = arith.constant 0.000000e+00 : f32
    %neg3A_1406 = vector.broadcast %neg3A_1405 : f32 to vector<1x256xf32>
    %neg3A_1407 = arith.subf %neg3A_1406, %exp3A_1404 : vector<1x256xf32>
    %convert_element_type3A_1408 = arith.truncf %neg3A_1407 : vector<1x256xf32> to vector<1x256xbf16>
    %mul3A_1409 = vector.broadcast %convert_element_type3A_1408 : vector<1x256xbf16> to vector<256x256xbf16>
    %mul3A_1410 = arith.mulf %convert_element_type3A_1145, %mul3A_1409 : vector<256x256xbf16>
    %exp3A_1411 = math.exp %mul3A_1410 : vector<256x256xbf16>
    %slice3A_1412 = vector.extract_strided_slice %convert_element_type3A_1146 {offsets = [0, 20], sizes = [256, 1], strides = [1, 1]} : vector<256x40xbf16> to vector<256x1xbf16>
    %slice3A_1413 = vector.extract_strided_slice %convert_element_type3A_1146 {offsets = [0, 36], sizes = [256, 1], strides = [1, 1]} : vector<256x40xbf16> to vector<256x1xbf16>
    %mul3A_1414 = vector.broadcast %slice3A_1412 : vector<256x1xbf16> to vector<256x256xbf16>
    %mul3A_1415 = arith.mulf %convert_element_type3A_1144, %mul3A_1414 : vector<256x256xbf16>
    %mul3A_1416 = arith.mulf %add3A_1055, %exp3A_1411 : vector<256x256xbf16>
    %add3A_1417 = arith.addf %mul3A_1416, %mul3A_1415 : vector<256x256xbf16>
    %mul3A_1418 = vector.broadcast %slice3A_1413 : vector<256x1xbf16> to vector<256x256xbf16>
    %mul3A_1419 = arith.mulf %add3A_1417, %mul3A_1418 : vector<256x256xbf16>
    %convert_element_type3A_1420 = arith.extf %mul3A_1419 : vector<256x256xbf16> to vector<256x256xf32>
    %add3A_1421 = arith.addf %add3A_1400, %convert_element_type3A_1420 : vector<256x256xf32>
    %get3A_1422 = arith.constant 13 : index
    %get3A_1423 = arith.constant 0 : index
    %get3A_1424 = vector.load %arg15[%get3A_1422, %get3A_1423] : memref<16x256xf32, #tpu.memory_space<vmem>>, vector<1x256xf32>
    %exp3A_1425 = math.exp %get3A_1424 : vector<1x256xf32>
    %neg3A_1426 = arith.constant 0.000000e+00 : f32
    %neg3A_1427 = vector.broadcast %neg3A_1426 : f32 to vector<1x256xf32>
    %neg3A_1428 = arith.subf %neg3A_1427, %exp3A_1425 : vector<1x256xf32>
    %convert_element_type3A_1429 = arith.truncf %neg3A_1428 : vector<1x256xf32> to vector<1x256xbf16>
    %mul3A_1430 = vector.broadcast %convert_element_type3A_1429 : vector<1x256xbf16> to vector<256x256xbf16>
    %mul3A_1431 = arith.mulf %convert_element_type3A_1145, %mul3A_1430 : vector<256x256xbf16>
    %exp3A_1432 = math.exp %mul3A_1431 : vector<256x256xbf16>
    %slice3A_1433 = vector.extract_strided_slice %convert_element_type3A_1146 {offsets = [0, 21], sizes = [256, 1], strides = [1, 1]} : vector<256x40xbf16> to vector<256x1xbf16>
    %slice3A_1434 = vector.extract_strided_slice %convert_element_type3A_1146 {offsets = [0, 37], sizes = [256, 1], strides = [1, 1]} : vector<256x40xbf16> to vector<256x1xbf16>
    %mul3A_1435 = vector.broadcast %slice3A_1433 : vector<256x1xbf16> to vector<256x256xbf16>
    %mul3A_1436 = arith.mulf %convert_element_type3A_1144, %mul3A_1435 : vector<256x256xbf16>
    %mul3A_1437 = arith.mulf %add3A_1070, %exp3A_1432 : vector<256x256xbf16>
    %add3A_1438 = arith.addf %mul3A_1437, %mul3A_1436 : vector<256x256xbf16>
    %mul3A_1439 = vector.broadcast %slice3A_1434 : vector<256x1xbf16> to vector<256x256xbf16>
    %mul3A_1440 = arith.mulf %add3A_1438, %mul3A_1439 : vector<256x256xbf16>
    %convert_element_type3A_1441 = arith.extf %mul3A_1440 : vector<256x256xbf16> to vector<256x256xf32>
    %add3A_1442 = arith.addf %add3A_1421, %convert_element_type3A_1441 : vector<256x256xf32>
    %get3A_1443 = arith.constant 14 : index
    %get3A_1444 = arith.constant 0 : index
    %get3A_1445 = vector.load %arg15[%get3A_1443, %get3A_1444] : memref<16x256xf32, #tpu.memory_space<vmem>>, vector<1x256xf32>
    %exp3A_1446 = math.exp %get3A_1445 : vector<1x256xf32>
    %neg3A_1447 = arith.constant 0.000000e+00 : f32
    %neg3A_1448 = vector.broadcast %neg3A_1447 : f32 to vector<1x256xf32>
    %neg3A_1449 = arith.subf %neg3A_1448, %exp3A_1446 : vector<1x256xf32>
    %convert_element_type3A_1450 = arith.truncf %neg3A_1449 : vector<1x256xf32> to vector<1x256xbf16>
    %mul3A_1451 = vector.broadcast %convert_element_type3A_1450 : vector<1x256xbf16> to vector<256x256xbf16>
    %mul3A_1452 = arith.mulf %convert_element_type3A_1145, %mul3A_1451 : vector<256x256xbf16>
    %exp3A_1453 = math.exp %mul3A_1452 : vector<256x256xbf16>
    %slice3A_1454 = vector.extract_strided_slice %convert_element_type3A_1146 {offsets = [0, 22], sizes = [256, 1], strides = [1, 1]} : vector<256x40xbf16> to vector<256x1xbf16>
    %slice3A_1455 = vector.extract_strided_slice %convert_element_type3A_1146 {offsets = [0, 38], sizes = [256, 1], strides = [1, 1]} : vector<256x40xbf16> to vector<256x1xbf16>
    %mul3A_1456 = vector.broadcast %slice3A_1454 : vector<256x1xbf16> to vector<256x256xbf16>
    %mul3A_1457 = arith.mulf %convert_element_type3A_1144, %mul3A_1456 : vector<256x256xbf16>
    %mul3A_1458 = arith.mulf %add3A_1085, %exp3A_1453 : vector<256x256xbf16>
    %add3A_1459 = arith.addf %mul3A_1458, %mul3A_1457 : vector<256x256xbf16>
    %mul3A_1460 = vector.broadcast %slice3A_1455 : vector<256x1xbf16> to vector<256x256xbf16>
    %mul3A_1461 = arith.mulf %add3A_1459, %mul3A_1460 : vector<256x256xbf16>
    %convert_element_type3A_1462 = arith.extf %mul3A_1461 : vector<256x256xbf16> to vector<256x256xf32>
    %add3A_1463 = arith.addf %add3A_1442, %convert_element_type3A_1462 : vector<256x256xf32>
    %get3A_1464 = arith.constant 15 : index
    %get3A_1465 = arith.constant 0 : index
    %get3A_1466 = vector.load %arg15[%get3A_1464, %get3A_1465] : memref<16x256xf32, #tpu.memory_space<vmem>>, vector<1x256xf32>
    %exp3A_1467 = math.exp %get3A_1466 : vector<1x256xf32>
    %neg3A_1468 = arith.constant 0.000000e+00 : f32
    %neg3A_1469 = vector.broadcast %neg3A_1468 : f32 to vector<1x256xf32>
    %neg3A_1470 = arith.subf %neg3A_1469, %exp3A_1467 : vector<1x256xf32>
    %convert_element_type3A_1471 = arith.truncf %neg3A_1470 : vector<1x256xf32> to vector<1x256xbf16>
    %mul3A_1472 = vector.broadcast %convert_element_type3A_1471 : vector<1x256xbf16> to vector<256x256xbf16>
    %mul3A_1473 = arith.mulf %convert_element_type3A_1145, %mul3A_1472 : vector<256x256xbf16>
    %exp3A_1474 = math.exp %mul3A_1473 : vector<256x256xbf16>
    %slice3A_1475 = vector.extract_strided_slice %convert_element_type3A_1146 {offsets = [0, 23], sizes = [256, 1], strides = [1, 1]} : vector<256x40xbf16> to vector<256x1xbf16>
    %slice3A_1476 = vector.extract_strided_slice %convert_element_type3A_1146 {offsets = [0, 39], sizes = [256, 1], strides = [1, 1]} : vector<256x40xbf16> to vector<256x1xbf16>
    %mul3A_1477 = vector.broadcast %slice3A_1475 : vector<256x1xbf16> to vector<256x256xbf16>
    %mul3A_1478 = arith.mulf %convert_element_type3A_1144, %mul3A_1477 : vector<256x256xbf16>
    %mul3A_1479 = arith.mulf %add3A_1100, %exp3A_1474 : vector<256x256xbf16>
    %add3A_1480 = arith.addf %mul3A_1479, %mul3A_1478 : vector<256x256xbf16>
    %mul3A_1481 = vector.broadcast %slice3A_1476 : vector<256x1xbf16> to vector<256x256xbf16>
    %mul3A_1482 = arith.mulf %add3A_1480, %mul3A_1481 : vector<256x256xbf16>
    %convert_element_type3A_1483 = arith.extf %mul3A_1482 : vector<256x256xbf16> to vector<256x256xf32>
    %add3A_1484 = arith.addf %add3A_1463, %convert_element_type3A_1483 : vector<256x256xf32>
    %logistic3A_1485 = arith.negf %dot_general3A_1119 : vector<256x256xf32>
    %logistic3A_1486 = math.exp %logistic3A_1485 : vector<256x256xf32>
    %logistic3A_1487 = arith.constant 1.000000e+00 : f32
    %logistic3A_1488 = vector.broadcast %logistic3A_1487 : f32 to vector<256x256xf32>
    %logistic3A_1489 = arith.addf %logistic3A_1488, %logistic3A_1486 : vector<256x256xf32>
    %logistic3A_1490 = arith.divf %logistic3A_1488, %logistic3A_1489 : vector<256x256xf32>
    %mul3A_1491 = arith.mulf %dot_general3A_1119, %logistic3A_1490 : vector<256x256xf32>
    %mul3A_1492 = arith.mulf %add3A_1484, %mul3A_1491 : vector<256x256xf32>
    %get3A_1493 = arith.constant 0 : index
    %get3A_1494 = arith.constant 0 : index
    %get3A_1495 = vector.load %arg18[%get3A_1493, %get3A_1494] : memref<128x256xf32, #tpu.memory_space<vmem>>, vector<128x256xf32>
    %dot_general3A_1496 = arith.constant dense<0.000000e+00> : vector<256x128xf32>
    %dot_general3A_1497 = tpu.matmul %mul3A_1492, %get3A_1495, %dot_general3A_1496 {dimension_numbers = #tpu.dot_dimension_numbers<[1], [1], [0], [0], [0, 0, 1, 0], [], []>, transpose_lhs_hint = false} : vector<256x256xf32>, vector<128x256xf32>, vector<256x128xf32> -> vector<256x128xf32>
    %swap3A_1498 = arith.constant 0 : index
    %swap3A_1499 = arith.constant 1536 : index
    %swap3A_1500 = arith.constant 0 : index
    %swap3A_1501 = vector.load %arg19[%swap3A_1498, %swap3A_1499, %swap3A_1500] : memref<1x2048x128xf32, #tpu.memory_space<vmem>>, vector<1x256x128xf32>
    %swap3A_1502 = vector.shape_cast %swap3A_1501 : vector<1x256x128xf32> to vector<256x128xf32>
    %swap3A_1503 = vector.shape_cast %dot_general3A_1497 : vector<256x128xf32> to vector<1x256x128xf32>
    tpu.vector_store %arg19[%swap3A_1498, %swap3A_1499, %swap3A_1500], %swap3A_1503 {strides = array<i32>} : memref<1x2048x128xf32, #tpu.memory_space<vmem>>, vector<1x256x128xf32>,
    %get3A_1504 = arith.constant 0 : index
    %get3A_1505 = arith.constant 0 : index
    %get3A_1506 = arith.constant 0 : index
    %get3A_1507 = vector.load %arg4[%get3A_1504, %get3A_1505, %get3A_1506] : memref<1x128x512xf32, #tpu.memory_space<vmem>>, vector<1x128x512xf32>
    %get3A_1508 = vector.shape_cast %get3A_1507 : vector<1x128x512xf32> to vector<128x512xf32>
    %get3A_1509 = arith.constant 0 : index
    %get3A_1510 = arith.constant 0 : index
    %get3A_1511 = arith.constant 0 : index
    %get3A_1512 = vector.load %arg8[%get3A_1509, %get3A_1510, %get3A_1511] : memref<1x128x128xf32, #tpu.memory_space<vmem>>, vector<1x128x128xf32>
    %get3A_1513 = vector.shape_cast %get3A_1512 : vector<1x128x128xf32> to vector<128x128xf32>
    %reshape3A_1514 = vector.shape_cast %add3A_1165 : vector<256x256xbf16> to vector<128x512xbf16>
    %get3A_1515 = arith.constant 0 : index
    %get3A_1516 = arith.constant 0 : index
    %get3A_1517 = vector.load %arg17[%get3A_1515, %get3A_1516] : memref<16x256xf32, #tpu.memory_space<vmem>>, vector<1x256xf32>
    %convert_element_type3A_1518 = arith.truncf %get3A_1517 : vector<1x256xf32> to vector<1x256xbf16>
    %slice3A_1519 = vector.extract_strided_slice %reshape3A_1514 {offsets = [0, 0], sizes = [128, 256], strides = [1, 1]} : vector<128x512xbf16> to vector<128x256xbf16>
    %mul3A_1520 = vector.broadcast %convert_element_type3A_1518 : vector<1x256xbf16> to vector<128x256xbf16>
    %mul3A_1521 = arith.mulf %mul3A_1520, %slice3A_1519 : vector<128x256xbf16>
    %sub3A_1522 = arith.constant 1.000000e+00 : bf16
    %sub3A_1523 = vector.broadcast %sub3A_1522 : bf16 to vector<1x256xbf16>
    %sub3A_1524 = arith.subf %sub3A_1523, %convert_element_type3A_1518 : vector<1x256xbf16>
    %slice3A_1525 = vector.extract_strided_slice %reshape3A_1514 {offsets = [0, 256], sizes = [128, 256], strides = [1, 1]} : vector<128x512xbf16> to vector<128x256xbf16>
    %mul3A_1526 = vector.broadcast %sub3A_1524 : vector<1x256xbf16> to vector<128x256xbf16>
    %mul3A_1527 = arith.mulf %mul3A_1526, %slice3A_1525 : vector<128x256xbf16>
    %add3A_1528 = arith.addf %mul3A_1521, %mul3A_1527 : vector<128x256xbf16>
    %reshape3A_1529 = vector.shape_cast %add3A_1186 : vector<256x256xbf16> to vector<128x512xbf16>
    %get3A_1530 = arith.constant 1 : index
    %get3A_1531 = arith.constant 0 : index
    %get3A_1532 = vector.load %arg17[%get3A_1530, %get3A_1531] : memref<16x256xf32, #tpu.memory_space<vmem>>, vector<1x256xf32>
    %convert_element_type3A_1533 = arith.truncf %get3A_1532 : vector<1x256xf32> to vector<1x256xbf16>
    %slice3A_1534 = vector.extract_strided_slice %reshape3A_1529 {offsets = [0, 0], sizes = [128, 256], strides = [1, 1]} : vector<128x512xbf16> to vector<128x256xbf16>
    %mul3A_1535 = vector.broadcast %convert_element_type3A_1533 : vector<1x256xbf16> to vector<128x256xbf16>
    %mul3A_1536 = arith.mulf %mul3A_1535, %slice3A_1534 : vector<128x256xbf16>
    %sub3A_1537 = arith.constant 1.000000e+00 : bf16
    %sub3A_1538 = vector.broadcast %sub3A_1537 : bf16 to vector<1x256xbf16>
    %sub3A_1539 = arith.subf %sub3A_1538, %convert_element_type3A_1533 : vector<1x256xbf16>
    %slice3A_1540 = vector.extract_strided_slice %reshape3A_1529 {offsets = [0, 256], sizes = [128, 256], strides = [1, 1]} : vector<128x512xbf16> to vector<128x256xbf16>
    %mul3A_1541 = vector.broadcast %sub3A_1539 : vector<1x256xbf16> to vector<128x256xbf16>
    %mul3A_1542 = arith.mulf %mul3A_1541, %slice3A_1540 : vector<128x256xbf16>
    %add3A_1543 = arith.addf %mul3A_1536, %mul3A_1542 : vector<128x256xbf16>
    %reshape3A_1544 = vector.shape_cast %add3A_1207 : vector<256x256xbf16> to vector<128x512xbf16>
    %get3A_1545 = arith.constant 2 : index
    %get3A_1546 = arith.constant 0 : index
    %get3A_1547 = vector.load %arg17[%get3A_1545, %get3A_1546] : memref<16x256xf32, #tpu.memory_space<vmem>>, vector<1x256xf32>
    %convert_element_type3A_1548 = arith.truncf %get3A_1547 : vector<1x256xf32> to vector<1x256xbf16>
    %slice3A_1549 = vector.extract_strided_slice %reshape3A_1544 {offsets = [0, 0], sizes = [128, 256], strides = [1, 1]} : vector<128x512xbf16> to vector<128x256xbf16>
    %mul3A_1550 = vector.broadcast %convert_element_type3A_1548 : vector<1x256xbf16> to vector<128x256xbf16>
    %mul3A_1551 = arith.mulf %mul3A_1550, %slice3A_1549 : vector<128x256xbf16>
    %sub3A_1552 = arith.constant 1.000000e+00 : bf16
    %sub3A_1553 = vector.broadcast %sub3A_1552 : bf16 to vector<1x256xbf16>
    %sub3A_1554 = arith.subf %sub3A_1553, %convert_element_type3A_1548 : vector<1x256xbf16>
    %slice3A_1555 = vector.extract_strided_slice %reshape3A_1544 {offsets = [0, 256], sizes = [128, 256], strides = [1, 1]} : vector<128x512xbf16> to vector<128x256xbf16>
    %mul3A_1556 = vector.broadcast %sub3A_1554 : vector<1x256xbf16> to vector<128x256xbf16>
    %mul3A_1557 = arith.mulf %mul3A_1556, %slice3A_1555 : vector<128x256xbf16>
    %add3A_1558 = arith.addf %mul3A_1551, %mul3A_1557 : vector<128x256xbf16>
    %reshape3A_1559 = vector.shape_cast %add3A_1228 : vector<256x256xbf16> to vector<128x512xbf16>
    %get3A_1560 = arith.constant 3 : index
    %get3A_1561 = arith.constant 0 : index
    %get3A_1562 = vector.load %arg17[%get3A_1560, %get3A_1561] : memref<16x256xf32, #tpu.memory_space<vmem>>, vector<1x256xf32>
    %convert_element_type3A_1563 = arith.truncf %get3A_1562 : vector<1x256xf32> to vector<1x256xbf16>
    %slice3A_1564 = vector.extract_strided_slice %reshape3A_1559 {offsets = [0, 0], sizes = [128, 256], strides = [1, 1]} : vector<128x512xbf16> to vector<128x256xbf16>
    %mul3A_1565 = vector.broadcast %convert_element_type3A_1563 : vector<1x256xbf16> to vector<128x256xbf16>
    %mul3A_1566 = arith.mulf %mul3A_1565, %slice3A_1564 : vector<128x256xbf16>
    %sub3A_1567 = arith.constant 1.000000e+00 : bf16
    %sub3A_1568 = vector.broadcast %sub3A_1567 : bf16 to vector<1x256xbf16>
    %sub3A_1569 = arith.subf %sub3A_1568, %convert_element_type3A_1563 : vector<1x256xbf16>
    %slice3A_1570 = vector.extract_strided_slice %reshape3A_1559 {offsets = [0, 256], sizes = [128, 256], strides = [1, 1]} : vector<128x512xbf16> to vector<128x256xbf16>
    %mul3A_1571 = vector.broadcast %sub3A_1569 : vector<1x256xbf16> to vector<128x256xbf16>
    %mul3A_1572 = arith.mulf %mul3A_1571, %slice3A_1570 : vector<128x256xbf16>
    %add3A_1573 = arith.addf %mul3A_1566, %mul3A_1572 : vector<128x256xbf16>
    %reshape3A_1574 = vector.shape_cast %add3A_1249 : vector<256x256xbf16> to vector<128x512xbf16>
    %get3A_1575 = arith.constant 4 : index
    %get3A_1576 = arith.constant 0 : index
    %get3A_1577 = vector.load %arg17[%get3A_1575, %get3A_1576] : memref<16x256xf32, #tpu.memory_space<vmem>>, vector<1x256xf32>
    %convert_element_type3A_1578 = arith.truncf %get3A_1577 : vector<1x256xf32> to vector<1x256xbf16>
    %slice3A_1579 = vector.extract_strided_slice %reshape3A_1574 {offsets = [0, 0], sizes = [128, 256], strides = [1, 1]} : vector<128x512xbf16> to vector<128x256xbf16>
    %mul3A_1580 = vector.broadcast %convert_element_type3A_1578 : vector<1x256xbf16> to vector<128x256xbf16>
    %mul3A_1581 = arith.mulf %mul3A_1580, %slice3A_1579 : vector<128x256xbf16>
    %sub3A_1582 = arith.constant 1.000000e+00 : bf16
    %sub3A_1583 = vector.broadcast %sub3A_1582 : bf16 to vector<1x256xbf16>
    %sub3A_1584 = arith.subf %sub3A_1583, %convert_element_type3A_1578 : vector<1x256xbf16>
    %slice3A_1585 = vector.extract_strided_slice %reshape3A_1574 {offsets = [0, 256], sizes = [128, 256], strides = [1, 1]} : vector<128x512xbf16> to vector<128x256xbf16>
    %mul3A_1586 = vector.broadcast %sub3A_1584 : vector<1x256xbf16> to vector<128x256xbf16>
    %mul3A_1587 = arith.mulf %mul3A_1586, %slice3A_1585 : vector<128x256xbf16>
    %add3A_1588 = arith.addf %mul3A_1581, %mul3A_1587 : vector<128x256xbf16>
    %reshape3A_1589 = vector.shape_cast %add3A_1270 : vector<256x256xbf16> to vector<128x512xbf16>
    %get3A_1590 = arith.constant 5 : index
    %get3A_1591 = arith.constant 0 : index
    %get3A_1592 = vector.load %arg17[%get3A_1590, %get3A_1591] : memref<16x256xf32, #tpu.memory_space<vmem>>, vector<1x256xf32>
    %convert_element_type3A_1593 = arith.truncf %get3A_1592 : vector<1x256xf32> to vector<1x256xbf16>
    %slice3A_1594 = vector.extract_strided_slice %reshape3A_1589 {offsets = [0, 0], sizes = [128, 256], strides = [1, 1]} : vector<128x512xbf16> to vector<128x256xbf16>
    %mul3A_1595 = vector.broadcast %convert_element_type3A_1593 : vector<1x256xbf16> to vector<128x256xbf16>
    %mul3A_1596 = arith.mulf %mul3A_1595, %slice3A_1594 : vector<128x256xbf16>
    %sub3A_1597 = arith.constant 1.000000e+00 : bf16
    %sub3A_1598 = vector.broadcast %sub3A_1597 : bf16 to vector<1x256xbf16>
    %sub3A_1599 = arith.subf %sub3A_1598, %convert_element_type3A_1593 : vector<1x256xbf16>
    %slice3A_1600 = vector.extract_strided_slice %reshape3A_1589 {offsets = [0, 256], sizes = [128, 256], strides = [1, 1]} : vector<128x512xbf16> to vector<128x256xbf16>
    %mul3A_1601 = vector.broadcast %sub3A_1599 : vector<1x256xbf16> to vector<128x256xbf16>
    %mul3A_1602 = arith.mulf %mul3A_1601, %slice3A_1600 : vector<128x256xbf16>
    %add3A_1603 = arith.addf %mul3A_1596, %mul3A_1602 : vector<128x256xbf16>
    %reshape3A_1604 = vector.shape_cast %add3A_1291 : vector<256x256xbf16> to vector<128x512xbf16>
    %get3A_1605 = arith.constant 6 : index
    %get3A_1606 = arith.constant 0 : index
    %get3A_1607 = vector.load %arg17[%get3A_1605, %get3A_1606] : memref<16x256xf32, #tpu.memory_space<vmem>>, vector<1x256xf32>
    %convert_element_type3A_1608 = arith.truncf %get3A_1607 : vector<1x256xf32> to vector<1x256xbf16>
    %slice3A_1609 = vector.extract_strided_slice %reshape3A_1604 {offsets = [0, 0], sizes = [128, 256], strides = [1, 1]} : vector<128x512xbf16> to vector<128x256xbf16>
    %mul3A_1610 = vector.broadcast %convert_element_type3A_1608 : vector<1x256xbf16> to vector<128x256xbf16>
    %mul3A_1611 = arith.mulf %mul3A_1610, %slice3A_1609 : vector<128x256xbf16>
    %sub3A_1612 = arith.constant 1.000000e+00 : bf16
    %sub3A_1613 = vector.broadcast %sub3A_1612 : bf16 to vector<1x256xbf16>
    %sub3A_1614 = arith.subf %sub3A_1613, %convert_element_type3A_1608 : vector<1x256xbf16>
    %slice3A_1615 = vector.extract_strided_slice %reshape3A_1604 {offsets = [0, 256], sizes = [128, 256], strides = [1, 1]} : vector<128x512xbf16> to vector<128x256xbf16>
    %mul3A_1616 = vector.broadcast %sub3A_1614 : vector<1x256xbf16> to vector<128x256xbf16>
    %mul3A_1617 = arith.mulf %mul3A_1616, %slice3A_1615 : vector<128x256xbf16>
    %add3A_1618 = arith.addf %mul3A_1611, %mul3A_1617 : vector<128x256xbf16>
    %reshape3A_1619 = vector.shape_cast %add3A_1312 : vector<256x256xbf16> to vector<128x512xbf16>
    %get3A_1620 = arith.constant 7 : index
    %get3A_1621 = arith.constant 0 : index
    %get3A_1622 = vector.load %arg17[%get3A_1620, %get3A_1621] : memref<16x256xf32, #tpu.memory_space<vmem>>, vector<1x256xf32>
    %convert_element_type3A_1623 = arith.truncf %get3A_1622 : vector<1x256xf32> to vector<1x256xbf16>
    %slice3A_1624 = vector.extract_strided_slice %reshape3A_1619 {offsets = [0, 0], sizes = [128, 256], strides = [1, 1]} : vector<128x512xbf16> to vector<128x256xbf16>
    %mul3A_1625 = vector.broadcast %convert_element_type3A_1623 : vector<1x256xbf16> to vector<128x256xbf16>
    %mul3A_1626 = arith.mulf %mul3A_1625, %slice3A_1624 : vector<128x256xbf16>
    %sub3A_1627 = arith.constant 1.000000e+00 : bf16
    %sub3A_1628 = vector.broadcast %sub3A_1627 : bf16 to vector<1x256xbf16>
    %sub3A_1629 = arith.subf %sub3A_1628, %convert_element_type3A_1623 : vector<1x256xbf16>
    %slice3A_1630 = vector.extract_strided_slice %reshape3A_1619 {offsets = [0, 256], sizes = [128, 256], strides = [1, 1]} : vector<128x512xbf16> to vector<128x256xbf16>
    %mul3A_1631 = vector.broadcast %sub3A_1629 : vector<1x256xbf16> to vector<128x256xbf16>
    %mul3A_1632 = arith.mulf %mul3A_1631, %slice3A_1630 : vector<128x256xbf16>
    %add3A_1633 = arith.addf %mul3A_1626, %mul3A_1632 : vector<128x256xbf16>
    %reshape3A_1634 = vector.shape_cast %add3A_1333 : vector<256x256xbf16> to vector<128x512xbf16>
    %get3A_1635 = arith.constant 8 : index
    %get3A_1636 = arith.constant 0 : index
    %get3A_1637 = vector.load %arg17[%get3A_1635, %get3A_1636] : memref<16x256xf32, #tpu.memory_space<vmem>>, vector<1x256xf32>
    %convert_element_type3A_1638 = arith.truncf %get3A_1637 : vector<1x256xf32> to vector<1x256xbf16>
    %slice3A_1639 = vector.extract_strided_slice %reshape3A_1634 {offsets = [0, 0], sizes = [128, 256], strides = [1, 1]} : vector<128x512xbf16> to vector<128x256xbf16>
    %mul3A_1640 = vector.broadcast %convert_element_type3A_1638 : vector<1x256xbf16> to vector<128x256xbf16>
    %mul3A_1641 = arith.mulf %mul3A_1640, %slice3A_1639 : vector<128x256xbf16>
    %sub3A_1642 = arith.constant 1.000000e+00 : bf16
    %sub3A_1643 = vector.broadcast %sub3A_1642 : bf16 to vector<1x256xbf16>
    %sub3A_1644 = arith.subf %sub3A_1643, %convert_element_type3A_1638 : vector<1x256xbf16>
    %slice3A_1645 = vector.extract_strided_slice %reshape3A_1634 {offsets = [0, 256], sizes = [128, 256], strides = [1, 1]} : vector<128x512xbf16> to vector<128x256xbf16>
    %mul3A_1646 = vector.broadcast %sub3A_1644 : vector<1x256xbf16> to vector<128x256xbf16>
    %mul3A_1647 = arith.mulf %mul3A_1646, %slice3A_1645 : vector<128x256xbf16>
    %add3A_1648 = arith.addf %mul3A_1641, %mul3A_1647 : vector<128x256xbf16>
    %reshape3A_1649 = vector.shape_cast %add3A_1354 : vector<256x256xbf16> to vector<128x512xbf16>
    %get3A_1650 = arith.constant 9 : index
    %get3A_1651 = arith.constant 0 : index
    %get3A_1652 = vector.load %arg17[%get3A_1650, %get3A_1651] : memref<16x256xf32, #tpu.memory_space<vmem>>, vector<1x256xf32>
    %convert_element_type3A_1653 = arith.truncf %get3A_1652 : vector<1x256xf32> to vector<1x256xbf16>
    %slice3A_1654 = vector.extract_strided_slice %reshape3A_1649 {offsets = [0, 0], sizes = [128, 256], strides = [1, 1]} : vector<128x512xbf16> to vector<128x256xbf16>
    %mul3A_1655 = vector.broadcast %convert_element_type3A_1653 : vector<1x256xbf16> to vector<128x256xbf16>
    %mul3A_1656 = arith.mulf %mul3A_1655, %slice3A_1654 : vector<128x256xbf16>
    %sub3A_1657 = arith.constant 1.000000e+00 : bf16
    %sub3A_1658 = vector.broadcast %sub3A_1657 : bf16 to vector<1x256xbf16>
    %sub3A_1659 = arith.subf %sub3A_1658, %convert_element_type3A_1653 : vector<1x256xbf16>
    %slice3A_1660 = vector.extract_strided_slice %reshape3A_1649 {offsets = [0, 256], sizes = [128, 256], strides = [1, 1]} : vector<128x512xbf16> to vector<128x256xbf16>
    %mul3A_1661 = vector.broadcast %sub3A_1659 : vector<1x256xbf16> to vector<128x256xbf16>
    %mul3A_1662 = arith.mulf %mul3A_1661, %slice3A_1660 : vector<128x256xbf16>
    %add3A_1663 = arith.addf %mul3A_1656, %mul3A_1662 : vector<128x256xbf16>
    %reshape3A_1664 = vector.shape_cast %add3A_1375 : vector<256x256xbf16> to vector<128x512xbf16>
    %get3A_1665 = arith.constant 10 : index
    %get3A_1666 = arith.constant 0 : index
    %get3A_1667 = vector.load %arg17[%get3A_1665, %get3A_1666] : memref<16x256xf32, #tpu.memory_space<vmem>>, vector<1x256xf32>
    %convert_element_type3A_1668 = arith.truncf %get3A_1667 : vector<1x256xf32> to vector<1x256xbf16>
    %slice3A_1669 = vector.extract_strided_slice %reshape3A_1664 {offsets = [0, 0], sizes = [128, 256], strides = [1, 1]} : vector<128x512xbf16> to vector<128x256xbf16>
    %mul3A_1670 = vector.broadcast %convert_element_type3A_1668 : vector<1x256xbf16> to vector<128x256xbf16>
    %mul3A_1671 = arith.mulf %mul3A_1670, %slice3A_1669 : vector<128x256xbf16>
    %sub3A_1672 = arith.constant 1.000000e+00 : bf16
    %sub3A_1673 = vector.broadcast %sub3A_1672 : bf16 to vector<1x256xbf16>
    %sub3A_1674 = arith.subf %sub3A_1673, %convert_element_type3A_1668 : vector<1x256xbf16>
    %slice3A_1675 = vector.extract_strided_slice %reshape3A_1664 {offsets = [0, 256], sizes = [128, 256], strides = [1, 1]} : vector<128x512xbf16> to vector<128x256xbf16>
    %mul3A_1676 = vector.broadcast %sub3A_1674 : vector<1x256xbf16> to vector<128x256xbf16>
    %mul3A_1677 = arith.mulf %mul3A_1676, %slice3A_1675 : vector<128x256xbf16>
    %add3A_1678 = arith.addf %mul3A_1671, %mul3A_1677 : vector<128x256xbf16>
    %reshape3A_1679 = vector.shape_cast %add3A_1396 : vector<256x256xbf16> to vector<128x512xbf16>
    %get3A_1680 = arith.constant 11 : index
    %get3A_1681 = arith.constant 0 : index
    %get3A_1682 = vector.load %arg17[%get3A_1680, %get3A_1681] : memref<16x256xf32, #tpu.memory_space<vmem>>, vector<1x256xf32>
    %convert_element_type3A_1683 = arith.truncf %get3A_1682 : vector<1x256xf32> to vector<1x256xbf16>
    %slice3A_1684 = vector.extract_strided_slice %reshape3A_1679 {offsets = [0, 0], sizes = [128, 256], strides = [1, 1]} : vector<128x512xbf16> to vector<128x256xbf16>
    %mul3A_1685 = vector.broadcast %convert_element_type3A_1683 : vector<1x256xbf16> to vector<128x256xbf16>
    %mul3A_1686 = arith.mulf %mul3A_1685, %slice3A_1684 : vector<128x256xbf16>
    %sub3A_1687 = arith.constant 1.000000e+00 : bf16
    %sub3A_1688 = vector.broadcast %sub3A_1687 : bf16 to vector<1x256xbf16>
    %sub3A_1689 = arith.subf %sub3A_1688, %convert_element_type3A_1683 : vector<1x256xbf16>
    %slice3A_1690 = vector.extract_strided_slice %reshape3A_1679 {offsets = [0, 256], sizes = [128, 256], strides = [1, 1]} : vector<128x512xbf16> to vector<128x256xbf16>
    %mul3A_1691 = vector.broadcast %sub3A_1689 : vector<1x256xbf16> to vector<128x256xbf16>
    %mul3A_1692 = arith.mulf %mul3A_1691, %slice3A_1690 : vector<128x256xbf16>
    %add3A_1693 = arith.addf %mul3A_1686, %mul3A_1692 : vector<128x256xbf16>
    %reshape3A_1694 = vector.shape_cast %add3A_1417 : vector<256x256xbf16> to vector<128x512xbf16>
    %get3A_1695 = arith.constant 12 : index
    %get3A_1696 = arith.constant 0 : index
    %get3A_1697 = vector.load %arg17[%get3A_1695, %get3A_1696] : memref<16x256xf32, #tpu.memory_space<vmem>>, vector<1x256xf32>
    %convert_element_type3A_1698 = arith.truncf %get3A_1697 : vector<1x256xf32> to vector<1x256xbf16>
    %slice3A_1699 = vector.extract_strided_slice %reshape3A_1694 {offsets = [0, 0], sizes = [128, 256], strides = [1, 1]} : vector<128x512xbf16> to vector<128x256xbf16>
    %mul3A_1700 = vector.broadcast %convert_element_type3A_1698 : vector<1x256xbf16> to vector<128x256xbf16>
    %mul3A_1701 = arith.mulf %mul3A_1700, %slice3A_1699 : vector<128x256xbf16>
    %sub3A_1702 = arith.constant 1.000000e+00 : bf16
    %sub3A_1703 = vector.broadcast %sub3A_1702 : bf16 to vector<1x256xbf16>
    %sub3A_1704 = arith.subf %sub3A_1703, %convert_element_type3A_1698 : vector<1x256xbf16>
    %slice3A_1705 = vector.extract_strided_slice %reshape3A_1694 {offsets = [0, 256], sizes = [128, 256], strides = [1, 1]} : vector<128x512xbf16> to vector<128x256xbf16>
    %mul3A_1706 = vector.broadcast %sub3A_1704 : vector<1x256xbf16> to vector<128x256xbf16>
    %mul3A_1707 = arith.mulf %mul3A_1706, %slice3A_1705 : vector<128x256xbf16>
    %add3A_1708 = arith.addf %mul3A_1701, %mul3A_1707 : vector<128x256xbf16>
    %reshape3A_1709 = vector.shape_cast %add3A_1438 : vector<256x256xbf16> to vector<128x512xbf16>
    %get3A_1710 = arith.constant 13 : index
    %get3A_1711 = arith.constant 0 : index
    %get3A_1712 = vector.load %arg17[%get3A_1710, %get3A_1711] : memref<16x256xf32, #tpu.memory_space<vmem>>, vector<1x256xf32>
    %convert_element_type3A_1713 = arith.truncf %get3A_1712 : vector<1x256xf32> to vector<1x256xbf16>
    %slice3A_1714 = vector.extract_strided_slice %reshape3A_1709 {offsets = [0, 0], sizes = [128, 256], strides = [1, 1]} : vector<128x512xbf16> to vector<128x256xbf16>
    %mul3A_1715 = vector.broadcast %convert_element_type3A_1713 : vector<1x256xbf16> to vector<128x256xbf16>
    %mul3A_1716 = arith.mulf %mul3A_1715, %slice3A_1714 : vector<128x256xbf16>
    %sub3A_1717 = arith.constant 1.000000e+00 : bf16
    %sub3A_1718 = vector.broadcast %sub3A_1717 : bf16 to vector<1x256xbf16>
    %sub3A_1719 = arith.subf %sub3A_1718, %convert_element_type3A_1713 : vector<1x256xbf16>
    %slice3A_1720 = vector.extract_strided_slice %reshape3A_1709 {offsets = [0, 256], sizes = [128, 256], strides = [1, 1]} : vector<128x512xbf16> to vector<128x256xbf16>
    %mul3A_1721 = vector.broadcast %sub3A_1719 : vector<1x256xbf16> to vector<128x256xbf16>
    %mul3A_1722 = arith.mulf %mul3A_1721, %slice3A_1720 : vector<128x256xbf16>
    %add3A_1723 = arith.addf %mul3A_1716, %mul3A_1722 : vector<128x256xbf16>
    %reshape3A_1724 = vector.shape_cast %add3A_1459 : vector<256x256xbf16> to vector<128x512xbf16>
    %get3A_1725 = arith.constant 14 : index
    %get3A_1726 = arith.constant 0 : index
    %get3A_1727 = vector.load %arg17[%get3A_1725, %get3A_1726] : memref<16x256xf32, #tpu.memory_space<vmem>>, vector<1x256xf32>
    %convert_element_type3A_1728 = arith.truncf %get3A_1727 : vector<1x256xf32> to vector<1x256xbf16>
    %slice3A_1729 = vector.extract_strided_slice %reshape3A_1724 {offsets = [0, 0], sizes = [128, 256], strides = [1, 1]} : vector<128x512xbf16> to vector<128x256xbf16>
    %mul3A_1730 = vector.broadcast %convert_element_type3A_1728 : vector<1x256xbf16> to vector<128x256xbf16>
    %mul3A_1731 = arith.mulf %mul3A_1730, %slice3A_1729 : vector<128x256xbf16>
    %sub3A_1732 = arith.constant 1.000000e+00 : bf16
    %sub3A_1733 = vector.broadcast %sub3A_1732 : bf16 to vector<1x256xbf16>
    %sub3A_1734 = arith.subf %sub3A_1733, %convert_element_type3A_1728 : vector<1x256xbf16>
    %slice3A_1735 = vector.extract_strided_slice %reshape3A_1724 {offsets = [0, 256], sizes = [128, 256], strides = [1, 1]} : vector<128x512xbf16> to vector<128x256xbf16>
    %mul3A_1736 = vector.broadcast %sub3A_1734 : vector<1x256xbf16> to vector<128x256xbf16>
    %mul3A_1737 = arith.mulf %mul3A_1736, %slice3A_1735 : vector<128x256xbf16>
    %add3A_1738 = arith.addf %mul3A_1731, %mul3A_1737 : vector<128x256xbf16>
    %reshape3A_1739 = vector.shape_cast %add3A_1480 : vector<256x256xbf16> to vector<128x512xbf16>
    %get3A_1740 = arith.constant 15 : index
    %get3A_1741 = arith.constant 0 : index
    %get3A_1742 = vector.load %arg17[%get3A_1740, %get3A_1741] : memref<16x256xf32, #tpu.memory_space<vmem>>, vector<1x256xf32>
    %convert_element_type3A_1743 = arith.truncf %get3A_1742 : vector<1x256xf32> to vector<1x256xbf16>
    %slice3A_1744 = vector.extract_strided_slice %reshape3A_1739 {offsets = [0, 0], sizes = [128, 256], strides = [1, 1]} : vector<128x512xbf16> to vector<128x256xbf16>
    %mul3A_1745 = vector.broadcast %convert_element_type3A_1743 : vector<1x256xbf16> to vector<128x256xbf16>
    %mul3A_1746 = arith.mulf %mul3A_1745, %slice3A_1744 : vector<128x256xbf16>
    %sub3A_1747 = arith.constant 1.000000e+00 : bf16
    %sub3A_1748 = vector.broadcast %sub3A_1747 : bf16 to vector<1x256xbf16>
    %sub3A_1749 = arith.subf %sub3A_1748, %convert_element_type3A_1743 : vector<1x256xbf16>
    %slice3A_1750 = vector.extract_strided_slice %reshape3A_1739 {offsets = [0, 256], sizes = [128, 256], strides = [1, 1]} : vector<128x512xbf16> to vector<128x256xbf16>
    %mul3A_1751 = vector.broadcast %sub3A_1749 : vector<1x256xbf16> to vector<128x256xbf16>
    %mul3A_1752 = arith.mulf %mul3A_1751, %slice3A_1750 : vector<128x256xbf16>
    %add3A_1753 = arith.addf %mul3A_1746, %mul3A_1752 : vector<128x256xbf16>
    %get3A_1754 = arith.constant 0 : index
    %get3A_1755 = arith.constant 0 : index
    %get3A_1756 = vector.load %arg13[%get3A_1754, %get3A_1755] : memref<512x256xf32, #tpu.memory_space<vmem>>, vector<512x256xf32>
    %dot_general3A_1757 = arith.constant dense<0.000000e+00> : vector<128x256xf32>
    %dot_general3A_1758 = tpu.matmul %get3A_1508, %get3A_1756, %dot_general3A_1757 {dimension_numbers = #tpu.dot_dimension_numbers<[1], [0], [0], [1], [0, 0, 1, 1], [], []>, transpose_lhs_hint = false} : vector<128x512xf32>, vector<512x256xf32>, vector<128x256xf32> -> vector<128x256xf32>
    %add3A_1759 = vector.broadcast %get3A_4 : vector<1x256xf32> to vector<128x256xf32>
    %add3A_1760 = arith.addf %add3A_1759, %dot_general3A_1758 : vector<128x256xf32>
    %logistic3A_1761 = arith.negf %add3A_1760 : vector<128x256xf32>
    %logistic3A_1762 = math.exp %logistic3A_1761 : vector<128x256xf32>
    %logistic3A_1763 = arith.constant 1.000000e+00 : f32
    %logistic3A_1764 = vector.broadcast %logistic3A_1763 : f32 to vector<128x256xf32>
    %logistic3A_1765 = arith.addf %logistic3A_1764, %logistic3A_1762 : vector<128x256xf32>
    %logistic3A_1766 = arith.divf %logistic3A_1764, %logistic3A_1765 : vector<128x256xf32>
    %mul3A_1767 = arith.mulf %add3A_1760, %logistic3A_1766 : vector<128x256xf32>
    %get3A_1768 = arith.constant 0 : index
    %get3A_1769 = arith.constant 0 : index
    %get3A_1770 = vector.load %arg9[%get3A_1768, %get3A_1769] : memref<256x128xf32, #tpu.memory_space<vmem>>, vector<256x128xf32>
    %dot_general3A_1771 = arith.constant dense<0.000000e+00> : vector<128x256xf32>
    %dot_general3A_1772 = tpu.matmul %get3A_1513, %get3A_1770, %dot_general3A_1771 {dimension_numbers = #tpu.dot_dimension_numbers<[1], [1], [0], [0], [0, 0, 1, 0], [], []>, transpose_lhs_hint = false} : vector<128x128xf32>, vector<256x128xf32>, vector<128x256xf32> -> vector<128x256xf32>
    %get3A_1773 = arith.constant 0 : index
    %get3A_1774 = arith.constant 0 : index
    %get3A_1775 = vector.load %arg10[%get3A_1773, %get3A_1774] : memref<40x256xf32, #tpu.memory_space<vmem>>, vector<40x256xf32>
    %dot_general3A_1776 = arith.constant dense<0.000000e+00> : vector<128x40xf32>
    %dot_general3A_1777 = tpu.matmul %mul3A_1767, %get3A_1775, %dot_general3A_1776 {dimension_numbers = #tpu.dot_dimension_numbers<[1], [1], [0], [0], [0, 0, 1, 0], [], []>, transpose_lhs_hint = false} : vector<128x256xf32>, vector<40x256xf32>, vector<128x40xf32> -> vector<128x40xf32>
    %slice3A_1778 = vector.extract_strided_slice %dot_general3A_1777 {offsets = [0, 0], sizes = [128, 8], strides = [1, 1]} : vector<128x40xf32> to vector<128x8xf32>
    %get3A_1779 = arith.constant 0 : index
    %get3A_1780 = arith.constant 0 : index
    %get3A_1781 = vector.load %arg11[%get3A_1779, %get3A_1780] : memref<8x256xf32, #tpu.memory_space<vmem>>, vector<8x256xf32>
    %dot_general3A_1782 = arith.constant dense<0.000000e+00> : vector<128x256xf32>
    %dot_general3A_1783 = tpu.matmul %slice3A_1778, %get3A_1781, %dot_general3A_1782 {dimension_numbers = #tpu.dot_dimension_numbers<[1], [0], [0], [1], [0, 0, 1, 1], [], []>, transpose_lhs_hint = false} : vector<128x8xf32>, vector<8x256xf32>, vector<128x256xf32> -> vector<128x256xf32>
    %add3A_1784 = vector.broadcast %get3A_1 : vector<1x256xf32> to vector<128x256xf32>
    %add3A_1785 = arith.addf %dot_general3A_1783, %add3A_1784 : vector<128x256xf32>
    %max3A_1786 = arith.constant 0.000000e+00 : f32
    %max3A_1787 = vector.broadcast %max3A_1786 : f32 to vector<128x256xf32>
    %max3A_1788 = arith.maximumf %add3A_1785, %max3A_1787 : vector<128x256xf32>
    %abs3A_1789 = math.absf %add3A_1785 : vector<128x256xf32>
    %neg3A_1790 = arith.constant 0.000000e+00 : f32
    %neg3A_1791 = vector.broadcast %neg3A_1790 : f32 to vector<128x256xf32>
    %neg3A_1792 = arith.subf %neg3A_1791, %abs3A_1789 : vector<128x256xf32>
    %exp3A_1793 = math.exp %neg3A_1792 : vector<128x256xf32>
    %log1p3A_1794 = math.log1p %exp3A_1793 : vector<128x256xf32>
    %add3A_1795 = arith.addf %max3A_1788, %log1p3A_1794 : vector<128x256xf32>
    %mul3A_1796 = arith.mulf %mul3A_1767, %add3A_1795 : vector<128x256xf32>
    %convert_element_type3A_1797 = arith.truncf %mul3A_1796 : vector<128x256xf32> to vector<128x256xbf16>
    %convert_element_type3A_1798 = arith.truncf %add3A_1795 : vector<128x256xf32> to vector<128x256xbf16>
    %convert_element_type3A_1799 = arith.truncf %dot_general3A_1777 : vector<128x40xf32> to vector<128x40xbf16>
    %mul3A_1800 = vector.broadcast %get3A_7 : vector<1x256xf32> to vector<128x256xf32>
    %mul3A_1801 = arith.mulf %mul3A_1800, %mul3A_1767 : vector<128x256xf32>
    %get3A_1802 = arith.constant 0 : index
    %get3A_1803 = arith.constant 0 : index
    %get3A_1804 = vector.load %arg15[%get3A_1802, %get3A_1803] : memref<16x256xf32, #tpu.memory_space<vmem>>, vector<1x256xf32>
    %exp3A_1805 = math.exp %get3A_1804 : vector<1x256xf32>
    %neg3A_1806 = arith.constant 0.000000e+00 : f32
    %neg3A_1807 = vector.broadcast %neg3A_1806 : f32 to vector<1x256xf32>
    %neg3A_1808 = arith.subf %neg3A_1807, %exp3A_1805 : vector<1x256xf32>
    %convert_element_type3A_1809 = arith.truncf %neg3A_1808 : vector<1x256xf32> to vector<1x256xbf16>
    %mul3A_1810 = vector.broadcast %convert_element_type3A_1809 : vector<1x256xbf16> to vector<128x256xbf16>
    %mul3A_1811 = arith.mulf %convert_element_type3A_1798, %mul3A_1810 : vector<128x256xbf16>
    %exp3A_1812 = math.exp %mul3A_1811 : vector<128x256xbf16>
    %slice3A_1813 = vector.extract_strided_slice %convert_element_type3A_1799 {offsets = [0, 8], sizes = [128, 1], strides = [1, 1]} : vector<128x40xbf16> to vector<128x1xbf16>
    %slice3A_1814 = vector.extract_strided_slice %convert_element_type3A_1799 {offsets = [0, 24], sizes = [128, 1], strides = [1, 1]} : vector<128x40xbf16> to vector<128x1xbf16>
    %mul3A_1815 = vector.broadcast %slice3A_1813 : vector<128x1xbf16> to vector<128x256xbf16>
    %mul3A_1816 = arith.mulf %convert_element_type3A_1797, %mul3A_1815 : vector<128x256xbf16>
    %mul3A_1817 = arith.mulf %add3A_1528, %exp3A_1812 : vector<128x256xbf16>
    %add3A_1818 = arith.addf %mul3A_1817, %mul3A_1816 : vector<128x256xbf16>
    %mul3A_1819 = vector.broadcast %slice3A_1814 : vector<128x1xbf16> to vector<128x256xbf16>
    %mul3A_1820 = arith.mulf %add3A_1818, %mul3A_1819 : vector<128x256xbf16>
    %convert_element_type3A_1821 = arith.extf %mul3A_1820 : vector<128x256xbf16> to vector<128x256xf32>
    %add3A_1822 = arith.addf %mul3A_1801, %convert_element_type3A_1821 : vector<128x256xf32>
    %get3A_1823 = arith.constant 1 : index
    %get3A_1824 = arith.constant 0 : index
    %get3A_1825 = vector.load %arg15[%get3A_1823, %get3A_1824] : memref<16x256xf32, #tpu.memory_space<vmem>>, vector<1x256xf32>
    %exp3A_1826 = math.exp %get3A_1825 : vector<1x256xf32>
    %neg3A_1827 = arith.constant 0.000000e+00 : f32
    %neg3A_1828 = vector.broadcast %neg3A_1827 : f32 to vector<1x256xf32>
    %neg3A_1829 = arith.subf %neg3A_1828, %exp3A_1826 : vector<1x256xf32>
    %convert_element_type3A_1830 = arith.truncf %neg3A_1829 : vector<1x256xf32> to vector<1x256xbf16>
    %mul3A_1831 = vector.broadcast %convert_element_type3A_1830 : vector<1x256xbf16> to vector<128x256xbf16>
    %mul3A_1832 = arith.mulf %convert_element_type3A_1798, %mul3A_1831 : vector<128x256xbf16>
    %exp3A_1833 = math.exp %mul3A_1832 : vector<128x256xbf16>
    %slice3A_1834 = vector.extract_strided_slice %convert_element_type3A_1799 {offsets = [0, 9], sizes = [128, 1], strides = [1, 1]} : vector<128x40xbf16> to vector<128x1xbf16>
    %slice3A_1835 = vector.extract_strided_slice %convert_element_type3A_1799 {offsets = [0, 25], sizes = [128, 1], strides = [1, 1]} : vector<128x40xbf16> to vector<128x1xbf16>
    %mul3A_1836 = vector.broadcast %slice3A_1834 : vector<128x1xbf16> to vector<128x256xbf16>
    %mul3A_1837 = arith.mulf %convert_element_type3A_1797, %mul3A_1836 : vector<128x256xbf16>
    %mul3A_1838 = arith.mulf %add3A_1543, %exp3A_1833 : vector<128x256xbf16>
    %add3A_1839 = arith.addf %mul3A_1838, %mul3A_1837 : vector<128x256xbf16>
    %mul3A_1840 = vector.broadcast %slice3A_1835 : vector<128x1xbf16> to vector<128x256xbf16>
    %mul3A_1841 = arith.mulf %add3A_1839, %mul3A_1840 : vector<128x256xbf16>
    %convert_element_type3A_1842 = arith.extf %mul3A_1841 : vector<128x256xbf16> to vector<128x256xf32>
    %add3A_1843 = arith.addf %add3A_1822, %convert_element_type3A_1842 : vector<128x256xf32>
    %get3A_1844 = arith.constant 2 : index
    %get3A_1845 = arith.constant 0 : index
    %get3A_1846 = vector.load %arg15[%get3A_1844, %get3A_1845] : memref<16x256xf32, #tpu.memory_space<vmem>>, vector<1x256xf32>
    %exp3A_1847 = math.exp %get3A_1846 : vector<1x256xf32>
    %neg3A_1848 = arith.constant 0.000000e+00 : f32
    %neg3A_1849 = vector.broadcast %neg3A_1848 : f32 to vector<1x256xf32>
    %neg3A_1850 = arith.subf %neg3A_1849, %exp3A_1847 : vector<1x256xf32>
    %convert_element_type3A_1851 = arith.truncf %neg3A_1850 : vector<1x256xf32> to vector<1x256xbf16>
    %mul3A_1852 = vector.broadcast %convert_element_type3A_1851 : vector<1x256xbf16> to vector<128x256xbf16>
    %mul3A_1853 = arith.mulf %convert_element_type3A_1798, %mul3A_1852 : vector<128x256xbf16>
    %exp3A_1854 = math.exp %mul3A_1853 : vector<128x256xbf16>
    %slice3A_1855 = vector.extract_strided_slice %convert_element_type3A_1799 {offsets = [0, 10], sizes = [128, 1], strides = [1, 1]} : vector<128x40xbf16> to vector<128x1xbf16>
    %slice3A_1856 = vector.extract_strided_slice %convert_element_type3A_1799 {offsets = [0, 26], sizes = [128, 1], strides = [1, 1]} : vector<128x40xbf16> to vector<128x1xbf16>
    %mul3A_1857 = vector.broadcast %slice3A_1855 : vector<128x1xbf16> to vector<128x256xbf16>
    %mul3A_1858 = arith.mulf %convert_element_type3A_1797, %mul3A_1857 : vector<128x256xbf16>
    %mul3A_1859 = arith.mulf %add3A_1558, %exp3A_1854 : vector<128x256xbf16>
    %add3A_1860 = arith.addf %mul3A_1859, %mul3A_1858 : vector<128x256xbf16>
    %mul3A_1861 = vector.broadcast %slice3A_1856 : vector<128x1xbf16> to vector<128x256xbf16>
    %mul3A_1862 = arith.mulf %add3A_1860, %mul3A_1861 : vector<128x256xbf16>
    %convert_element_type3A_1863 = arith.extf %mul3A_1862 : vector<128x256xbf16> to vector<128x256xf32>
    %add3A_1864 = arith.addf %add3A_1843, %convert_element_type3A_1863 : vector<128x256xf32>
    %get3A_1865 = arith.constant 3 : index
    %get3A_1866 = arith.constant 0 : index
    %get3A_1867 = vector.load %arg15[%get3A_1865, %get3A_1866] : memref<16x256xf32, #tpu.memory_space<vmem>>, vector<1x256xf32>
    %exp3A_1868 = math.exp %get3A_1867 : vector<1x256xf32>
    %neg3A_1869 = arith.constant 0.000000e+00 : f32
    %neg3A_1870 = vector.broadcast %neg3A_1869 : f32 to vector<1x256xf32>
    %neg3A_1871 = arith.subf %neg3A_1870, %exp3A_1868 : vector<1x256xf32>
    %convert_element_type3A_1872 = arith.truncf %neg3A_1871 : vector<1x256xf32> to vector<1x256xbf16>
    %mul3A_1873 = vector.broadcast %convert_element_type3A_1872 : vector<1x256xbf16> to vector<128x256xbf16>
    %mul3A_1874 = arith.mulf %convert_element_type3A_1798, %mul3A_1873 : vector<128x256xbf16>
    %exp3A_1875 = math.exp %mul3A_1874 : vector<128x256xbf16>
    %slice3A_1876 = vector.extract_strided_slice %convert_element_type3A_1799 {offsets = [0, 11], sizes = [128, 1], strides = [1, 1]} : vector<128x40xbf16> to vector<128x1xbf16>
    %slice3A_1877 = vector.extract_strided_slice %convert_element_type3A_1799 {offsets = [0, 27], sizes = [128, 1], strides = [1, 1]} : vector<128x40xbf16> to vector<128x1xbf16>
    %mul3A_1878 = vector.broadcast %slice3A_1876 : vector<128x1xbf16> to vector<128x256xbf16>
    %mul3A_1879 = arith.mulf %convert_element_type3A_1797, %mul3A_1878 : vector<128x256xbf16>
    %mul3A_1880 = arith.mulf %add3A_1573, %exp3A_1875 : vector<128x256xbf16>
    %add3A_1881 = arith.addf %mul3A_1880, %mul3A_1879 : vector<128x256xbf16>
    %mul3A_1882 = vector.broadcast %slice3A_1877 : vector<128x1xbf16> to vector<128x256xbf16>
    %mul3A_1883 = arith.mulf %add3A_1881, %mul3A_1882 : vector<128x256xbf16>
    %convert_element_type3A_1884 = arith.extf %mul3A_1883 : vector<128x256xbf16> to vector<128x256xf32>
    %add3A_1885 = arith.addf %add3A_1864, %convert_element_type3A_1884 : vector<128x256xf32>
    %get3A_1886 = arith.constant 4 : index
    %get3A_1887 = arith.constant 0 : index
    %get3A_1888 = vector.load %arg15[%get3A_1886, %get3A_1887] : memref<16x256xf32, #tpu.memory_space<vmem>>, vector<1x256xf32>
    %exp3A_1889 = math.exp %get3A_1888 : vector<1x256xf32>
    %neg3A_1890 = arith.constant 0.000000e+00 : f32
    %neg3A_1891 = vector.broadcast %neg3A_1890 : f32 to vector<1x256xf32>
    %neg3A_1892 = arith.subf %neg3A_1891, %exp3A_1889 : vector<1x256xf32>
    %convert_element_type3A_1893 = arith.truncf %neg3A_1892 : vector<1x256xf32> to vector<1x256xbf16>
    %mul3A_1894 = vector.broadcast %convert_element_type3A_1893 : vector<1x256xbf16> to vector<128x256xbf16>
    %mul3A_1895 = arith.mulf %convert_element_type3A_1798, %mul3A_1894 : vector<128x256xbf16>
    %exp3A_1896 = math.exp %mul3A_1895 : vector<128x256xbf16>
    %slice3A_1897 = vector.extract_strided_slice %convert_element_type3A_1799 {offsets = [0, 12], sizes = [128, 1], strides = [1, 1]} : vector<128x40xbf16> to vector<128x1xbf16>
    %slice3A_1898 = vector.extract_strided_slice %convert_element_type3A_1799 {offsets = [0, 28], sizes = [128, 1], strides = [1, 1]} : vector<128x40xbf16> to vector<128x1xbf16>
    %mul3A_1899 = vector.broadcast %slice3A_1897 : vector<128x1xbf16> to vector<128x256xbf16>
    %mul3A_1900 = arith.mulf %convert_element_type3A_1797, %mul3A_1899 : vector<128x256xbf16>
    %mul3A_1901 = arith.mulf %add3A_1588, %exp3A_1896 : vector<128x256xbf16>
    %add3A_1902 = arith.addf %mul3A_1901, %mul3A_1900 : vector<128x256xbf16>
    %mul3A_1903 = vector.broadcast %slice3A_1898 : vector<128x1xbf16> to vector<128x256xbf16>
    %mul3A_1904 = arith.mulf %add3A_1902, %mul3A_1903 : vector<128x256xbf16>
    %convert_element_type3A_1905 = arith.extf %mul3A_1904 : vector<128x256xbf16> to vector<128x256xf32>
    %add3A_1906 = arith.addf %add3A_1885, %convert_element_type3A_1905 : vector<128x256xf32>
    %get3A_1907 = arith.constant 5 : index
    %get3A_1908 = arith.constant 0 : index
    %get3A_1909 = vector.load %arg15[%get3A_1907, %get3A_1908] : memref<16x256xf32, #tpu.memory_space<vmem>>, vector<1x256xf32>
    %exp3A_1910 = math.exp %get3A_1909 : vector<1x256xf32>
    %neg3A_1911 = arith.constant 0.000000e+00 : f32
    %neg3A_1912 = vector.broadcast %neg3A_1911 : f32 to vector<1x256xf32>
    %neg3A_1913 = arith.subf %neg3A_1912, %exp3A_1910 : vector<1x256xf32>
    %convert_element_type3A_1914 = arith.truncf %neg3A_1913 : vector<1x256xf32> to vector<1x256xbf16>
    %mul3A_1915 = vector.broadcast %convert_element_type3A_1914 : vector<1x256xbf16> to vector<128x256xbf16>
    %mul3A_1916 = arith.mulf %convert_element_type3A_1798, %mul3A_1915 : vector<128x256xbf16>
    %exp3A_1917 = math.exp %mul3A_1916 : vector<128x256xbf16>
    %slice3A_1918 = vector.extract_strided_slice %convert_element_type3A_1799 {offsets = [0, 13], sizes = [128, 1], strides = [1, 1]} : vector<128x40xbf16> to vector<128x1xbf16>
    %slice3A_1919 = vector.extract_strided_slice %convert_element_type3A_1799 {offsets = [0, 29], sizes = [128, 1], strides = [1, 1]} : vector<128x40xbf16> to vector<128x1xbf16>
    %mul3A_1920 = vector.broadcast %slice3A_1918 : vector<128x1xbf16> to vector<128x256xbf16>
    %mul3A_1921 = arith.mulf %convert_element_type3A_1797, %mul3A_1920 : vector<128x256xbf16>
    %mul3A_1922 = arith.mulf %add3A_1603, %exp3A_1917 : vector<128x256xbf16>
    %add3A_1923 = arith.addf %mul3A_1922, %mul3A_1921 : vector<128x256xbf16>
    %mul3A_1924 = vector.broadcast %slice3A_1919 : vector<128x1xbf16> to vector<128x256xbf16>
    %mul3A_1925 = arith.mulf %add3A_1923, %mul3A_1924 : vector<128x256xbf16>
    %convert_element_type3A_1926 = arith.extf %mul3A_1925 : vector<128x256xbf16> to vector<128x256xf32>
    %add3A_1927 = arith.addf %add3A_1906, %convert_element_type3A_1926 : vector<128x256xf32>
    %get3A_1928 = arith.constant 6 : index
    %get3A_1929 = arith.constant 0 : index
    %get3A_1930 = vector.load %arg15[%get3A_1928, %get3A_1929] : memref<16x256xf32, #tpu.memory_space<vmem>>, vector<1x256xf32>
    %exp3A_1931 = math.exp %get3A_1930 : vector<1x256xf32>
    %neg3A_1932 = arith.constant 0.000000e+00 : f32
    %neg3A_1933 = vector.broadcast %neg3A_1932 : f32 to vector<1x256xf32>
    %neg3A_1934 = arith.subf %neg3A_1933, %exp3A_1931 : vector<1x256xf32>
    %convert_element_type3A_1935 = arith.truncf %neg3A_1934 : vector<1x256xf32> to vector<1x256xbf16>
    %mul3A_1936 = vector.broadcast %convert_element_type3A_1935 : vector<1x256xbf16> to vector<128x256xbf16>
    %mul3A_1937 = arith.mulf %convert_element_type3A_1798, %mul3A_1936 : vector<128x256xbf16>
    %exp3A_1938 = math.exp %mul3A_1937 : vector<128x256xbf16>
    %slice3A_1939 = vector.extract_strided_slice %convert_element_type3A_1799 {offsets = [0, 14], sizes = [128, 1], strides = [1, 1]} : vector<128x40xbf16> to vector<128x1xbf16>
    %slice3A_1940 = vector.extract_strided_slice %convert_element_type3A_1799 {offsets = [0, 30], sizes = [128, 1], strides = [1, 1]} : vector<128x40xbf16> to vector<128x1xbf16>
    %mul3A_1941 = vector.broadcast %slice3A_1939 : vector<128x1xbf16> to vector<128x256xbf16>
    %mul3A_1942 = arith.mulf %convert_element_type3A_1797, %mul3A_1941 : vector<128x256xbf16>
    %mul3A_1943 = arith.mulf %add3A_1618, %exp3A_1938 : vector<128x256xbf16>
    %add3A_1944 = arith.addf %mul3A_1943, %mul3A_1942 : vector<128x256xbf16>
    %mul3A_1945 = vector.broadcast %slice3A_1940 : vector<128x1xbf16> to vector<128x256xbf16>
    %mul3A_1946 = arith.mulf %add3A_1944, %mul3A_1945 : vector<128x256xbf16>
    %convert_element_type3A_1947 = arith.extf %mul3A_1946 : vector<128x256xbf16> to vector<128x256xf32>
    %add3A_1948 = arith.addf %add3A_1927, %convert_element_type3A_1947 : vector<128x256xf32>
    %get3A_1949 = arith.constant 7 : index
    %get3A_1950 = arith.constant 0 : index
    %get3A_1951 = vector.load %arg15[%get3A_1949, %get3A_1950] : memref<16x256xf32, #tpu.memory_space<vmem>>, vector<1x256xf32>
    %exp3A_1952 = math.exp %get3A_1951 : vector<1x256xf32>
    %neg3A_1953 = arith.constant 0.000000e+00 : f32
    %neg3A_1954 = vector.broadcast %neg3A_1953 : f32 to vector<1x256xf32>
    %neg3A_1955 = arith.subf %neg3A_1954, %exp3A_1952 : vector<1x256xf32>
    %convert_element_type3A_1956 = arith.truncf %neg3A_1955 : vector<1x256xf32> to vector<1x256xbf16>
    %mul3A_1957 = vector.broadcast %convert_element_type3A_1956 : vector<1x256xbf16> to vector<128x256xbf16>
    %mul3A_1958 = arith.mulf %convert_element_type3A_1798, %mul3A_1957 : vector<128x256xbf16>
    %exp3A_1959 = math.exp %mul3A_1958 : vector<128x256xbf16>
    %slice3A_1960 = vector.extract_strided_slice %convert_element_type3A_1799 {offsets = [0, 15], sizes = [128, 1], strides = [1, 1]} : vector<128x40xbf16> to vector<128x1xbf16>
    %slice3A_1961 = vector.extract_strided_slice %convert_element_type3A_1799 {offsets = [0, 31], sizes = [128, 1], strides = [1, 1]} : vector<128x40xbf16> to vector<128x1xbf16>
    %mul3A_1962 = vector.broadcast %slice3A_1960 : vector<128x1xbf16> to vector<128x256xbf16>
    %mul3A_1963 = arith.mulf %convert_element_type3A_1797, %mul3A_1962 : vector<128x256xbf16>
    %mul3A_1964 = arith.mulf %add3A_1633, %exp3A_1959 : vector<128x256xbf16>
    %add3A_1965 = arith.addf %mul3A_1964, %mul3A_1963 : vector<128x256xbf16>
    %mul3A_1966 = vector.broadcast %slice3A_1961 : vector<128x1xbf16> to vector<128x256xbf16>
    %mul3A_1967 = arith.mulf %add3A_1965, %mul3A_1966 : vector<128x256xbf16>
    %convert_element_type3A_1968 = arith.extf %mul3A_1967 : vector<128x256xbf16> to vector<128x256xf32>
    %add3A_1969 = arith.addf %add3A_1948, %convert_element_type3A_1968 : vector<128x256xf32>
    %get3A_1970 = arith.constant 8 : index
    %get3A_1971 = arith.constant 0 : index
    %get3A_1972 = vector.load %arg15[%get3A_1970, %get3A_1971] : memref<16x256xf32, #tpu.memory_space<vmem>>, vector<1x256xf32>
    %exp3A_1973 = math.exp %get3A_1972 : vector<1x256xf32>
    %neg3A_1974 = arith.constant 0.000000e+00 : f32
    %neg3A_1975 = vector.broadcast %neg3A_1974 : f32 to vector<1x256xf32>
    %neg3A_1976 = arith.subf %neg3A_1975, %exp3A_1973 : vector<1x256xf32>
    %convert_element_type3A_1977 = arith.truncf %neg3A_1976 : vector<1x256xf32> to vector<1x256xbf16>
    %mul3A_1978 = vector.broadcast %convert_element_type3A_1977 : vector<1x256xbf16> to vector<128x256xbf16>
    %mul3A_1979 = arith.mulf %convert_element_type3A_1798, %mul3A_1978 : vector<128x256xbf16>
    %exp3A_1980 = math.exp %mul3A_1979 : vector<128x256xbf16>
    %slice3A_1981 = vector.extract_strided_slice %convert_element_type3A_1799 {offsets = [0, 16], sizes = [128, 1], strides = [1, 1]} : vector<128x40xbf16> to vector<128x1xbf16>
    %slice3A_1982 = vector.extract_strided_slice %convert_element_type3A_1799 {offsets = [0, 32], sizes = [128, 1], strides = [1, 1]} : vector<128x40xbf16> to vector<128x1xbf16>
    %mul3A_1983 = vector.broadcast %slice3A_1981 : vector<128x1xbf16> to vector<128x256xbf16>
    %mul3A_1984 = arith.mulf %convert_element_type3A_1797, %mul3A_1983 : vector<128x256xbf16>
    %mul3A_1985 = arith.mulf %add3A_1648, %exp3A_1980 : vector<128x256xbf16>
    %add3A_1986 = arith.addf %mul3A_1985, %mul3A_1984 : vector<128x256xbf16>
    %mul3A_1987 = vector.broadcast %slice3A_1982 : vector<128x1xbf16> to vector<128x256xbf16>
    %mul3A_1988 = arith.mulf %add3A_1986, %mul3A_1987 : vector<128x256xbf16>
    %convert_element_type3A_1989 = arith.extf %mul3A_1988 : vector<128x256xbf16> to vector<128x256xf32>
    %add3A_1990 = arith.addf %add3A_1969, %convert_element_type3A_1989 : vector<128x256xf32>
    %get3A_1991 = arith.constant 9 : index
    %get3A_1992 = arith.constant 0 : index
    %get3A_1993 = vector.load %arg15[%get3A_1991, %get3A_1992] : memref<16x256xf32, #tpu.memory_space<vmem>>, vector<1x256xf32>
    %exp3A_1994 = math.exp %get3A_1993 : vector<1x256xf32>
    %neg3A_1995 = arith.constant 0.000000e+00 : f32
    %neg3A_1996 = vector.broadcast %neg3A_1995 : f32 to vector<1x256xf32>
    %neg3A_1997 = arith.subf %neg3A_1996, %exp3A_1994 : vector<1x256xf32>
    %convert_element_type3A_1998 = arith.truncf %neg3A_1997 : vector<1x256xf32> to vector<1x256xbf16>
    %mul3A_1999 = vector.broadcast %convert_element_type3A_1998 : vector<1x256xbf16> to vector<128x256xbf16>
    %mul3A_2000 = arith.mulf %convert_element_type3A_1798, %mul3A_1999 : vector<128x256xbf16>
    %exp3A_2001 = math.exp %mul3A_2000 : vector<128x256xbf16>
    %slice3A_2002 = vector.extract_strided_slice %convert_element_type3A_1799 {offsets = [0, 17], sizes = [128, 1], strides = [1, 1]} : vector<128x40xbf16> to vector<128x1xbf16>
    %slice3A_2003 = vector.extract_strided_slice %convert_element_type3A_1799 {offsets = [0, 33], sizes = [128, 1], strides = [1, 1]} : vector<128x40xbf16> to vector<128x1xbf16>
    %mul3A_2004 = vector.broadcast %slice3A_2002 : vector<128x1xbf16> to vector<128x256xbf16>
    %mul3A_2005 = arith.mulf %convert_element_type3A_1797, %mul3A_2004 : vector<128x256xbf16>
    %mul3A_2006 = arith.mulf %add3A_1663, %exp3A_2001 : vector<128x256xbf16>
    %add3A_2007 = arith.addf %mul3A_2006, %mul3A_2005 : vector<128x256xbf16>
    %mul3A_2008 = vector.broadcast %slice3A_2003 : vector<128x1xbf16> to vector<128x256xbf16>
    %mul3A_2009 = arith.mulf %add3A_2007, %mul3A_2008 : vector<128x256xbf16>
    %convert_element_type3A_2010 = arith.extf %mul3A_2009 : vector<128x256xbf16> to vector<128x256xf32>
    %add3A_2011 = arith.addf %add3A_1990, %convert_element_type3A_2010 : vector<128x256xf32>
    %get3A_2012 = arith.constant 10 : index
    %get3A_2013 = arith.constant 0 : index
    %get3A_2014 = vector.load %arg15[%get3A_2012, %get3A_2013] : memref<16x256xf32, #tpu.memory_space<vmem>>, vector<1x256xf32>
    %exp3A_2015 = math.exp %get3A_2014 : vector<1x256xf32>
    %neg3A_2016 = arith.constant 0.000000e+00 : f32
    %neg3A_2017 = vector.broadcast %neg3A_2016 : f32 to vector<1x256xf32>
    %neg3A_2018 = arith.subf %neg3A_2017, %exp3A_2015 : vector<1x256xf32>
    %convert_element_type3A_2019 = arith.truncf %neg3A_2018 : vector<1x256xf32> to vector<1x256xbf16>
    %mul3A_2020 = vector.broadcast %convert_element_type3A_2019 : vector<1x256xbf16> to vector<128x256xbf16>
    %mul3A_2021 = arith.mulf %convert_element_type3A_1798, %mul3A_2020 : vector<128x256xbf16>
    %exp3A_2022 = math.exp %mul3A_2021 : vector<128x256xbf16>
    %slice3A_2023 = vector.extract_strided_slice %convert_element_type3A_1799 {offsets = [0, 18], sizes = [128, 1], strides = [1, 1]} : vector<128x40xbf16> to vector<128x1xbf16>
    %slice3A_2024 = vector.extract_strided_slice %convert_element_type3A_1799 {offsets = [0, 34], sizes = [128, 1], strides = [1, 1]} : vector<128x40xbf16> to vector<128x1xbf16>
    %mul3A_2025 = vector.broadcast %slice3A_2023 : vector<128x1xbf16> to vector<128x256xbf16>
    %mul3A_2026 = arith.mulf %convert_element_type3A_1797, %mul3A_2025 : vector<128x256xbf16>
    %mul3A_2027 = arith.mulf %add3A_1678, %exp3A_2022 : vector<128x256xbf16>
    %add3A_2028 = arith.addf %mul3A_2027, %mul3A_2026 : vector<128x256xbf16>
    %mul3A_2029 = vector.broadcast %slice3A_2024 : vector<128x1xbf16> to vector<128x256xbf16>
    %mul3A_2030 = arith.mulf %add3A_2028, %mul3A_2029 : vector<128x256xbf16>
    %convert_element_type3A_2031 = arith.extf %mul3A_2030 : vector<128x256xbf16> to vector<128x256xf32>
    %add3A_2032 = arith.addf %add3A_2011, %convert_element_type3A_2031 : vector<128x256xf32>
    %get3A_2033 = arith.constant 11 : index
    %get3A_2034 = arith.constant 0 : index
    %get3A_2035 = vector.load %arg15[%get3A_2033, %get3A_2034] : memref<16x256xf32, #tpu.memory_space<vmem>>, vector<1x256xf32>
    %exp3A_2036 = math.exp %get3A_2035 : vector<1x256xf32>
    %neg3A_2037 = arith.constant 0.000000e+00 : f32
    %neg3A_2038 = vector.broadcast %neg3A_2037 : f32 to vector<1x256xf32>
    %neg3A_2039 = arith.subf %neg3A_2038, %exp3A_2036 : vector<1x256xf32>
    %convert_element_type3A_2040 = arith.truncf %neg3A_2039 : vector<1x256xf32> to vector<1x256xbf16>
    %mul3A_2041 = vector.broadcast %convert_element_type3A_2040 : vector<1x256xbf16> to vector<128x256xbf16>
    %mul3A_2042 = arith.mulf %convert_element_type3A_1798, %mul3A_2041 : vector<128x256xbf16>
    %exp3A_2043 = math.exp %mul3A_2042 : vector<128x256xbf16>
    %slice3A_2044 = vector.extract_strided_slice %convert_element_type3A_1799 {offsets = [0, 19], sizes = [128, 1], strides = [1, 1]} : vector<128x40xbf16> to vector<128x1xbf16>
    %slice3A_2045 = vector.extract_strided_slice %convert_element_type3A_1799 {offsets = [0, 35], sizes = [128, 1], strides = [1, 1]} : vector<128x40xbf16> to vector<128x1xbf16>
    %mul3A_2046 = vector.broadcast %slice3A_2044 : vector<128x1xbf16> to vector<128x256xbf16>
    %mul3A_2047 = arith.mulf %convert_element_type3A_1797, %mul3A_2046 : vector<128x256xbf16>
    %mul3A_2048 = arith.mulf %add3A_1693, %exp3A_2043 : vector<128x256xbf16>
    %add3A_2049 = arith.addf %mul3A_2048, %mul3A_2047 : vector<128x256xbf16>
    %mul3A_2050 = vector.broadcast %slice3A_2045 : vector<128x1xbf16> to vector<128x256xbf16>
    %mul3A_2051 = arith.mulf %add3A_2049, %mul3A_2050 : vector<128x256xbf16>
    %convert_element_type3A_2052 = arith.extf %mul3A_2051 : vector<128x256xbf16> to vector<128x256xf32>
    %add3A_2053 = arith.addf %add3A_2032, %convert_element_type3A_2052 : vector<128x256xf32>
    %get3A_2054 = arith.constant 12 : index
    %get3A_2055 = arith.constant 0 : index
    %get3A_2056 = vector.load %arg15[%get3A_2054, %get3A_2055] : memref<16x256xf32, #tpu.memory_space<vmem>>, vector<1x256xf32>
    %exp3A_2057 = math.exp %get3A_2056 : vector<1x256xf32>
    %neg3A_2058 = arith.constant 0.000000e+00 : f32
    %neg3A_2059 = vector.broadcast %neg3A_2058 : f32 to vector<1x256xf32>
    %neg3A_2060 = arith.subf %neg3A_2059, %exp3A_2057 : vector<1x256xf32>
    %convert_element_type3A_2061 = arith.truncf %neg3A_2060 : vector<1x256xf32> to vector<1x256xbf16>
    %mul3A_2062 = vector.broadcast %convert_element_type3A_2061 : vector<1x256xbf16> to vector<128x256xbf16>
    %mul3A_2063 = arith.mulf %convert_element_type3A_1798, %mul3A_2062 : vector<128x256xbf16>
    %exp3A_2064 = math.exp %mul3A_2063 : vector<128x256xbf16>
    %slice3A_2065 = vector.extract_strided_slice %convert_element_type3A_1799 {offsets = [0, 20], sizes = [128, 1], strides = [1, 1]} : vector<128x40xbf16> to vector<128x1xbf16>
    %slice3A_2066 = vector.extract_strided_slice %convert_element_type3A_1799 {offsets = [0, 36], sizes = [128, 1], strides = [1, 1]} : vector<128x40xbf16> to vector<128x1xbf16>
    %mul3A_2067 = vector.broadcast %slice3A_2065 : vector<128x1xbf16> to vector<128x256xbf16>
    %mul3A_2068 = arith.mulf %convert_element_type3A_1797, %mul3A_2067 : vector<128x256xbf16>
    %mul3A_2069 = arith.mulf %add3A_1708, %exp3A_2064 : vector<128x256xbf16>
    %add3A_2070 = arith.addf %mul3A_2069, %mul3A_2068 : vector<128x256xbf16>
    %mul3A_2071 = vector.broadcast %slice3A_2066 : vector<128x1xbf16> to vector<128x256xbf16>
    %mul3A_2072 = arith.mulf %add3A_2070, %mul3A_2071 : vector<128x256xbf16>
    %convert_element_type3A_2073 = arith.extf %mul3A_2072 : vector<128x256xbf16> to vector<128x256xf32>
    %add3A_2074 = arith.addf %add3A_2053, %convert_element_type3A_2073 : vector<128x256xf32>
    %get3A_2075 = arith.constant 13 : index
    %get3A_2076 = arith.constant 0 : index
    %get3A_2077 = vector.load %arg15[%get3A_2075, %get3A_2076] : memref<16x256xf32, #tpu.memory_space<vmem>>, vector<1x256xf32>
    %exp3A_2078 = math.exp %get3A_2077 : vector<1x256xf32>
    %neg3A_2079 = arith.constant 0.000000e+00 : f32
    %neg3A_2080 = vector.broadcast %neg3A_2079 : f32 to vector<1x256xf32>
    %neg3A_2081 = arith.subf %neg3A_2080, %exp3A_2078 : vector<1x256xf32>
    %convert_element_type3A_2082 = arith.truncf %neg3A_2081 : vector<1x256xf32> to vector<1x256xbf16>
    %mul3A_2083 = vector.broadcast %convert_element_type3A_2082 : vector<1x256xbf16> to vector<128x256xbf16>
    %mul3A_2084 = arith.mulf %convert_element_type3A_1798, %mul3A_2083 : vector<128x256xbf16>
    %exp3A_2085 = math.exp %mul3A_2084 : vector<128x256xbf16>
    %slice3A_2086 = vector.extract_strided_slice %convert_element_type3A_1799 {offsets = [0, 21], sizes = [128, 1], strides = [1, 1]} : vector<128x40xbf16> to vector<128x1xbf16>
    %slice3A_2087 = vector.extract_strided_slice %convert_element_type3A_1799 {offsets = [0, 37], sizes = [128, 1], strides = [1, 1]} : vector<128x40xbf16> to vector<128x1xbf16>
    %mul3A_2088 = vector.broadcast %slice3A_2086 : vector<128x1xbf16> to vector<128x256xbf16>
    %mul3A_2089 = arith.mulf %convert_element_type3A_1797, %mul3A_2088 : vector<128x256xbf16>
    %mul3A_2090 = arith.mulf %add3A_1723, %exp3A_2085 : vector<128x256xbf16>
    %add3A_2091 = arith.addf %mul3A_2090, %mul3A_2089 : vector<128x256xbf16>
    %mul3A_2092 = vector.broadcast %slice3A_2087 : vector<128x1xbf16> to vector<128x256xbf16>
    %mul3A_2093 = arith.mulf %add3A_2091, %mul3A_2092 : vector<128x256xbf16>
    %convert_element_type3A_2094 = arith.extf %mul3A_2093 : vector<128x256xbf16> to vector<128x256xf32>
    %add3A_2095 = arith.addf %add3A_2074, %convert_element_type3A_2094 : vector<128x256xf32>
    %get3A_2096 = arith.constant 14 : index
    %get3A_2097 = arith.constant 0 : index
    %get3A_2098 = vector.load %arg15[%get3A_2096, %get3A_2097] : memref<16x256xf32, #tpu.memory_space<vmem>>, vector<1x256xf32>
    %exp3A_2099 = math.exp %get3A_2098 : vector<1x256xf32>
    %neg3A_2100 = arith.constant 0.000000e+00 : f32
    %neg3A_2101 = vector.broadcast %neg3A_2100 : f32 to vector<1x256xf32>
    %neg3A_2102 = arith.subf %neg3A_2101, %exp3A_2099 : vector<1x256xf32>
    %convert_element_type3A_2103 = arith.truncf %neg3A_2102 : vector<1x256xf32> to vector<1x256xbf16>
    %mul3A_2104 = vector.broadcast %convert_element_type3A_2103 : vector<1x256xbf16> to vector<128x256xbf16>
    %mul3A_2105 = arith.mulf %convert_element_type3A_1798, %mul3A_2104 : vector<128x256xbf16>
    %exp3A_2106 = math.exp %mul3A_2105 : vector<128x256xbf16>
    %slice3A_2107 = vector.extract_strided_slice %convert_element_type3A_1799 {offsets = [0, 22], sizes = [128, 1], strides = [1, 1]} : vector<128x40xbf16> to vector<128x1xbf16>
    %slice3A_2108 = vector.extract_strided_slice %convert_element_type3A_1799 {offsets = [0, 38], sizes = [128, 1], strides = [1, 1]} : vector<128x40xbf16> to vector<128x1xbf16>
    %mul3A_2109 = vector.broadcast %slice3A_2107 : vector<128x1xbf16> to vector<128x256xbf16>
    %mul3A_2110 = arith.mulf %convert_element_type3A_1797, %mul3A_2109 : vector<128x256xbf16>
    %mul3A_2111 = arith.mulf %add3A_1738, %exp3A_2106 : vector<128x256xbf16>
    %add3A_2112 = arith.addf %mul3A_2111, %mul3A_2110 : vector<128x256xbf16>
    %mul3A_2113 = vector.broadcast %slice3A_2108 : vector<128x1xbf16> to vector<128x256xbf16>
    %mul3A_2114 = arith.mulf %add3A_2112, %mul3A_2113 : vector<128x256xbf16>
    %convert_element_type3A_2115 = arith.extf %mul3A_2114 : vector<128x256xbf16> to vector<128x256xf32>
    %add3A_2116 = arith.addf %add3A_2095, %convert_element_type3A_2115 : vector<128x256xf32>
    %get3A_2117 = arith.constant 15 : index
    %get3A_2118 = arith.constant 0 : index
    %get3A_2119 = vector.load %arg15[%get3A_2117, %get3A_2118] : memref<16x256xf32, #tpu.memory_space<vmem>>, vector<1x256xf32>
    %exp3A_2120 = math.exp %get3A_2119 : vector<1x256xf32>
    %neg3A_2121 = arith.constant 0.000000e+00 : f32
    %neg3A_2122 = vector.broadcast %neg3A_2121 : f32 to vector<1x256xf32>
    %neg3A_2123 = arith.subf %neg3A_2122, %exp3A_2120 : vector<1x256xf32>
    %convert_element_type3A_2124 = arith.truncf %neg3A_2123 : vector<1x256xf32> to vector<1x256xbf16>
    %mul3A_2125 = vector.broadcast %convert_element_type3A_2124 : vector<1x256xbf16> to vector<128x256xbf16>
    %mul3A_2126 = arith.mulf %convert_element_type3A_1798, %mul3A_2125 : vector<128x256xbf16>
    %exp3A_2127 = math.exp %mul3A_2126 : vector<128x256xbf16>
    %slice3A_2128 = vector.extract_strided_slice %convert_element_type3A_1799 {offsets = [0, 23], sizes = [128, 1], strides = [1, 1]} : vector<128x40xbf16> to vector<128x1xbf16>
    %slice3A_2129 = vector.extract_strided_slice %convert_element_type3A_1799 {offsets = [0, 39], sizes = [128, 1], strides = [1, 1]} : vector<128x40xbf16> to vector<128x1xbf16>
    %mul3A_2130 = vector.broadcast %slice3A_2128 : vector<128x1xbf16> to vector<128x256xbf16>
    %mul3A_2131 = arith.mulf %convert_element_type3A_1797, %mul3A_2130 : vector<128x256xbf16>
    %mul3A_2132 = arith.mulf %add3A_1753, %exp3A_2127 : vector<128x256xbf16>
    %add3A_2133 = arith.addf %mul3A_2132, %mul3A_2131 : vector<128x256xbf16>
    %mul3A_2134 = vector.broadcast %slice3A_2129 : vector<128x1xbf16> to vector<128x256xbf16>
    %mul3A_2135 = arith.mulf %add3A_2133, %mul3A_2134 : vector<128x256xbf16>
    %convert_element_type3A_2136 = arith.extf %mul3A_2135 : vector<128x256xbf16> to vector<128x256xf32>
    %add3A_2137 = arith.addf %add3A_2116, %convert_element_type3A_2136 : vector<128x256xf32>
    %logistic3A_2138 = arith.negf %dot_general3A_1772 : vector<128x256xf32>
    %logistic3A_2139 = math.exp %logistic3A_2138 : vector<128x256xf32>
    %logistic3A_2140 = arith.constant 1.000000e+00 : f32
    %logistic3A_2141 = vector.broadcast %logistic3A_2140 : f32 to vector<128x256xf32>
    %logistic3A_2142 = arith.addf %logistic3A_2141, %logistic3A_2139 : vector<128x256xf32>
    %logistic3A_2143 = arith.divf %logistic3A_2141, %logistic3A_2142 : vector<128x256xf32>
    %mul3A_2144 = arith.mulf %dot_general3A_1772, %logistic3A_2143 : vector<128x256xf32>
    %mul3A_2145 = arith.mulf %add3A_2137, %mul3A_2144 : vector<128x256xf32>
    %get3A_2146 = arith.constant 0 : index
    %get3A_2147 = arith.constant 0 : index
    %get3A_2148 = vector.load %arg18[%get3A_2146, %get3A_2147] : memref<128x256xf32, #tpu.memory_space<vmem>>, vector<128x256xf32>
    %dot_general3A_2149 = arith.constant dense<0.000000e+00> : vector<128x128xf32>
    %dot_general3A_2150 = tpu.matmul %mul3A_2145, %get3A_2148, %dot_general3A_2149 {dimension_numbers = #tpu.dot_dimension_numbers<[1], [1], [0], [0], [0, 0, 1, 0], [], []>, transpose_lhs_hint = false} : vector<128x256xf32>, vector<128x256xf32>, vector<128x128xf32> -> vector<128x128xf32>
    %swap3A_2151 = arith.constant 0 : index
    %swap3A_2152 = arith.constant 1792 : index
    %swap3A_2153 = arith.constant 0 : index
    %swap3A_2154 = vector.load %arg19[%swap3A_2151, %swap3A_2152, %swap3A_2153] : memref<1x2048x128xf32, #tpu.memory_space<vmem>>, vector<1x128x128xf32>
    %swap3A_2155 = vector.shape_cast %swap3A_2154 : vector<1x128x128xf32> to vector<128x128xf32>
    %swap3A_2156 = vector.shape_cast %dot_general3A_2150 : vector<128x128xf32> to vector<1x128x128xf32>
    tpu.vector_store %arg19[%swap3A_2151, %swap3A_2152, %swap3A_2153], %swap3A_2156 {strides = array<i32>} : memref<1x2048x128xf32, #tpu.memory_space<vmem>>, vector<1x128x128xf32>,
    %broadcast_in_dim3A = arith.constant 0.000000e+00 : f32
    %broadcast_in_dim3A_2157 = vector.broadcast %broadcast_in_dim3A : f32 to vector<128x128xf32>
    %swap3A_2158 = arith.constant 0 : index
    %swap3A_2159 = arith.constant 1920 : index
    %swap3A_2160 = arith.constant 0 : index
    %swap3A_2161 = vector.load %arg19[%swap3A_2158, %swap3A_2159, %swap3A_2160] : memref<1x2048x128xf32, #tpu.memory_space<vmem>>, vector<1x128x128xf32>
    %swap3A_2162 = vector.shape_cast %swap3A_2161 : vector<1x128x128xf32> to vector<128x128xf32>
    %swap3A_2163 = vector.shape_cast %broadcast_in_dim3A_2157 : vector<128x128xf32> to vector<1x128x128xf32>
    tpu.vector_store %arg19[%swap3A_2158, %swap3A_2159, %swap3A_2160], %swap3A_2163 {strides = array<i32>} : memref<1x2048x128xf32, #tpu.memory_space<vmem>>, vector<1x128x128xf32>,
    return
  }
  func.func @transform_0(%arg0: i32) -> (i32, i32, i32) {
    %c0_i32 = arith.constant 0 : i32
    %c0_i32_0 = arith.constant 0 : i32
    %c0_i32_1 = arith.constant 0 : i32
    return %arg0, %c0_i32, %c0_i32_0 : i32, i32, i32
  }
  func.func @transform_1(%arg0: i32) -> (i32, i32, i32) {
    %c2_i32 = arith.constant 2 : i32
    %c0_i32 = arith.constant 0 : i32
    %c0_i32_0 = arith.constant 0 : i32
    return %arg0, %c2_i32, %c0_i32 : i32, i32, i32
  }
  func.func @transform_2(%arg0: i32) -> (i32, i32, i32) {
    %c6_i32 = arith.constant 6 : i32
    %c0_i32 = arith.constant 0 : i32
    %c0_i32_0 = arith.constant 0 : i32
    return %arg0, %c6_i32, %c0_i32 : i32, i32, i32
  }
  func.func @transform_3(%arg0: i32) -> (i32, i32, i32) {
    %c14_i32 = arith.constant 14 : i32
    %c0_i32 = arith.constant 0 : i32
    %c0_i32_0 = arith.constant 0 : i32
    return %arg0, %c14_i32, %c0_i32 : i32, i32, i32
  }
  func.func @transform_4(%arg0: i32) -> (i32, i32, i32) {
    %c0_i32 = arith.constant 0 : i32
    %c0_i32_0 = arith.constant 0 : i32
    %c0_i32_1 = arith.constant 0 : i32
    return %arg0, %c0_i32, %c0_i32_0 : i32, i32, i32
  }
  func.func @transform_5(%arg0: i32) -> (i32, i32, i32) {
    %c2_i32 = arith.constant 2 : i32
    %c0_i32 = arith.constant 0 : i32
    %c0_i32_0 = arith.constant 0 : i32
    return %arg0, %c2_i32, %c0_i32 : i32, i32, i32
  }
  func.func @transform_6(%arg0: i32) -> (i32, i32, i32) {
    %c6_i32 = arith.constant 6 : i32
    %c0_i32 = arith.constant 0 : i32
    %c0_i32_0 = arith.constant 0 : i32
    return %arg0, %c6_i32, %c0_i32 : i32, i32, i32
  }
  func.func @transform_7(%arg0: i32) -> (i32, i32, i32) {
    %c14_i32 = arith.constant 14 : i32
    %c0_i32 = arith.constant 0 : i32
    %c0_i32_0 = arith.constant 0 : i32
    return %arg0, %c14_i32, %c0_i32 : i32, i32, i32
  }
  func.func @transform_8(%arg0: i32) -> (i32, i32) {
    %c0_i32 = arith.constant 0 : i32
    %c0_i32_0 = arith.constant 0 : i32
    %c0_i32_1 = arith.constant 0 : i32
    return %c0_i32, %c0_i32_0 : i32, i32
  }
  func.func @transform_9(%arg0: i32) -> (i32, i32) {
    %c0_i32 = arith.constant 0 : i32
    %c0_i32_0 = arith.constant 0 : i32
    %c0_i32_1 = arith.constant 0 : i32
    return %c0_i32, %c0_i32_0 : i32, i32
  }
  func.func @transform_10(%arg0: i32) -> (i32, i32) {
    %c0_i32 = arith.constant 0 : i32
    %c0_i32_0 = arith.constant 0 : i32
    %c0_i32_1 = arith.constant 0 : i32
    return %c0_i32, %c0_i32_0 : i32, i32
  }
  func.func @transform_11(%arg0: i32) -> (i32, i32) {
    %c0_i32 = arith.constant 0 : i32
    %c0_i32_0 = arith.constant 0 : i32
    %c0_i32_1 = arith.constant 0 : i32
    return %c0_i32, %c0_i32_0 : i32, i32
  }
  func.func @transform_12(%arg0: i32) -> (i32, i32) {
    %c0_i32 = arith.constant 0 : i32
    %c0_i32_0 = arith.constant 0 : i32
    %c0_i32_1 = arith.constant 0 : i32
    return %c0_i32, %c0_i32_0 : i32, i32
  }
  func.func @transform_13(%arg0: i32) -> (i32, i32) {
    %c0_i32 = arith.constant 0 : i32
    %c0_i32_0 = arith.constant 0 : i32
    %c0_i32_1 = arith.constant 0 : i32
    return %c0_i32, %c0_i32_0 : i32, i32
  }
  func.func @transform_14(%arg0: i32) -> (i32, i32) {
    %c0_i32 = arith.constant 0 : i32
    %c0_i32_0 = arith.constant 0 : i32
    %c0_i32_1 = arith.constant 0 : i32
    return %c0_i32, %c0_i32_0 : i32, i32
  }
  func.func @transform_15(%arg0: i32) -> (i32, i32) {
    %c0_i32 = arith.constant 0 : i32
    %c0_i32_0 = arith.constant 0 : i32
    %c0_i32_1 = arith.constant 0 : i32
    return %c0_i32, %c0_i32_0 : i32, i32
  }
  func.func @transform_16(%arg0: i32) -> (i32, i32) {
    %c0_i32 = arith.constant 0 : i32
    %c0_i32_0 = arith.constant 0 : i32
    %c0_i32_1 = arith.constant 0 : i32
    return %c0_i32, %c0_i32_0 : i32, i32
  }
  func.func @transform_17(%arg0: i32) -> (i32, i32) {
    %c0_i32 = arith.constant 0 : i32
    %c0_i32_0 = arith.constant 0 : i32
    %c0_i32_1 = arith.constant 0 : i32
    return %c0_i32, %c0_i32_0 : i32, i32
  }
  func.func @transform_18(%arg0: i32) -> (i32, i32, i32) {
    %c0_i32 = arith.constant 0 : i32
    %c0_i32_0 = arith.constant 0 : i32
    %c0_i32_1 = arith.constant 0 : i32
    return %arg0, %c0_i32, %c0_i32_0 : i32, i32, i32
  }
}

</mosaic_0001>

<sc_bundles>
// kernel: kernel.4.cloned.1.call-start
scs
__scs_entry_jumppad:
0x0: {  	(pc) =	sbr.rel $0x88, $3  }
0x1: {  	(tag) =	ssettag $0x0;
	lr =	simm.s32 $0x1  }
0x2: {  	[smem:$0x3F95] =	sst lr;
	_ =	strace $0xD0000000  }
0x3: {  	_ = 	snop  }
0x4: {  	_ = 	snop  }
0x5: {  	_ = 	snop  }
0x6: {  	_ = 	snop  }
0x7: {  	_ = 	snop  }
__scs_overlays_trampoline_lowered:
0x8: {  	[smem:$0x3FA4] =	sst s0  }
0x9: {  	[smem:$0x3FA5] =	sst s1  }
0xa: {  	[smem:$0x3FA6] =	sst s2  }
0xb: {  	[smem:$0x3FA7] =	sst s3  }
0xc: {  	[smem:$0x3FA8] =	sst s4  }
0xd: {  	[smem:$0x3FA9] =	sst s5  }
0xe: {  	[smem:$0x3FAA] =	sst s6  }
0xf: {  	[smem:$0x3FAB] =	sst s7  }
0x10: {  	[smem:$0x3FAC] =	sst s8  }
0x11: {  	[smem:$0x3FAD] =	sst s9;
	s0 =	simm.s32 @!p0 $0x0  }
0x12: {  	s1 =	sld [smem:$0x3F93];
	s0 =	simm.s32 @p0 $0x1  }
0x13: {  	[smem:$0x3FAE] =	sst s0;
	s0 =	simm.s32 @!p1 $0x0  }
0x14: {  	s2 =	sld [smem:$0x3F92];
	s0 =	simm.s32 @p1 $0x1  }
0x15: {  	[smem:$0x3FAF] =	sst s0;
	s0 =	simm.s32 @!p2 $0x0  }
0x16: {  	s3 =	sld [smem:$0x3FDB];
	s0 =	simm.s32 @p2 $0x1  }
0x17: {  	s4 =	simm.s32 $0x1BF5;
	[smem:$0x3FB1] =	sst s0  }
0x18: {  	s0 =	sld [smem:$0x3F94];
	_ =	swait.ge [sflag:s4], $0x0  }
0x19: {  	s7 =	sld [smem:$0x3F95]  }
0x1a: {  	s8 =	sadd.s32 $0xFFFFE003, lr  }
0x1b: {  	s9 =	sadd.s32 $0xFFFFFEF7, lr;
	s5 =	simm.s32 $0xFFFFFFFF;
	p2 =	slt.u32 s8, $0xFFFFF086  }
0x1c: {  	p1 =	slt.u32 s9, $0xF7A;
	s5 =	simm.s32 @!p2 $0x0  }
0x1d: {  	s5 =	simm.s32 @p1 $0x1;
	p0 =	seq.s32 s7, s2  }
0x1e: {  	s7 =	smul.u32 @!p0 $0xF7A, s2;
	p2 =	seq.s32 @!p0 s5, $0x0  }
0x1f: {  	s9 =	smul.u32 $0xF7A, s1;
	s8 =	simm.s32 @!p0 $0x1BF5;
	p2 =	por !p2, p0  }
0x20: {  	[sflag:s8] =	ssyncset.s32 @!p0 $0xFFFFF086;
	s6 =	sadd.s32 @!p0 s3, s7;
	s7 =	simm.s32 @!p0 $0x108  }
0x21: {  	s3 =	sadd.s32 s3, s9;
	s6 =	sadd.s32 @!p0 $0x88, s6;
	s7 =	simm.s32 @p2 $0x1082  }
0x22: {  	[simem:s7], [sflag:s8] =	dma.local @!p0 [hbm:s6], $0xF7A  }
0x23: {  	s9 =	sor.u32 $0xD0000000, s2;
	s6 =	simm.s32 $0x108;
	_ =	swait.ge @!p0 [sflag:s8], $0x0  }
0x24: {  	s3 =	sadd.s32 $0x88, s3;
	s6 =	simm.s32 @!p1 $0x1082;
	[sflag:s4] =	ssyncset.s32 $0xFFFFF086  }
0x25: {  	[simem:s6], [sflag:s4] =	dma.local [hbm:s3], $0xF7A  }
0x26: {  	[smem:$0x3F95] =	sst s1;
	(tag) =	ssettag s2;
	_ =	strace s9  }
0x27: {  	s1 =	sld [smem:$0x3FA5]  }
0x28: {  	s2 =	sld [smem:$0x3FA6]  }
0x29: {  	s4 =	sld [smem:$0x3FA8]  }
0x2a: {  	p0 =	seq.s32 s5, $0x0;
	s5 =	sld [smem:$0x3FA9]  }
0x2b: {  	s6 =	sld [smem:$0x3FAA]  }
0x2c: {  	s7 =	sld [smem:$0x3FAB]  }
0x2d: {  	s3 =	simm.s32 $0x108;
	s8 =	sld [smem:$0x3FAC]  }
0x2e: {  	s3 =	simm.s32 @!p0 $0x1082;
	s9 =	sld [smem:$0x3FAD]  }
0x2f: {  	lr =	sadd.s32 s0, s3;
	s0 =	sld [smem:$0x3FA4]  }
0x30: {  	s3 =	sld [smem:$0x3FA7]  }
0x31: {  	[smem:$0x3FB0] =	sst s10  }
0x32: {  	s10 =	sld [smem:$0x3FAE];
	_ =	sdelay $0x3  }
0x33: {  	p0 =	seq.s32 s10, $0x1;
	s10 =	sld [smem:$0x3FB0];
	_ =	sdelay $0x3  }
0x34: {  	[smem:$0x3FB0] =	sst s10  }
0x35: {  	s10 =	sld [smem:$0x3FAF];
	_ =	sdelay $0x3  }
0x36: {  	p1 =	seq.s32 s10, $0x1;
	s10 =	sld [smem:$0x3FB0];
	_ =	sdelay $0x3  }
0x37: {  	[smem:$0x3FB0] =	sst s10  }
0x38: {  	s10 =	sld [smem:$0x3FB1]  }
0x39: {  	_ = 	snop;
	(pc) =	sbr.ind lr, $3  }
0x3a: {  	_ = 	snop  }
0x3b: {  	_ = 	snop  }
0x3c: {  	p2 =	seq.s32 s10, $0x1;
	s10 =	sld [smem:$0x3FB0]  }
0x3d: {  	_ =	shalt  }
0x3e: {  	_ =	shalt  }
0x3f: {  	_ =	shalt  }
0x40: {  	_ =	shalt  }
0x41: {  	_ =	shalt  }
0x42: {  	_ =	shalt  }
0x43: {  	_ =	shalt  }
0x44: {  	_ =	shalt  }
0x45: {  	_ =	shalt  }
0x46: {  	_ =	shalt  }
0x47: {  	_ =	shalt  }
0x48: {  	_ =	shalt  }
0x49: {  	_ =	shalt  }
0x4a: {  	_ =	shalt  }
0x4b: {  	_ =	shalt  }
0x4c: {  	_ =	shalt  }
0x4d: {  	_ =	shalt  }
0x4e: {  	_ =	shalt  }
0x4f: {  	_ =	shalt  }
0x50: {  	_ =	shalt  }
0x51: {  	_ =	shalt  }
0x52: {  	_ =	shalt  }
0x53: {  	_ =	shalt  }
0x54: {  	_ =	shalt  }
0x55: {  	_ =	shalt  }
0x56: {  	_ =	shalt  }
0x57: {  	_ =	shalt  }
0x58: {  	_ =	shalt  }
0x59: {  	_ =	shalt  }
0x5a: {  	_ =	shalt  }
0x5b: {  	_ =	shalt  }
0x5c: {  	_ =	shalt  }
0x5d: {  	_ =	shalt  }
0x5e: {  	_ =	shalt  }
0x5f: {  	_ =	shalt  }
0x60: {  	_ =	shalt  }
0x61: {  	_ =	shalt  }
0x62: {  	_ =	shalt  }
0x63: {  	_ =	shalt  }
0x64: {  	_ =	shalt  }
0x65: {  	_ =	shalt  }
0x66: {  	_ =	shalt  }
0x67: {  	_ =	shalt  }
0x68: {  	_ =	shalt  }
0x69: {  	_ =	shalt  }
0x6a: {  	_ =	shalt  }
0x6b: {  	_ =	shalt  }
0x6c: {  	_ =	shalt  }
0x6d: {  	_ =	shalt  }
0x6e: {  	_ =	shalt  }
0x6f: {  	_ =	shalt  }
0x70: {  	_ =	shalt  }
0x71: {  	_ =	shalt  }
0x72: {  	_ =	shalt  }
0x73: {  	_ =	shalt  }
0x74: {  	_ =	shalt  }
0x75: {  	_ =	shalt  }
0x76: {  	_ =	shalt  }
0x77: {  	_ =	shalt  }
0x78: {  	_ =	shalt  }
0x79: {  	_ =	shalt  }
0x7a: {  	_ =	shalt  }
0x7b: {  	_ =	shalt  }
0x7c: {  	_ =	shalt  }
0x7d: {  	_ =	shalt  }
0x7e: {  	_ =	shalt  }
0x7f: {  	_ =	shalt  }
0x80: {  	_ =	shalt  }
0x81: {  	_ =	shalt  }
0x82: {  	_ =	shalt  }
0x83: {  	_ =	shalt  }
0x84: {  	_ =	shalt  }
0x85: {  	_ =	shalt  }
0x86: {  	_ =	shalt  }
0x87: {  	_ =	shalt  }
.Lfunc_end0:
.L_simem_size_0:
called_computation_lowered:
.L_overlay_start_0:
0x88: {  	s2 =	sld [smem:$0x3FD9]  }
0x89: {  	s3 =	sld [smem:$0x3FFE];
	_ =	sdelay $0x1  }
0x8a: {  	s1 =	srdreg.scid  }
0x8b: {  	s0 =	sand.u32 $0x1, s1  }
0x8c: {  	s17 =	sshll.u32 s0, $0xA;
	s2 =	sadd.s32 s3, s2  }
0x8d: {  	s2 =	sadd.s32 s2, s17  }
0x8e: {  	[smem:$0x3FBC] =	sst s2  }
0x8f: {  	_ = 	snop  }
0x90: {  	s2 =	sld [smem:$0x3FD0];
	(tm) =	ssettm $0x1  }
0x91: {  	s18 =	sld [smem:$0x3FFB];
	_ =	sdelay $0x3  }
0x92: {  	_ =	strace s18  }
0x93: {  	s3 =	sld [smem:$0x3FFC];
	_ =	sdelay $0x3  }
0x94: {  	_ =	strace s3  }
0x95: {  	s3 =	sld [smem:$0x3FFD];
	_ =	sdelay $0x3  }
0x96: {  	_ =	strace s3  }
0x97: {  	_ =	strace $0x8FFFFFFF  }
0x98: {  	s19 =	sld [smem:$0x3FDB];
	_ =	sdelay $0x1  }
0x99: {  	s4 =	simm.s32 $_scs_section_size  }
0x9a: {  	s5 =	simm.s32 $_size__tile_overlayer_lowered;
	s6 =	simm.s32 $_tile_overlayer_lowered  }
0x9b: {  	s22 =	simm.s32 $0x1BFF;
	s21 =	sshll.u32 s6, $0x1;
	s3 =	sadd.s32 s4, s19  }
0x9c: {  	s7 =	simm.s32 $0x0;
	s20 =	sshll.u32 s5, $0x1;
	s5 =	sadd.s32 s21, s3  }
0x9d: {  	[timem:s7], [sflag:s22] =	dma.local [hbm:s5], s20  }
0x9e: {  	_ =	swait.ge [sflag:s22], s20  }
0x9f: {  	s4 =	ssub.s32 $0x0, s20;
	[sflag:s22] =	ssyncset.done $0x0  }
0xa0: {  	[sflag:s22] =	ssyncadd.s32 s4;
	_ =	sdelay $0x1  }
0xa1: {  	s23 =	simm.s32 $0x1B8B  }
0xa2: {  	_ =	swait.ge [sflag:s23], $0x1  }
0xa3: {  	[sflag:s23] =	ssyncset.done $0x0  }
0xa4: {  	s25 =	simm.s32 $0x1B8E;
	s24 =	sld [smem:$0x3FFE];
	[sflag:s23] =	ssyncadd.s32 $0xFFFFFFFF  }
0xa5: {  	s26 =	simm.s32 $execute0_lowered;
	[smem:$0x3FD2] =	sst s25  }
0xa6: {  	s5 =	sshll.u32 s26, $0x1;
	_ =	strace $0x80000046;
	[dreg:$0x1] =	wrdreg $0xFFFFFFFF  }
0xa7: {  	s28 =	simm.s32 $_size_execute0_lowered;
	s3 =	sadd.s32 s3, s5;
	[dreg:$0x0] =	wrdreg $0x0  }
0xa8: {  	s5 =	sshll.u32 s28, $0x1;
	[dreg:$0x2] =	wrdreg s3  }
0xa9: {  	[dreg:$0x3] =	wrdreg s5  }
0xaa: {  	[dreg:$0x4] =	wrdreg $0xC0  }
0xab: {  	_ =	task [dreg:s7], $0x5FFFF  }
0xac: {  	[dreg:$0x1] =	wrdreg $0xFFFFFFFF  }
0xad: {  	[dreg:$0x0] =	wrdreg $0x60  }
0xae: {  	[dreg:$0x2] =	wrdreg s24  }
0xaf: {  	[dreg:$0x3] =	wrdreg s2  }
0xb0: {  	[dreg:$0x4] =	wrdreg $0x9  }
0xb1: {  	_ =	task.clear_ibuf [dreg:s7], $0x5FFFF;
	_ =	strace $0x90000046  }
0xb2: {  	s29 =	simm.s32 $0x9;
	_ =	strace $0x8000004F  }
0xb3: {  	_ =	swait.ge [sflag:s29], $0x1  }
0xb4: {  	[sflag:s29] =	ssyncadd.s32 $0xFFFFFFFF  }
0xb5: {  	_ =	strace $0x9000004F  }
0xb6: {  	_ =	sfence  }
0xb7: {  	s30 =	sld [smem:$0x0];
	_ =	sdelay $0x2  }
0xb8: {  	s31 =	sshll.u32 s1, $0xD;
	s1 =	sshrl.u32 s1, $0x2  }
0xb9: {  	s3 =	sand.u32 $0x4000, s31;
	s1 =	sadd.s32 s1, s30  }
0xba: {  	s0 =	sor.u32 s3, s0;
	s1 =	sshll.u32 s1, $0x11  }
0xbb: {  	s0 =	sor.u32 s1, s0  }
0xbc: {  	s0 =	sadd.s32 $0x8F2B, s0  }
0xbd: {  	[sflag:s0] =	ssyncadd.remote.s32 $0x1  }
0xbe: {  	_ =	sfence.sel $0xFFFF  }
0xbf: {  	[dreg:$0x0] =	wrdreg $0xFFFFFFFF;
	(pc) =	sbr.abs _section_cstart, $3  }
0xc0: {  	[dreg:$0x1] =	wrdreg $0xFFFFFFFF  }
0xc1: {  	_ =	task.clear_ibuf [dreg:s7], $0x2FFFF;
	_ =	strace $0x9FFFFFFF  }
0xc2: {  	(tm) =	ssettm $0x7FFFFFFF  }
0xc3: {  	_ =	shalt  }
tec
execute0_lowered:
.L_overlay_start_1:
0x0: {  	(tag) =	ssettag $0x1  }
0x1: {  	s0 =	srdreg.scid;
	s5 =	rddreg [dreg:$0x0]  }
0x2: {  	s2 =	rddreg [dreg:$0x1];
	s1 =	stileid.u32  }
0x3: {  	s3 =	simm.s32 $0x0;
	s10 =	simm.s32 $0x80;
	s7 =	sand.u32 $0x1, s0  }
0x4: {  	s11 =	simm.s32 $0x0;
	s0 =	rddreg [dreg:$0x2];
	s4 =	sshll.u32 s7, $0x4  }
0x5: {  	[smem:$0x7FF] =	sst s3;
	s8 =	sadd.s32 $0x2000, s5;
	s4 =	sor.u32 s1, s4  }
0x6: {  	s5 =	sadd.s32 $0x22200, s5;
	_ =	strace $0x80000047;
	s6 =	smul.u32 $0x7, s4  }
0x7: {  	p0 =	seq.s32 s7, $0x0;
	[dreg:$0x3] =	wrdreg s8;
	s29 =	ssub.s32 $0x2, s7  }
0x8: {  	[dreg:$0x5] =	wrdreg s5;
	s9 =	sshll.u32 s4, $0x3;
	s4 =	sadd.s32 $0x10, s6  }
0x9: {  	s5 =	ssub.s32 $0x8, s7;
	s7 =	sxor.u32 $0x7, s7;
	s4 =	smov.u32 @p0 s9  }
0xa: {  	[dreg:$0x4] =	wrdreg s10;
	s30 =	sshrl.u32 s29, $0x1;
	s9 =	sshll.u32 s4, $0x4  }
0xb: {  	s10 =	simm.s32 $0x5;
	s8 =	ssub.s32 s29, s30;
	s31 =	sand.u32 $0x1FFFFFF0, s9  }
0xc: {  	s8 =	smax.u32 s8, $0x1;
	s9 =	simm.s32 $0x1;
	s6 =	sadd.s32 s2, s31  }
.LBB2_1:
0xd: {  	_ =	strace $0x80000048;
	p2 =	sne.s32 s5, $0x1  }
.Ltmp0:
0xe: {  	p0 =	seq.s32 s5, $0x1;
	s13 =	simm.s32 $0x1;
	(pc) =	sbr.rel @!p2 .LBB2_2-.Ltmp0, $4  }
0xf: {  	[tilespmem:s3], [sflag:$0x1] =	stream.linear.gather [hbm4b:s6+s3], $0x80, $0x200038;
	[tilespmem:$0x8100] =	vst v63  }
0x10: {  	s12 =	simm.s32 $0x1;
	p1 =	por $0x1, $0x1;
	s13 =	simm.s32 @p0 $0x0  }
0x11: {  	p6 =	sgt.u32 s7, $0x0;
	p4 =	por p1, p1;
	p3 =	sne.s32 s13, $0x0  }
0x12: {  	_ =	strace $0x90000048;
	p5 =	por !p6, !p3;
	p6 =	por $0x0, $0x0  }
0x13: {  	p2 =	por !p5, !p5  }
0x14: {  	s21 =	sand.u32 $0x1, s3;
	s19 =	simm.s32 $0x2;
	s14 =	sadd.s32 @p2 s4, s13  }
0x15: {  	p1 =	por p3, p3;
	s15 =	sand.u32 @p2 $0x1, s9;
	s14 =	sshll.u32 @p2 s14, $0x4  }
0x16: {  	_ =	strace @p2 $0x80000049;
	s17 =	simm.s32 @p2 $0x0;
	s14 =	sand.u32 @p2 $0x1FFFFFF0, s14  }
0x17: {  	s16 =	sshll.u32 @p2 s15, $0x7;
	s15 =	sadd.s32 @p2 $0x1, s15;
	s14 =	sadd.s32 @p2 s2, s14  }
0x18: {  	[tilespmem:s16], [sflag:s15] =	stream.linear.gather @p2 [hbm4b:s14+s17], $0x80, $0x200038;
	[tilespmem:$0x8100] =	vst v63  }
0x19: {  	s30 =	simm.s32 $0x0;
	p6 =	por $0x0, $0x0;
	_ =	strace @p2 $0x90000049  }
0x1a: {  	p0 =	sne.s32 s5, $0x2;
	s29 =	sadd.s32 $0x1, s21;
	_ =	strace $0x8000004A  }
0x1b: {  	s24 =	sadd.s32 $0x0, s4;
	p5 =	sgt.u32 s7, $0x1;
	_ =	swait.ge [sflag:s29], $0x80  }
0x1c: {  	s23 =	simm.s32 $0x1;
	s22 =	sshll.u32 s21, $0xE;
	[sflag:s29] =	ssyncset.done $0x0  }
0x1d: {  	s22 =	sor.u32 $0x100, s22;
	s16 =	sand.u32 @!p4 $0x1, s3;
	[sflag:s29] =	ssyncadd.s32 $0xFFFFFF80  }
0x1e: {  	s15 =	simm.s32 $0x1;
	s17 =	sadd.s32 $0x1, s13;
	_ =	strace $0x9000004A  }
0x1f: {  	s14 =	sand.u32 $0x80, s30;
	s15 =	simm.s32 @!p2 $0x0;
	_ =	strace $0x8000004B  }
0x20: {  	p2 =	por p4, p4;
	p4 =	por p6, p6;
	s20 =	rddreg [dreg:$0x4]  }
0x21: {  	p3 =	seq.s32 s17, s5;
	p6 =	seq.s32 s7, $0x0;
	s31 =	rddreg [dreg:$0x3]  }
0x22: {  	[tilespmem:s22], [sflag:$0x5] =	stream.indirect.gather [hbm4b:s31+s20], $0x80, s14, s20, $0x2000b8;
	[tilespmem:$0x8100] =	vst v63  }
.Ltmp1:
0x23: {  	s18 =	sadd.s32 $0x1, s15;
	s17 =	simm.s32 @p3 $0x0;
	(pc) =	sbr.rel @!p0 .LBB2_4-.Ltmp1, $4  }
0x24: {  	p1 =	por p6, p1;
	p6 =	por $0x0, $0x0;
	_ =	swait.ge [sflag:s10], $0x4000  }
0x25: {  	s15 =	simm.s32 $0x0;
	p3 =	sne.s32 s13, s17;
	[sflag:s10] =	ssyncset.done $0x0  }
0x26: {  	s23 =	simm.s32 @!p6 $0x0;
	p5 =	por !p5, !p3;
	[sflag:s10] =	ssyncadd.s32 $0xFFFFC000  }
0x27: {  	s14 =	simm.s32 $0x0;
	s20 =	simm.s32 $0x0;
	_ =	strace $0x9000004B  }
.LBB2_5:
0x28: {  	_ =	strace @p1 $0x8000004C;
	s14 =	sadd.s32 s23, s14;
	s23 =	smov.u32 s12  }
0x29: {  	s12 =	smov.u32 s19;
	s19 =	sadd.s32 $0x1, s19;
	p0 =	por p3, p3  }
0x2a: {  	s29 =	sshll.u32 @p1 s24, $0xB;
	s21 =	sadd.s32 @p1 $0x3, s21;
	s25 =	simm.s32 @!p0 $0x0  }
0x2b: {  	s26 =	rddreg [dreg:$0x5];
	s29 =	sand.u32 @p1 $0x1FFFF800, s29;
	s25 =	simm.s32 @p0 $0x1  }
0x2c: {  	s26 =	sadd.s32 @p1 s26, s29;
	s29 =	simm.s32 @p1 $0x0;
	p0 =	sne.s32 s5, s19  }
0x2d: {  	[hbm4b:s26+s29] =	stream.linear.scatter @p1 [tilespmem:s22], [sflag:s21], $0x4000, $0x200038;
	[tilespmem:$0x8100] =	vst v63  }
0x2e: {  	s21 =	sadd.s32 @!p2 $0x3, s16;
	s16 =	simm.s32 @!p0 $0x0  }
0x2f: {  	s28 =	simm.s32 $0x1;
	[smem:$0x7FC] =	sst s25;
	s16 =	simm.s32 @p0 $0x1  }
0x30: {  	s28 =	simm.s32 @!p1 $0x0;
	_ =	strace @p1 $0x9000004C;
	[smem:$0x7FD] =	sst s16  }
0x31: {  	s20 =	sadd.s32 s28, s20;
	s25 =	sand.u32 @!p4 $0x1, s14;
	_ =	strace @!p2 $0x8000004D  }
0x32: {  	p1 =	por !p5, !p5;
	s16 =	smov.u32 s25;
	_ =	swait.ge @!p2 [sflag:s21], $0x4000  }
0x33: {  	s22 =	sand.u32 @p1 $0x1, s18;
	s25 =	sadd.s32 @p1 s4, s17;
	[sflag:s21] =	ssyncset.done @!p2 $0x0  }
0x34: {  	s26 =	sshll.u32 @p1 s22, $0x7;
	s25 =	sshll.u32 @p1 s25, $0x4;
	[sflag:s21] =	ssyncadd.s32 @!p2 $0xFFFFC000  }
0x35: {  	s21 =	sadd.s32 @p1 $0x1, s22;
	s22 =	sand.u32 @p1 $0x1FFFFFF0, s25;
	_ =	strace @!p2 $0x9000004D  }
0x36: {  	s25 =	simm.s32 @p1 $0x0;
	s22 =	sadd.s32 @p1 s2, s22;
	_ =	strace @p1 $0x80000049  }
0x37: {  	[tilespmem:s26], [sflag:s21] =	stream.linear.gather @p1 [hbm4b:s22+s25], $0x80, $0x200038;
	[tilespmem:$0x8100] =	vst v63  }
0x38: {  	s15 =	sadd.s32 s28, s15;
	s28 =	sand.u32 $0x1, s20;
	_ =	strace @p1 $0x90000049  }
0x39: {  	s28 =	sadd.s32 $0x1, s28;
	_ =	strace $0x8000004A  }
0x3a: {  	_ =	swait.ge [sflag:s28], $0x80  }
0x3b: {  	[sflag:s28] =	ssyncset.done $0x0  }
0x3c: {  	s21 =	simm.s32 $0x1;
	[sflag:s28] =	ssyncadd.s32 $0xFFFFFF80  }
0x3d: {  	s21 =	simm.s32 @!p1 $0x0;
	_ =	strace $0x9000004A  }
0x3e: {  	s18 =	sadd.s32 s21, s18;
	s21 =	sand.u32 $0x1, s15;
	_ =	strace $0x8000004B  }
0x3f: {  	s31 =	sshll.u32 s20, $0x7;
	s29 =	sshll.u32 s21, $0xE;
	s25 =	rddreg [dreg:$0x4]  }
0x40: {  	s31 =	sand.u32 $0x80, s31;
	s22 =	sor.u32 $0x100, s29;
	s26 =	rddreg [dreg:$0x3]  }
0x41: {  	[tilespmem:s22], [sflag:$0x5] =	stream.indirect.gather [hbm4b:s26+s25], $0x80, s31, s25, $0x2000b8;
	[tilespmem:$0x8100] =	vst v63  }
0x42: {  	_ =	swait.ge [sflag:s10], $0x4000  }
0x43: {  	[sflag:s10] =	ssyncset.done $0x0  }
0x44: {  	[sflag:s10] =	ssyncadd.s32 $0xFFFFC000  }
0x45: {  	s30 =	sadd.s32 $0x1, s17;
	_ =	strace $0x9000004B  }
0x46: {  	s24 =	sadd.s32 s4, s13;
	s13 =	smov.u32 s17;
	s31 =	sld [smem:$0x7FD]  }
0x47: {  	p0 =	sne.s32 s23, $0x0;
	s17 =	smov.u32 s30;
	p1 =	seq.s32 s30, s5  }
0x48: {  	s17 =	simm.s32 @p1 $0x0;
	p1 =	seq.s32 s7, s23;
	s23 =	simm.s32 $0x1  }
0x49: {  	s23 =	simm.s32 @!p0 $0x0;
	p0 =	seq.s32 s31, $0x1  }
.Ltmp2:
0x4a: {  	s30 =	sld [smem:$0x7FC];
	(pc) =	sbr.rel @p0 .LBB2_5-.Ltmp2, $4  }
0x4b: {  	p3 =	seq.s32 s12, $0x0  }
0x4c: {  	p6 =	por p3, p3;
	p5 =	slt.u32 s12, s7  }
0x4d: {  	p2 =	por p4, p4;
	p3 =	sne.s32 s13, s17;
	p4 =	seq.s32 s30, $0x1  }
0x4e: {  	p5 =	por !p5, !p3;
	p1 =	por p1, p4;
	p4 =	por p6, p6  }
0x4f: {  	p6 =	por $0x1, $0x1  }
.LBB2_7:
0x50: {  	p0 =	por !p1, !p6  }
0x51: {  	s25 =	simm.s32 $0x1;
	_ =	strace @!p0 $0x8000004C;
	s24 =	sshll.u32 @!p0 s24, $0xB  }
0x52: {  	p2 =	por p2, !p6;
	s19 =	rddreg [dreg:$0x5];
	s24 =	sand.u32 @!p0 $0x1FFFF800, s24  }
0x53: {  	s21 =	sadd.s32 @!p0 $0x3, s21;
	s19 =	sadd.s32 @!p0 s19, s24;
	s24 =	simm.s32 @!p0 $0x0  }
0x54: {  	[hbm4b:s19+s24] =	stream.linear.scatter @!p0 [tilespmem:s22], [sflag:s21], $0x4000, $0x200038;
	[tilespmem:$0x8100] =	vst v63  }
0x55: {  	p1 =	por !p5, !p5;
	s25 =	simm.s32 @p0 $0x0;
	_ =	strace @!p0 $0x9000004C  }
0x56: {  	s16 =	sadd.s32 @!p2 $0x3, s16;
	s17 =	sadd.s32 @p1 s4, s17;
	_ =	strace @!p2 $0x8000004D  }
0x57: {  	s18 =	sand.u32 @p1 $0x1, s18;
	s17 =	sshll.u32 @p1 s17, $0x4;
	_ =	swait.ge @!p2 [sflag:s16], $0x4000  }
0x58: {  	s17 =	sand.u32 @p1 $0x1FFFFFF0, s17;
	s19 =	sadd.s32 @p6 s25, s20;
	[sflag:s16] =	ssyncset.done @!p2 $0x0  }
0x59: {  	s20 =	simm.s32 $0x0;
	s17 =	sadd.s32 @p1 s2, s17;
	[sflag:s16] =	ssyncadd.s32 @!p2 $0xFFFFC000  }
0x5a: {  	s20 =	smov.u32 @p6 s19;
	s19 =	sshll.u32 @p1 s18, $0x7;
	_ =	strace @!p2 $0x9000004D  }
0x5b: {  	s16 =	sadd.s32 @p1 $0x1, s18;
	s18 =	simm.s32 @p1 $0x0;
	_ =	strace @p1 $0x80000049  }
0x5c: {  	[tilespmem:s19], [sflag:s16] =	stream.linear.gather @p1 [hbm4b:s17+s18], $0x80, $0x200038;
	[tilespmem:$0x8100] =	vst v63  }
0x5d: {  	s26 =	sand.u32 $0x1, s20;
	_ =	strace @p1 $0x90000049  }
0x5e: {  	s16 =	sadd.s32 $0x1, s26;
	_ =	strace $0x8000004A  }
0x5f: {  	_ =	swait.ge [sflag:s16], $0x80  }
0x60: {  	[sflag:s16] =	ssyncset.done $0x0  }
0x61: {  	s15 =	sadd.s32 @p6 s25, s15;
	[sflag:s16] =	ssyncadd.s32 $0xFFFFFF80;
	s16 =	simm.s32 $0x0  }
0x62: {  	_ =	strace $0x9000004A;
	s16 =	smov.u32 @p6 s15  }
0x63: {  	_ =	strace $0x8000004B;
	s16 =	sand.u32 $0x1, s16  }
0x64: {  	s30 =	sshll.u32 s20, $0x7;
	s28 =	rddreg [dreg:$0x4];
	s31 =	sshll.u32 s16, $0xE  }
0x65: {  	s18 =	sand.u32 $0x80, s30;
	s29 =	rddreg [dreg:$0x3];
	s19 =	sor.u32 $0x100, s31  }
0x66: {  	[tilespmem:s19], [sflag:$0x5] =	stream.indirect.gather [hbm4b:s29+s28], $0x80, s18, s28, $0x2000b8;
	[tilespmem:$0x8100] =	vst v63  }
0x67: {  	_ =	swait.ge [sflag:s10], $0x4000  }
0x68: {  	p3 =	por p3, p3;
	[sflag:s10] =	ssyncset.done $0x0  }
0x69: {  	p5 =	seq.s32 s7, s12;
	s13 =	sadd.s32 s4, s13;
	[sflag:s10] =	ssyncadd.s32 $0xFFFFC000  }
0x6a: {  	s14 =	sadd.s32 @p6 s23, s14;
	p1 =	por p5, p3;
	_ =	strace $0x9000004B  }
0x6b: {  	s17 =	simm.s32 $0x0;
	s13 =	sshll.u32 @p1 s13, $0xB;
	_ =	strace @p1 $0x8000004C  }
0x6c: {  	s17 =	smov.u32 @p6 s14;
	s13 =	sand.u32 @p1 $0x1FFFF800, s13;
	s15 =	rddreg [dreg:$0x5]  }
0x6d: {  	s14 =	sadd.s32 @p1 $0x3, s16;
	s13 =	sadd.s32 @p1 s15, s13;
	s15 =	simm.s32 @p1 $0x0  }
0x6e: {  	[hbm4b:s13+s15] =	stream.linear.scatter @p1 [tilespmem:s19], [sflag:s14], $0x4000, $0x200038;
	[tilespmem:$0x8100] =	vst v63  }
0x6f: {  	p0 =	por p4, p4;
	s13 =	sand.u32 @!p4 $0x1, s17;
	_ =	strace @p1 $0x9000004C  }
0x70: {  	s13 =	sadd.s32 @!p0 $0x3, s13;
	_ =	strace @!p0 $0x8000004D  }
0x71: {  	p1 =	sne.s32 s12, $0x0;
	s12 =	simm.s32 $0x1;
	_ =	swait.ge @!p0 [sflag:s13], $0x4000  }
0x72: {  	s12 =	simm.s32 @!p1 $0x0;
	[sflag:s13] =	ssyncset.done @!p0 $0x0  }
0x73: {  	s11 =	sadd.s32 $0x1, s11;
	s12 =	sadd.s32 s12, s17;
	[sflag:s13] =	ssyncadd.s32 @!p0 $0xFFFFC000  }
0x74: {  	s12 =	sand.u32 $0x1, s12;
	_ =	strace @!p0 $0x9000004D;
	p0 =	sne.s32 s11, s8  }
.Ltmp3:
0x75: {  	s12 =	sadd.s32 $0x3, s12;
	_ =	strace $0x8000004E;
	(pc) =	sbr.rel @p0 .LBB2_1-.Ltmp3, $4  }
.Ltmp4:
0x76: {  	_ =	swait.ge [sflag:s12], $0x4000;
	(pc) =	sbr.rel @!p0 .LBB2_8-.Ltmp4, $4  }
0x77: {  	[sflag:s12] =	ssyncset.done $0x0  }
0x78: {  	[sflag:s12] =	ssyncadd.s32 $0xFFFFC000  }
0x79: {  	_ =	strace $0x9000004E  }
0x7a: {  	_ = 	snop  }
.LBB2_2:
.Ltmp5:
0x7b: {  	(pc) =	sbr.rel .LBB2_7-.Ltmp5, $4  }
0x7c: {  	_ = 	snop  }
0x7d: {  	s14 =	simm.s32 $0x0  }
0x7e: {  	s12 =	simm.s32 $0x0;
	s15 =	simm.s32 $0x0;
	s17 =	smov.u32 s13  }
0x7f: {  	s20 =	simm.s32 $0x0;
	s18 =	simm.s32 $0x1;
	s13 =	simm.s32 $0x0  }
.LBB2_4:
.Ltmp6:
0x80: {  	(pc) =	sbr.rel .LBB2_7-.Ltmp6, $3  }
0x81: {  	_ =	sdelay $0x1  }
0x82: {  	s14 =	simm.s32 $0x0  }
0x83: {  	s15 =	simm.s32 $0x0;
	s20 =	simm.s32 $0x0;
	p6 =	por $0x1, $0x1  }
.LBB2_8:
0x84: {  	_ =	sfence.sel $0x180000  }
0x85: {  	[bflag:$0x0] =	sbarrier.arrive $0xFFFF  }
0x86: {  	p0 =	sne.s32 s1, $0x0;
	_ =	strace $0x90000047  }
0x87: {  	s0 =	sadd.s32 @!p0 $0x100000, s0;
	[bflag:$0x2] =	sbarrier.arrive $0xFFFF  }
0x88: {  	[sflag:s0] =	ssyncadd.tile.s32 @!p0 $0x1;
	_ =	shalt  }
.Lfunc_end2:
_tile_overlayer_lowered:
.L_overlay_start_2:
0x89: {  	(tag) =	ssettag $0x2  }
0x8a: {  	s0 =	rddreg [dreg:$0x0];
	s2 =	stileid.u32  }
0x8b: {  	s1 =	rddreg [dreg:$0x1];
	p0 =	sne.s32 s2, $0x0  }
0x8c: {  	s3 =	rddreg [dreg:$0x2];
	[bflag:$0x3] =	sbarrier.arrive $0xFFFF;
	s2 =	simm.s32 @!p0 $0x1C01  }
0x8d: {  	[timem:s3], [sflag:s2] =	dma.local @!p0 [hbm:s0], s1  }
0x8e: {  	s0 =	simm.s32 @!p0 $0x1  }
0x8f: {  	_ =	swait.ge @!p0 [sflag:s0], s1  }
0x90: {  	s1 =	ssub.s32 @!p0 $0x0, s1;
	[sflag:s0] =	ssyncset.done @!p0 $0x0  }
0x91: {  	[sflag:s0] =	ssyncadd.s32 @!p0 s1  }
0x92: {  	[bflag:$0x3] =	sbarrier.arrive $0xFFFF  }
0x93: {  	_ =	shalt  }

</sc_bundles>
